<compile_context>
chip_gen: v7x
topology: tpu7x:2x2x1
jax: 0.10.2.dev20260603
libtpu: 0.0.44.dev20260713+nightly
codegen_flags: <defaults>
</compile_context>

<pallas_src>
import jax
import jax.numpy as jnp
from jax import lax
from jax.experimental import pallas as pl
from jax.experimental.pallas import tpu as pltpu
from jax.experimental.pallas import tpu_sc as plsc

_B, _C, _N, _K = 8, 16, 65536, 10
_NC, _NS = 2, 16
_NW = _NC * _NS
_P = 128
_NPW = _N // _NW
_NB = _NPW // _P
_TOT = _B * _NB
_L = 16


def _sigmoid(x):
    return 1.0 / (1.0 + jnp.exp(-x))


def _full(v):
    return jnp.full((_L,), v, jnp.int32)


def _bf16(x):
    b = jax.lax.bitcast_convert_type(x, jnp.int32)
    r = b + 0x7FFF + (jax.lax.shift_right_logical(b, 16) & 1)
    return jax.lax.bitcast_convert_type(
        r & jnp.int32(-65536), jnp.float32)


_GDN = jax.lax.GatherDimensionNumbers(
    offset_dims=(), collapsed_slice_dims=(0,), start_index_map=(0,))


def _bcast(vec, c):
    return jax.lax.gather(
        vec, _full(c)[:, None], dimension_numbers=_GDN, slice_sizes=(1,),
        mode=jax.lax.GatherScatterMode.PROMISE_IN_BOUNDS)


def _body(samp_hbm, orig_hbm, par_hbm, out_hbm,
          sbuf, obuf, outbuf, ubuf, wbuf, dbuf, rdbuf, pbuf, dsem):
    wid = lax.axis_index("s") * _NC + lax.axis_index("c")

    pltpu.sync_copy(par_hbm, pbuf)


    def slab(t):
        b = t >> 4
        n0 = wid * _NPW + (t & 15) * _P
        return samp_hbm.at[b, :, pl.ds(n0 * _K, _P * _K)]

    def batch(b, carry):
        nb0 = wid * _NPW
        pltpu.sync_copy(orig_hbm.at[b, :, pl.ds(nb0, _NPW)], obuf)

        def phase_a2(i, c2):
            base = i * _L
            wlo_v = _bf16(pbuf[0:16])
            rlo_v = pbuf[32:48]
            dp = [jnp.zeros((_L,), jnp.float32) for _ in range(4)]
            rp = [jnp.zeros((_L,), jnp.float32) for _ in range(4)]
            for c in range(_C):
                ov = obuf[c, pl.ds(base, _L)]
                dp[c % 4] = dp[c % 4] + _bcast(wlo_v, c) * _bf16(ov)
                rp[c % 4] = rp[c % 4] + _bcast(rlo_v, c) * ov
            dbuf[pl.ds(base, _L)] = (dp[0] + dp[1]) + (dp[2] + dp[3])
            rdbuf[pl.ds(base, _L)] = (rp[0] + rp[1]) + (rp[2] + rp[3])
            return c2

        lax.fori_loop(0, _NPW // _L, phase_a2, 0)

        block_body(b)

        pltpu.sync_copy(outbuf, out_hbm.at[b, :, pl.ds(nb0, _NPW)])
        return carry

    def block_body(b):
        def block(j, c2):
            t = b * _NB + j
            par = t & 1
            off = j * _P
            pltpu.make_async_copy(slab(t), sbuf.at[par],
                                  dsem.at[par]).wait()

            @pl.when(t + 1 < _TOT)
            def _():
                pltpu.async_copy(slab(t + 1), sbuf.at[1 - par],
                                 dsem.at[1 - par])

            compute_block(par, off)
            return c2

        lax.fori_loop(0, _NB, block, 0)

    def compute_block(par, off):
        def phase_a(j, c2):
            base = j * _L
            whi_v = _bf16(pbuf[16:32])
            rhi_v = pbuf[48:64]
            up = [jnp.zeros((_L,), jnp.float32) for _ in range(4)]
            wp = [jnp.zeros((_L,), jnp.float32) for _ in range(4)]
            for c in range(_C):
                v = sbuf[par, c, pl.ds(base, _L)]
                up[c % 4] = up[c % 4] + _bcast(whi_v, c) * _bf16(v)
                wp[c % 4] = wp[c % 4] + _bcast(rhi_v, c) * v
            ubuf[pl.ds(base, _L)] = (up[0] + up[1]) + (up[2] + up[3])
            wbuf[pl.ds(base, _L)] = (wp[0] + wp[1]) + (wp[2] + wp[3])
            return c2

        lax.fori_loop(0, _P * _K // _L, phase_a, 0)

        def phase_bc(i, c2):
            p16 = i * _L
            pg = off + p16
            rb = plsc.load_gather(pbuf, [_full(65)])
            d = dbuf[pl.ds(pg, _L)]
            rd = rdbuf[pl.ds(pg, _L)]
            gidx = (lax.iota(jnp.int32, _L) + p16) * _K
            s = []
            g = []
            for k in range(_K):
                uk = plsc.load_gather(ubuf, [gidx + k])
                wk = plsc.load_gather(wbuf, [gidx + k])
                s.append(uk + d)
                g.append(_sigmoid(wk + rd + rb))
            rank = [jnp.zeros((_L,), jnp.float32) for _ in range(_K)]
            one = jnp.ones((_L,), jnp.float32)
            for k in range(_K):
                for j in range(k):
                    cf = jnp.where(s[j] >= s[k], 1.0, 0.0)
                    rank[k] = rank[k] + cf
                    rank[j] = rank[j] + (one - cf)
            sel_idx = []
            sel_g = []
            for r in range(4):
                ivec = jnp.zeros((_L,), jnp.float32)
                gvec = jnp.zeros((_L,), jnp.float32)
                for k in range(_K):
                    m = rank[k] == float(r)
                    ivec = ivec + jnp.where(m, float(k), 0.0)
                    gvec = gvec + jnp.where(m, g[k], 0.0)
                sel_idx.append(gidx + ivec.astype(jnp.int32))
                sel_g.append(gvec)

            def chan(c, c3):
                cvec = _full(0) + c
                pvec = _full(0) + par
                svs = [plsc.load_gather(sbuf, [pvec, cvec, sel_idx[r]])
                       for r in range(4)]
                acc = ((sel_g[0] * svs[0] + sel_g[1] * svs[1]) +
                       (sel_g[2] * svs[2] + sel_g[3] * svs[3]) +
                       obuf[c, pl.ds(pg, _L)])
                outbuf[c, pl.ds(pg, _L)] = acc
                return c3

            lax.fori_loop(0, _C, chan, 0)
            return c2

        lax.fori_loop(0, _P // _L, phase_bc, 0)

    pltpu.async_copy(slab(0), sbuf.at[0], dsem.at[0])
    lax.fori_loop(0, _B, batch, 0)


@jax.jit
def _run(samp_flat, orig, params):
    mesh = plsc.VectorSubcoreMesh(
        core_axis_name="c", subcore_axis_name="s",
        num_cores=_NC, num_subcores=_NS)
    return pl.kernel(
        _body,
        out_type=jax.ShapeDtypeStruct((_B, _C, _N), jnp.float32),
        mesh=mesh,
        compiler_params=pltpu.CompilerParams(needs_layout_passes=False),
        scratch_types=[
            pltpu.VMEM((2, _C, _P * _K), jnp.float32),
            pltpu.VMEM((_C, _NPW), jnp.float32),
            pltpu.VMEM((_C, _NPW), jnp.float32),
            pltpu.VMEM((_P * _K,), jnp.float32),
            pltpu.VMEM((_P * _K,), jnp.float32),
            pltpu.VMEM((_NPW,), jnp.float32),
            pltpu.VMEM((_NPW,), jnp.float32),
            pltpu.VMEM((80,), jnp.float32),
            pltpu.SemaphoreType.DMA((2,)),
        ],
    )(samp_flat, orig, params)


def kernel(original_features, sampled_features, conv_w, conv_b,
           rconv_w, rconv_b):
    samp_flat = sampled_features.reshape(_B, _C, _N * _K)
    params = jnp.concatenate([
        conv_w[0], rconv_w[0], conv_b, rconv_b,
        jnp.zeros((14,), jnp.float32)])
    return _run(samp_flat, original_features, params)

# --- scband reference (transcript-rebuilt; emitter-appended) ---
"""Pipeline reference for scband-similarity-weight-generator-57415122812955 (READ-ONLY COPY).

The authoritative reference and input builder live on the scoring server;
editing this copy changes nothing except your own understanding.
"""

import jax, jax.numpy as jnp
import numpy as np

B, C, N, K = 8, 16, 65536, 10

def setup_inputs(seed: int = 0) -> dict:
    key = jax.random.key(seed)
    k1, k2, k3, k4 = jax.random.split(key, 4)
    return {
        "original_features": jax.random.normal(k1, (B, C, N), dtype=jnp.float32),
        "sampled_features": jax.random.normal(k2, (B, C, N, K), dtype=jnp.float32),
        "conv_w": jax.random.normal(k3, (1, 2 * C), dtype=jnp.float32) * 0.1,
        "conv_b": jnp.zeros((1,), dtype=jnp.float32),
        "rconv_w": jax.random.normal(k4, (1, 2 * C), dtype=jnp.float32) * 0.1,
        "rconv_b": jnp.zeros((1,), dtype=jnp.float32),
    }

def _conv1x1(x, w, b):
    # x: [B, Cin, N, K']; w: [1, Cin]; b: [1] -> [B, 1, N, K']
    return jnp.einsum('bcnk,oc->bonk', x, w) + b[None, :, None, None]

def reference(original_features, sampled_features, conv_w, conv_b, rconv_w, rconv_b):
    # repeated_features = original.unsqueeze(-1).repeat(1,1,1,10)
    repeated = jnp.repeat(original_features[..., None], K, axis=-1)  # [B,C,N,K]
    concatenated = jnp.concatenate([repeated, sampled_features], axis=1)  # [B,2C,N,K]
    similarity_weights = jax.nn.sigmoid(_conv1x1(concatenated, conv_w, conv_b))  # [B,1,N,K]
    topk_values, topk_indices = jax.lax.top_k(similarity_weights, 4)  # [B,1,N,4]
    idx = jnp.broadcast_to(topk_indices, (B, C, N, 4))
    topk_features = jnp.take_along_axis(sampled_features, idx, axis=-1)  # [B,C,N,4]
    original_expanded = jnp.broadcast_to(original_features[..., None], (B, C, N, 4))
    concatenated2 = jnp.concatenate([original_expanded, topk_features], axis=1)  # [B,2C,N,4]
    recalculated = jax.nn.sigmoid(_conv1x1(concatenated2, rconv_w, rconv_b))  # [B,1,N,4]
    weighted = topk_features * recalculated
    summed = weighted.sum(axis=-1)  # [B,C,N]
    return original_features + summed

if __name__ == "__main__":
    import jax
    _d = setup_inputs()
    print(jax.jit(kernel)(*tuple(_d.values())))

</pallas_src>

<mosaic_0001>
#map = affine_map<(d0, d1) -> (0, 0, 0)>
#map1 = affine_map<(d0, d1) -> (0)>
module attributes {stable_mosaic.version = 14 : i64} {
  func.func @_body(%arg0: i32, %arg1: i32, %arg2: memref<8x16x655360xf32, #tpu.memory_space<hbm>>, %arg3: memref<8x16x65536xf32, #tpu.memory_space<hbm>>, %arg4: memref<80xf32, #tpu.memory_space<hbm>>, %arg5: memref<8x16x65536xf32, #tpu.memory_space<hbm>>, %arg6: memref<2x16x1280xf32, #tpu.memory_space<vmem>>, %arg7: memref<16x2048xf32, #tpu.memory_space<vmem>>, %arg8: memref<16x2048xf32, #tpu.memory_space<vmem>>, %arg9: memref<1280xf32, #tpu.memory_space<vmem>>, %arg10: memref<1280xf32, #tpu.memory_space<vmem>>, %arg11: memref<2048xf32, #tpu.memory_space<vmem>>, %arg12: memref<2048xf32, #tpu.memory_space<vmem>>, %arg13: memref<80xf32, #tpu.memory_space<vmem>>, %arg14: memref<2x!tpu.dma_semaphore, #tpu.memory_space<semaphore_mem>>) attributes {dimension_semantics = [#tpu.dimension_semantics<core_parallel>, #tpu.dimension_semantics<subcore_parallel>], iteration_bounds = array<i64: 2, 16>, scalar_prefetch = 0 : i64, scratch_operands = 9 : i64, tpu.core_type = #tpu.core_type<sc_vector_subcore>, window_params = [{transform_indices = #map}, {transform_indices = #map}, {transform_indices = #map1}, {transform_indices = #map}]} {
    %mul3A = arith.constant 2 : i32
    %mul3A_0 = arith.muli %arg1, %mul3A : i32
    %add3A = arith.addi %mul3A_0, %arg0 : i32
    "tpu.region"() ({
      %run_scoped3A = tpu.sem_alloc : memref<!tpu.dma_semaphore, #tpu.memory_space<semaphore_mem>>
      tpu.enqueue_dma source(%arg4 : memref<80xf32, #tpu.memory_space<hbm>>) target(%arg13 : memref<80xf32, #tpu.memory_space<vmem>>) target_semaphore(%run_scoped3A : memref<!tpu.dma_semaphore, #tpu.memory_space<semaphore_mem>>)
      tpu.wait_dma2 semaphore(%run_scoped3A : memref<!tpu.dma_semaphore, #tpu.memory_space<semaphore_mem>>) src(%arg4 : memref<80xf32, #tpu.memory_space<hbm>>) dst(%arg13 : memref<80xf32, #tpu.memory_space<vmem>>)
      tpu.yield
    }) : () -> ()
    %mul3A_1 = arith.constant 2048 : i32
    %mul3A_2 = arith.muli %add3A, %mul3A_1 : i32
    %add3A_3 = arith.constant 0 : i32
    %add3A_4 = arith.addi %mul3A_2, %add3A_3 : i32
    %mul3A_5 = arith.constant 10 : i32
    %mul3A_6 = arith.muli %add3A_4, %mul3A_5 : i32
    %dma_start3A = arith.constant 0 : i32
    %dma_start3A_7 = arith.constant 0 : i32
    %dma_start3A_8 = arith.constant 0 : i32
    %dma_start3A_9 = arith.constant 0 : i32
    %dma_start3A_10 = arith.constant 0 : i32
    %dma_start3A_11 = tpu.memref_slice %arg6[%dma_start3A_7, %dma_start3A_9, %dma_start3A_10] : memref<2x16x1280xf32, #tpu.memory_space<vmem>> -> memref<1x16x1280xf32, #tpu.memory_space<vmem>>
    %dma_start3A_12 = tpu.memref_squeeze %dma_start3A_11 : memref<1x16x1280xf32, #tpu.memory_space<vmem>> -> memref<16x1280xf32, #tpu.memory_space<vmem>>
    %dma_start3A_13 = arith.constant 0 : i32
    %dma_start3A_14 = tpu.memref_slice %arg2[%dma_start3A, %dma_start3A_13, %mul3A_6] : memref<8x16x655360xf32, #tpu.memory_space<hbm>> -> memref<1x16x1280xf32, #tpu.memory_space<hbm>>
    %dma_start3A_15 = tpu.memref_squeeze %dma_start3A_14 : memref<1x16x1280xf32, #tpu.memory_space<hbm>> -> memref<16x1280xf32, #tpu.memory_space<hbm>>
    %dma_start3A_16 = tpu.memref_slice %arg14[%dma_start3A_8] : memref<2x!tpu.dma_semaphore, #tpu.memory_space<semaphore_mem>> -> memref<1x!tpu.dma_semaphore, #tpu.memory_space<semaphore_mem>>
    %dma_start3A_17 = tpu.memref_squeeze %dma_start3A_16 : memref<1x!tpu.dma_semaphore, #tpu.memory_space<semaphore_mem>> -> memref<!tpu.dma_semaphore, #tpu.memory_space<semaphore_mem>>
    %dma_start3A_18 = arith.constant 0 : i32
    %dma_start3A_19 = arith.constant 0 : i32
    %dma_start3A_20 = tpu.memref_slice %arg6[%dma_start3A_7, %dma_start3A_18, %dma_start3A_19] : memref<2x16x1280xf32, #tpu.memory_space<vmem>> -> memref<1x16x1280xf32, #tpu.memory_space<vmem>>
    %dma_start3A_21 = tpu.memref_squeeze %dma_start3A_20 : memref<1x16x1280xf32, #tpu.memory_space<vmem>> -> memref<16x1280xf32, #tpu.memory_space<vmem>>
    %dma_start3A_22 = arith.constant 0 : i32
    %dma_start3A_23 = tpu.memref_slice %arg2[%dma_start3A, %dma_start3A_22, %mul3A_6] : memref<8x16x655360xf32, #tpu.memory_space<hbm>> -> memref<1x16x1280xf32, #tpu.memory_space<hbm>>
    %dma_start3A_24 = tpu.memref_squeeze %dma_start3A_23 : memref<1x16x1280xf32, #tpu.memory_space<hbm>> -> memref<16x1280xf32, #tpu.memory_space<hbm>>
    tpu.enqueue_dma source(%dma_start3A_24 : memref<16x1280xf32, #tpu.memory_space<hbm>>) target(%dma_start3A_21 : memref<16x1280xf32, #tpu.memory_space<vmem>>) target_semaphore(%dma_start3A_17 : memref<!tpu.dma_semaphore, #tpu.memory_space<semaphore_mem>>)
    %scan3A = arith.constant 0 : i32
    %scan3A_25 = arith.constant 0 : i32
    %scan3A_26 = arith.constant 8 : i32
    %scan3A_27 = arith.addi %scan3A_25, %scan3A_26 : i32
    %scan3A_28 = arith.constant 1 : i32
    scf.for %scan3A_30 = %scan3A_25 to %scan3A_27 step %scan3A_28  : i32 {
      %mul3A_31 = arith.constant 2048 : i32
      %mul3A_32 = arith.muli %add3A, %mul3A_31 : i32
      "tpu.region"() ({
        %run_scoped3A = tpu.sem_alloc : memref<!tpu.dma_semaphore, #tpu.memory_space<semaphore_mem>>
        %dma_start3A_45 = arith.constant 0 : i32
        %dma_start3A_46 = tpu.memref_slice %arg3[%scan3A_30, %dma_start3A_45, %mul3A_32] : memref<8x16x65536xf32, #tpu.memory_space<hbm>> -> memref<1x16x2048xf32, #tpu.memory_space<hbm>>
        %dma_start3A_47 = tpu.memref_squeeze %dma_start3A_46 : memref<1x16x2048xf32, #tpu.memory_space<hbm>> -> memref<16x2048xf32, #tpu.memory_space<hbm>>
        %dma_start3A_48 = arith.constant 0 : i32
        %dma_start3A_49 = tpu.memref_slice %arg3[%scan3A_30, %dma_start3A_48, %mul3A_32] : memref<8x16x65536xf32, #tpu.memory_space<hbm>> -> memref<1x16x2048xf32, #tpu.memory_space<hbm>>
        %dma_start3A_50 = tpu.memref_squeeze %dma_start3A_49 : memref<1x16x2048xf32, #tpu.memory_space<hbm>> -> memref<16x2048xf32, #tpu.memory_space<hbm>>
        tpu.enqueue_dma source(%dma_start3A_50 : memref<16x2048xf32, #tpu.memory_space<hbm>>) target(%arg7 : memref<16x2048xf32, #tpu.memory_space<vmem>>) target_semaphore(%run_scoped3A : memref<!tpu.dma_semaphore, #tpu.memory_space<semaphore_mem>>)
        %dma_wait3A = arith.constant 0 : i32
        %dma_wait3A_51 = tpu.memref_slice %arg3[%scan3A_30, %dma_wait3A, %mul3A_32] : memref<8x16x65536xf32, #tpu.memory_space<hbm>> -> memref<1x16x2048xf32, #tpu.memory_space<hbm>>
        %dma_wait3A_52 = tpu.memref_squeeze %dma_wait3A_51 : memref<1x16x2048xf32, #tpu.memory_space<hbm>> -> memref<16x2048xf32, #tpu.memory_space<hbm>>
        %dma_wait3A_53 = arith.constant 0 : i32
        %dma_wait3A_54 = tpu.memref_slice %arg3[%scan3A_30, %dma_wait3A_53, %mul3A_32] : memref<8x16x65536xf32, #tpu.memory_space<hbm>> -> memref<1x16x2048xf32, #tpu.memory_space<hbm>>
        %dma_wait3A_55 = tpu.memref_squeeze %dma_wait3A_54 : memref<1x16x2048xf32, #tpu.memory_space<hbm>> -> memref<16x2048xf32, #tpu.memory_space<hbm>>
        tpu.wait_dma2 semaphore(%run_scoped3A : memref<!tpu.dma_semaphore, #tpu.memory_space<semaphore_mem>>) src(%dma_wait3A_55 : memref<16x2048xf32, #tpu.memory_space<hbm>>) dst(%arg7 : memref<16x2048xf32, #tpu.memory_space<vmem>>)
        tpu.yield
      }) : () -> ()
      %scan3A_33 = arith.constant 0 : i32
      %scan3A_34 = arith.constant 0 : i32
      %scan3A_35 = arith.constant 128 : i32
      %scan3A_36 = arith.addi %scan3A_34, %scan3A_35 : i32
      %scan3A_37 = arith.constant 1 : i32
      scf.for %scan3A_45 = %scan3A_34 to %scan3A_36 step %scan3A_37  : i32 {
        %mul3A_46 = arith.constant 16 : i32
        %mul3A_47 = arith.muli %scan3A_45, %mul3A_46 : i32
        %get3A = arith.constant 0 : index
        %get3A_48 = tpu.vector_load %arg13[%get3A] {strides = array<i32>} : memref<80xf32, #tpu.memory_space<vmem>>, vector<16xf32>,
        %bitcast_convert_type3A = tpu.bitcast %get3A_48 : vector<16xf32> -> vector<16xi32>
        %add3A_49 = arith.constant 32767 : i32
        %add3A_50 = vector.broadcast %add3A_49 : i32 to vector<16xi32>
        %add3A_51 = arith.addi %bitcast_convert_type3A, %add3A_50 : vector<16xi32>
        %shift_right_logical3A = arith.constant 16 : i32
        %shift_right_logical3A_52 = vector.broadcast %shift_right_logical3A : i32 to vector<16xi32>
        %shift_right_logical3A_53 = arith.shrui %bitcast_convert_type3A, %shift_right_logical3A_52 : vector<16xi32>
        %and3A = arith.constant 1 : i32
        %and3A_54 = vector.broadcast %and3A : i32 to vector<16xi32>
        %and3A_55 = arith.andi %shift_right_logical3A_53, %and3A_54 : vector<16xi32>
        %add3A_56 = arith.addi %add3A_51, %and3A_55 : vector<16xi32>
        %and3A_57 = arith.constant -65536 : i32
        %and3A_58 = vector.broadcast %and3A_57 : i32 to vector<16xi32>
        %and3A_59 = arith.andi %add3A_56, %and3A_58 : vector<16xi32>
        %bitcast_convert_type3A_60 = tpu.bitcast %and3A_59 : vector<16xi32> -> vector<16xf32>
        %get3A_61 = arith.constant 32 : index
        %get3A_62 = tpu.vector_load %arg13[%get3A_61] {strides = array<i32>} : memref<80xf32, #tpu.memory_space<vmem>>, vector<16xf32>,
        %broadcast_in_dim3A = arith.constant 0.000000e+00 : f32
        %broadcast_in_dim3A_63 = vector.broadcast %broadcast_in_dim3A : f32 to vector<16xf32>
        %broadcast_in_dim3A_64 = arith.constant 0.000000e+00 : f32
        %broadcast_in_dim3A_65 = vector.broadcast %broadcast_in_dim3A_64 : f32 to vector<16xf32>
        %broadcast_in_dim3A_66 = arith.constant 0.000000e+00 : f32
        %broadcast_in_dim3A_67 = vector.broadcast %broadcast_in_dim3A_66 : f32 to vector<16xf32>
        %broadcast_in_dim3A_68 = arith.constant 0.000000e+00 : f32
        %broadcast_in_dim3A_69 = vector.broadcast %broadcast_in_dim3A_68 : f32 to vector<16xf32>
        %broadcast_in_dim3A_70 = arith.constant 0.000000e+00 : f32
        %broadcast_in_dim3A_71 = vector.broadcast %broadcast_in_dim3A_70 : f32 to vector<16xf32>
        %broadcast_in_dim3A_72 = arith.constant 0.000000e+00 : f32
        %broadcast_in_dim3A_73 = vector.broadcast %broadcast_in_dim3A_72 : f32 to vector<16xf32>
        %broadcast_in_dim3A_74 = arith.constant 0.000000e+00 : f32
        %broadcast_in_dim3A_75 = vector.broadcast %broadcast_in_dim3A_74 : f32 to vector<16xf32>
        %broadcast_in_dim3A_76 = arith.constant 0.000000e+00 : f32
        %broadcast_in_dim3A_77 = vector.broadcast %broadcast_in_dim3A_76 : f32 to vector<16xf32>
        %get3A_78 = arith.constant 0 : i32
        %get3A_79 = arith.index_cast %get3A_78 : i32 to index
        %get3A_80 = arith.index_cast %mul3A_47 : i32 to index
        %get3A_81 = tpu.vector_load %arg7[%get3A_79, %get3A_80] {strides = array<i32>} : memref<16x2048xf32, #tpu.memory_space<vmem>>, vector<16xf32>,
        %broadcast_in_dim3A_82 = arith.constant 0 : i32
        %broadcast_in_dim3A_83 = vector.broadcast %broadcast_in_dim3A_82 : i32 to vector<16xi32>
        %broadcast_in_dim3A_84 = vector.shape_cast %broadcast_in_dim3A_83 : vector<16xi32> to vector<16x1xi32>
        %gather3A = vector.shape_cast %broadcast_in_dim3A_84 : vector<16x1xi32> to vector<16xi32>
        %gather3A_85 = tpu.dynamic_gather %bitcast_convert_type3A_60[%gather3A] in [0] : vector<16xf32>, vector<16xi32> -> vector<16xf32>
        %bitcast_convert_type3A_86 = tpu.bitcast %get3A_81 : vector<16xf32> -> vector<16xi32>
        %add3A_87 = arith.constant 32767 : i32
        %add3A_88 = vector.broadcast %add3A_87 : i32 to vector<16xi32>
        %add3A_89 = arith.addi %bitcast_convert_type3A_86, %add3A_88 : vector<16xi32>
        %shift_right_logical3A_90 = arith.constant 16 : i32
        %shift_right_logical3A_91 = vector.broadcast %shift_right_logical3A_90 : i32 to vector<16xi32>
        %shift_right_logical3A_92 = arith.shrui %bitcast_convert_type3A_86, %shift_right_logical3A_91 : vector<16xi32>
        %and3A_93 = arith.constant 1 : i32
        %and3A_94 = vector.broadcast %and3A_93 : i32 to vector<16xi32>
        %and3A_95 = arith.andi %shift_right_logical3A_92, %and3A_94 : vector<16xi32>
        %add3A_96 = arith.addi %add3A_89, %and3A_95 : vector<16xi32>
        %and3A_97 = arith.constant -65536 : i32
        %and3A_98 = vector.broadcast %and3A_97 : i32 to vector<16xi32>
        %and3A_99 = arith.andi %add3A_96, %and3A_98 : vector<16xi32>
        %bitcast_convert_type3A_100 = tpu.bitcast %and3A_99 : vector<16xi32> -> vector<16xf32>
        %mul3A_101 = arith.mulf %gather3A_85, %bitcast_convert_type3A_100 : vector<16xf32>
        %add3A_102 = arith.addf %broadcast_in_dim3A_63, %mul3A_101 : vector<16xf32>
        %broadcast_in_dim3A_103 = arith.constant 0 : i32
        %broadcast_in_dim3A_104 = vector.broadcast %broadcast_in_dim3A_103 : i32 to vector<16xi32>
        %broadcast_in_dim3A_105 = vector.shape_cast %broadcast_in_dim3A_104 : vector<16xi32> to vector<16x1xi32>
        %gather3A_106 = vector.shape_cast %broadcast_in_dim3A_105 : vector<16x1xi32> to vector<16xi32>
        %gather3A_107 = tpu.dynamic_gather %get3A_62[%gather3A_106] in [0] : vector<16xf32>, vector<16xi32> -> vector<16xf32>
        %mul3A_108 = arith.mulf %gather3A_107, %get3A_81 : vector<16xf32>
        %add3A_109 = arith.addf %broadcast_in_dim3A_71, %mul3A_108 : vector<16xf32>
        %get3A_110 = arith.constant 1 : i32
        %get3A_111 = arith.index_cast %get3A_110 : i32 to index
        %get3A_112 = arith.index_cast %mul3A_47 : i32 to index
        %get3A_113 = tpu.vector_load %arg7[%get3A_111, %get3A_112] {strides = array<i32>} : memref<16x2048xf32, #tpu.memory_space<vmem>>, vector<16xf32>,
        %broadcast_in_dim3A_114 = arith.constant 1 : i32
        %broadcast_in_dim3A_115 = vector.broadcast %broadcast_in_dim3A_114 : i32 to vector<16xi32>
        %broadcast_in_dim3A_116 = vector.shape_cast %broadcast_in_dim3A_115 : vector<16xi32> to vector<16x1xi32>
        %gather3A_117 = vector.shape_cast %broadcast_in_dim3A_116 : vector<16x1xi32> to vector<16xi32>
        %gather3A_118 = tpu.dynamic_gather %bitcast_convert_type3A_60[%gather3A_117] in [0] : vector<16xf32>, vector<16xi32> -> vector<16xf32>
        %bitcast_convert_type3A_119 = tpu.bitcast %get3A_113 : vector<16xf32> -> vector<16xi32>
        %add3A_120 = arith.constant 32767 : i32
        %add3A_121 = vector.broadcast %add3A_120 : i32 to vector<16xi32>
        %add3A_122 = arith.addi %bitcast_convert_type3A_119, %add3A_121 : vector<16xi32>
        %shift_right_logical3A_123 = arith.constant 16 : i32
        %shift_right_logical3A_124 = vector.broadcast %shift_right_logical3A_123 : i32 to vector<16xi32>
        %shift_right_logical3A_125 = arith.shrui %bitcast_convert_type3A_119, %shift_right_logical3A_124 : vector<16xi32>
        %and3A_126 = arith.constant 1 : i32
        %and3A_127 = vector.broadcast %and3A_126 : i32 to vector<16xi32>
        %and3A_128 = arith.andi %shift_right_logical3A_125, %and3A_127 : vector<16xi32>
        %add3A_129 = arith.addi %add3A_122, %and3A_128 : vector<16xi32>
        %and3A_130 = arith.constant -65536 : i32
        %and3A_131 = vector.broadcast %and3A_130 : i32 to vector<16xi32>
        %and3A_132 = arith.andi %add3A_129, %and3A_131 : vector<16xi32>
        %bitcast_convert_type3A_133 = tpu.bitcast %and3A_132 : vector<16xi32> -> vector<16xf32>
        %mul3A_134 = arith.mulf %gather3A_118, %bitcast_convert_type3A_133 : vector<16xf32>
        %add3A_135 = arith.addf %broadcast_in_dim3A_65, %mul3A_134 : vector<16xf32>
        %broadcast_in_dim3A_136 = arith.constant 1 : i32
        %broadcast_in_dim3A_137 = vector.broadcast %broadcast_in_dim3A_136 : i32 to vector<16xi32>
        %broadcast_in_dim3A_138 = vector.shape_cast %broadcast_in_dim3A_137 : vector<16xi32> to vector<16x1xi32>
        %gather3A_139 = vector.shape_cast %broadcast_in_dim3A_138 : vector<16x1xi32> to vector<16xi32>
        %gather3A_140 = tpu.dynamic_gather %get3A_62[%gather3A_139] in [0] : vector<16xf32>, vector<16xi32> -> vector<16xf32>
        %mul3A_141 = arith.mulf %gather3A_140, %get3A_113 : vector<16xf32>
        %add3A_142 = arith.addf %broadcast_in_dim3A_73, %mul3A_141 : vector<16xf32>
        %get3A_143 = arith.constant 2 : i32
        %get3A_144 = arith.index_cast %get3A_143 : i32 to index
        %get3A_145 = arith.index_cast %mul3A_47 : i32 to index
        %get3A_146 = tpu.vector_load %arg7[%get3A_144, %get3A_145] {strides = array<i32>} : memref<16x2048xf32, #tpu.memory_space<vmem>>, vector<16xf32>,
        %broadcast_in_dim3A_147 = arith.constant 2 : i32
        %broadcast_in_dim3A_148 = vector.broadcast %broadcast_in_dim3A_147 : i32 to vector<16xi32>
        %broadcast_in_dim3A_149 = vector.shape_cast %broadcast_in_dim3A_148 : vector<16xi32> to vector<16x1xi32>
        %gather3A_150 = vector.shape_cast %broadcast_in_dim3A_149 : vector<16x1xi32> to vector<16xi32>
        %gather3A_151 = tpu.dynamic_gather %bitcast_convert_type3A_60[%gather3A_150] in [0] : vector<16xf32>, vector<16xi32> -> vector<16xf32>
        %bitcast_convert_type3A_152 = tpu.bitcast %get3A_146 : vector<16xf32> -> vector<16xi32>
        %add3A_153 = arith.constant 32767 : i32
        %add3A_154 = vector.broadcast %add3A_153 : i32 to vector<16xi32>
        %add3A_155 = arith.addi %bitcast_convert_type3A_152, %add3A_154 : vector<16xi32>
        %shift_right_logical3A_156 = arith.constant 16 : i32
        %shift_right_logical3A_157 = vector.broadcast %shift_right_logical3A_156 : i32 to vector<16xi32>
        %shift_right_logical3A_158 = arith.shrui %bitcast_convert_type3A_152, %shift_right_logical3A_157 : vector<16xi32>
        %and3A_159 = arith.constant 1 : i32
        %and3A_160 = vector.broadcast %and3A_159 : i32 to vector<16xi32>
        %and3A_161 = arith.andi %shift_right_logical3A_158, %and3A_160 : vector<16xi32>
        %add3A_162 = arith.addi %add3A_155, %and3A_161 : vector<16xi32>
        %and3A_163 = arith.constant -65536 : i32
        %and3A_164 = vector.broadcast %and3A_163 : i32 to vector<16xi32>
        %and3A_165 = arith.andi %add3A_162, %and3A_164 : vector<16xi32>
        %bitcast_convert_type3A_166 = tpu.bitcast %and3A_165 : vector<16xi32> -> vector<16xf32>
        %mul3A_167 = arith.mulf %gather3A_151, %bitcast_convert_type3A_166 : vector<16xf32>
        %add3A_168 = arith.addf %broadcast_in_dim3A_67, %mul3A_167 : vector<16xf32>
        %broadcast_in_dim3A_169 = arith.constant 2 : i32
        %broadcast_in_dim3A_170 = vector.broadcast %broadcast_in_dim3A_169 : i32 to vector<16xi32>
        %broadcast_in_dim3A_171 = vector.shape_cast %broadcast_in_dim3A_170 : vector<16xi32> to vector<16x1xi32>
        %gather3A_172 = vector.shape_cast %broadcast_in_dim3A_171 : vector<16x1xi32> to vector<16xi32>
        %gather3A_173 = tpu.dynamic_gather %get3A_62[%gather3A_172] in [0] : vector<16xf32>, vector<16xi32> -> vector<16xf32>
        %mul3A_174 = arith.mulf %gather3A_173, %get3A_146 : vector<16xf32>
        %add3A_175 = arith.addf %broadcast_in_dim3A_75, %mul3A_174 : vector<16xf32>
        %get3A_176 = arith.constant 3 : i32
        %get3A_177 = arith.index_cast %get3A_176 : i32 to index
        %get3A_178 = arith.index_cast %mul3A_47 : i32 to index
        %get3A_179 = tpu.vector_load %arg7[%get3A_177, %get3A_178] {strides = array<i32>} : memref<16x2048xf32, #tpu.memory_space<vmem>>, vector<16xf32>,
        %broadcast_in_dim3A_180 = arith.constant 3 : i32
        %broadcast_in_dim3A_181 = vector.broadcast %broadcast_in_dim3A_180 : i32 to vector<16xi32>
        %broadcast_in_dim3A_182 = vector.shape_cast %broadcast_in_dim3A_181 : vector<16xi32> to vector<16x1xi32>
        %gather3A_183 = vector.shape_cast %broadcast_in_dim3A_182 : vector<16x1xi32> to vector<16xi32>
        %gather3A_184 = tpu.dynamic_gather %bitcast_convert_type3A_60[%gather3A_183] in [0] : vector<16xf32>, vector<16xi32> -> vector<16xf32>
        %bitcast_convert_type3A_185 = tpu.bitcast %get3A_179 : vector<16xf32> -> vector<16xi32>
        %add3A_186 = arith.constant 32767 : i32
        %add3A_187 = vector.broadcast %add3A_186 : i32 to vector<16xi32>
        %add3A_188 = arith.addi %bitcast_convert_type3A_185, %add3A_187 : vector<16xi32>
        %shift_right_logical3A_189 = arith.constant 16 : i32
        %shift_right_logical3A_190 = vector.broadcast %shift_right_logical3A_189 : i32 to vector<16xi32>
        %shift_right_logical3A_191 = arith.shrui %bitcast_convert_type3A_185, %shift_right_logical3A_190 : vector<16xi32>
        %and3A_192 = arith.constant 1 : i32
        %and3A_193 = vector.broadcast %and3A_192 : i32 to vector<16xi32>
        %and3A_194 = arith.andi %shift_right_logical3A_191, %and3A_193 : vector<16xi32>
        %add3A_195 = arith.addi %add3A_188, %and3A_194 : vector<16xi32>
        %and3A_196 = arith.constant -65536 : i32
        %and3A_197 = vector.broadcast %and3A_196 : i32 to vector<16xi32>
        %and3A_198 = arith.andi %add3A_195, %and3A_197 : vector<16xi32>
        %bitcast_convert_type3A_199 = tpu.bitcast %and3A_198 : vector<16xi32> -> vector<16xf32>
        %mul3A_200 = arith.mulf %gather3A_184, %bitcast_convert_type3A_199 : vector<16xf32>
        %add3A_201 = arith.addf %broadcast_in_dim3A_69, %mul3A_200 : vector<16xf32>
        %broadcast_in_dim3A_202 = arith.constant 3 : i32
        %broadcast_in_dim3A_203 = vector.broadcast %broadcast_in_dim3A_202 : i32 to vector<16xi32>
        %broadcast_in_dim3A_204 = vector.shape_cast %broadcast_in_dim3A_203 : vector<16xi32> to vector<16x1xi32>
        %gather3A_205 = vector.shape_cast %broadcast_in_dim3A_204 : vector<16x1xi32> to vector<16xi32>
        %gather3A_206 = tpu.dynamic_gather %get3A_62[%gather3A_205] in [0] : vector<16xf32>, vector<16xi32> -> vector<16xf32>
        %mul3A_207 = arith.mulf %gather3A_206, %get3A_179 : vector<16xf32>
        %add3A_208 = arith.addf %broadcast_in_dim3A_77, %mul3A_207 : vector<16xf32>
        %get3A_209 = arith.constant 4 : i32
        %get3A_210 = arith.index_cast %get3A_209 : i32 to index
        %get3A_211 = arith.index_cast %mul3A_47 : i32 to index
        %get3A_212 = tpu.vector_load %arg7[%get3A_210, %get3A_211] {strides = array<i32>} : memref<16x2048xf32, #tpu.memory_space<vmem>>, vector<16xf32>,
        %broadcast_in_dim3A_213 = arith.constant 4 : i32
        %broadcast_in_dim3A_214 = vector.broadcast %broadcast_in_dim3A_213 : i32 to vector<16xi32>
        %broadcast_in_dim3A_215 = vector.shape_cast %broadcast_in_dim3A_214 : vector<16xi32> to vector<16x1xi32>
        %gather3A_216 = vector.shape_cast %broadcast_in_dim3A_215 : vector<16x1xi32> to vector<16xi32>
        %gather3A_217 = tpu.dynamic_gather %bitcast_convert_type3A_60[%gather3A_216] in [0] : vector<16xf32>, vector<16xi32> -> vector<16xf32>
        %bitcast_convert_type3A_218 = tpu.bitcast %get3A_212 : vector<16xf32> -> vector<16xi32>
        %add3A_219 = arith.constant 32767 : i32
        %add3A_220 = vector.broadcast %add3A_219 : i32 to vector<16xi32>
        %add3A_221 = arith.addi %bitcast_convert_type3A_218, %add3A_220 : vector<16xi32>
        %shift_right_logical3A_222 = arith.constant 16 : i32
        %shift_right_logical3A_223 = vector.broadcast %shift_right_logical3A_222 : i32 to vector<16xi32>
        %shift_right_logical3A_224 = arith.shrui %bitcast_convert_type3A_218, %shift_right_logical3A_223 : vector<16xi32>
        %and3A_225 = arith.constant 1 : i32
        %and3A_226 = vector.broadcast %and3A_225 : i32 to vector<16xi32>
        %and3A_227 = arith.andi %shift_right_logical3A_224, %and3A_226 : vector<16xi32>
        %add3A_228 = arith.addi %add3A_221, %and3A_227 : vector<16xi32>
        %and3A_229 = arith.constant -65536 : i32
        %and3A_230 = vector.broadcast %and3A_229 : i32 to vector<16xi32>
        %and3A_231 = arith.andi %add3A_228, %and3A_230 : vector<16xi32>
        %bitcast_convert_type3A_232 = tpu.bitcast %and3A_231 : vector<16xi32> -> vector<16xf32>
        %mul3A_233 = arith.mulf %gather3A_217, %bitcast_convert_type3A_232 : vector<16xf32>
        %add3A_234 = arith.addf %add3A_102, %mul3A_233 : vector<16xf32>
        %broadcast_in_dim3A_235 = arith.constant 4 : i32
        %broadcast_in_dim3A_236 = vector.broadcast %broadcast_in_dim3A_235 : i32 to vector<16xi32>
        %broadcast_in_dim3A_237 = vector.shape_cast %broadcast_in_dim3A_236 : vector<16xi32> to vector<16x1xi32>
        %gather3A_238 = vector.shape_cast %broadcast_in_dim3A_237 : vector<16x1xi32> to vector<16xi32>
        %gather3A_239 = tpu.dynamic_gather %get3A_62[%gather3A_238] in [0] : vector<16xf32>, vector<16xi32> -> vector<16xf32>
        %mul3A_240 = arith.mulf %gather3A_239, %get3A_212 : vector<16xf32>
        %add3A_241 = arith.addf %add3A_109, %mul3A_240 : vector<16xf32>
        %get3A_242 = arith.constant 5 : i32
        %get3A_243 = arith.index_cast %get3A_242 : i32 to index
        %get3A_244 = arith.index_cast %mul3A_47 : i32 to index
        %get3A_245 = tpu.vector_load %arg7[%get3A_243, %get3A_244] {strides = array<i32>} : memref<16x2048xf32, #tpu.memory_space<vmem>>, vector<16xf32>,
        %broadcast_in_dim3A_246 = arith.constant 5 : i32
        %broadcast_in_dim3A_247 = vector.broadcast %broadcast_in_dim3A_246 : i32 to vector<16xi32>
        %broadcast_in_dim3A_248 = vector.shape_cast %broadcast_in_dim3A_247 : vector<16xi32> to vector<16x1xi32>
        %gather3A_249 = vector.shape_cast %broadcast_in_dim3A_248 : vector<16x1xi32> to vector<16xi32>
        %gather3A_250 = tpu.dynamic_gather %bitcast_convert_type3A_60[%gather3A_249] in [0] : vector<16xf32>, vector<16xi32> -> vector<16xf32>
        %bitcast_convert_type3A_251 = tpu.bitcast %get3A_245 : vector<16xf32> -> vector<16xi32>
        %add3A_252 = arith.constant 32767 : i32
        %add3A_253 = vector.broadcast %add3A_252 : i32 to vector<16xi32>
        %add3A_254 = arith.addi %bitcast_convert_type3A_251, %add3A_253 : vector<16xi32>
        %shift_right_logical3A_255 = arith.constant 16 : i32
        %shift_right_logical3A_256 = vector.broadcast %shift_right_logical3A_255 : i32 to vector<16xi32>
        %shift_right_logical3A_257 = arith.shrui %bitcast_convert_type3A_251, %shift_right_logical3A_256 : vector<16xi32>
        %and3A_258 = arith.constant 1 : i32
        %and3A_259 = vector.broadcast %and3A_258 : i32 to vector<16xi32>
        %and3A_260 = arith.andi %shift_right_logical3A_257, %and3A_259 : vector<16xi32>
        %add3A_261 = arith.addi %add3A_254, %and3A_260 : vector<16xi32>
        %and3A_262 = arith.constant -65536 : i32
        %and3A_263 = vector.broadcast %and3A_262 : i32 to vector<16xi32>
        %and3A_264 = arith.andi %add3A_261, %and3A_263 : vector<16xi32>
        %bitcast_convert_type3A_265 = tpu.bitcast %and3A_264 : vector<16xi32> -> vector<16xf32>
        %mul3A_266 = arith.mulf %gather3A_250, %bitcast_convert_type3A_265 : vector<16xf32>
        %add3A_267 = arith.addf %add3A_135, %mul3A_266 : vector<16xf32>
        %broadcast_in_dim3A_268 = arith.constant 5 : i32
        %broadcast_in_dim3A_269 = vector.broadcast %broadcast_in_dim3A_268 : i32 to vector<16xi32>
        %broadcast_in_dim3A_270 = vector.shape_cast %broadcast_in_dim3A_269 : vector<16xi32> to vector<16x1xi32>
        %gather3A_271 = vector.shape_cast %broadcast_in_dim3A_270 : vector<16x1xi32> to vector<16xi32>
        %gather3A_272 = tpu.dynamic_gather %get3A_62[%gather3A_271] in [0] : vector<16xf32>, vector<16xi32> -> vector<16xf32>
        %mul3A_273 = arith.mulf %gather3A_272, %get3A_245 : vector<16xf32>
        %add3A_274 = arith.addf %add3A_142, %mul3A_273 : vector<16xf32>
        %get3A_275 = arith.constant 6 : i32
        %get3A_276 = arith.index_cast %get3A_275 : i32 to index
        %get3A_277 = arith.index_cast %mul3A_47 : i32 to index
        %get3A_278 = tpu.vector_load %arg7[%get3A_276, %get3A_277] {strides = array<i32>} : memref<16x2048xf32, #tpu.memory_space<vmem>>, vector<16xf32>,
        %broadcast_in_dim3A_279 = arith.constant 6 : i32
        %broadcast_in_dim3A_280 = vector.broadcast %broadcast_in_dim3A_279 : i32 to vector<16xi32>
        %broadcast_in_dim3A_281 = vector.shape_cast %broadcast_in_dim3A_280 : vector<16xi32> to vector<16x1xi32>
        %gather3A_282 = vector.shape_cast %broadcast_in_dim3A_281 : vector<16x1xi32> to vector<16xi32>
        %gather3A_283 = tpu.dynamic_gather %bitcast_convert_type3A_60[%gather3A_282] in [0] : vector<16xf32>, vector<16xi32> -> vector<16xf32>
        %bitcast_convert_type3A_284 = tpu.bitcast %get3A_278 : vector<16xf32> -> vector<16xi32>
        %add3A_285 = arith.constant 32767 : i32
        %add3A_286 = vector.broadcast %add3A_285 : i32 to vector<16xi32>
        %add3A_287 = arith.addi %bitcast_convert_type3A_284, %add3A_286 : vector<16xi32>
        %shift_right_logical3A_288 = arith.constant 16 : i32
        %shift_right_logical3A_289 = vector.broadcast %shift_right_logical3A_288 : i32 to vector<16xi32>
        %shift_right_logical3A_290 = arith.shrui %bitcast_convert_type3A_284, %shift_right_logical3A_289 : vector<16xi32>
        %and3A_291 = arith.constant 1 : i32
        %and3A_292 = vector.broadcast %and3A_291 : i32 to vector<16xi32>
        %and3A_293 = arith.andi %shift_right_logical3A_290, %and3A_292 : vector<16xi32>
        %add3A_294 = arith.addi %add3A_287, %and3A_293 : vector<16xi32>
        %and3A_295 = arith.constant -65536 : i32
        %and3A_296 = vector.broadcast %and3A_295 : i32 to vector<16xi32>
        %and3A_297 = arith.andi %add3A_294, %and3A_296 : vector<16xi32>
        %bitcast_convert_type3A_298 = tpu.bitcast %and3A_297 : vector<16xi32> -> vector<16xf32>
        %mul3A_299 = arith.mulf %gather3A_283, %bitcast_convert_type3A_298 : vector<16xf32>
        %add3A_300 = arith.addf %add3A_168, %mul3A_299 : vector<16xf32>
        %broadcast_in_dim3A_301 = arith.constant 6 : i32
        %broadcast_in_dim3A_302 = vector.broadcast %broadcast_in_dim3A_301 : i32 to vector<16xi32>
        %broadcast_in_dim3A_303 = vector.shape_cast %broadcast_in_dim3A_302 : vector<16xi32> to vector<16x1xi32>
        %gather3A_304 = vector.shape_cast %broadcast_in_dim3A_303 : vector<16x1xi32> to vector<16xi32>
        %gather3A_305 = tpu.dynamic_gather %get3A_62[%gather3A_304] in [0] : vector<16xf32>, vector<16xi32> -> vector<16xf32>
        %mul3A_306 = arith.mulf %gather3A_305, %get3A_278 : vector<16xf32>
        %add3A_307 = arith.addf %add3A_175, %mul3A_306 : vector<16xf32>
        %get3A_308 = arith.constant 7 : i32
        %get3A_309 = arith.index_cast %get3A_308 : i32 to index
        %get3A_310 = arith.index_cast %mul3A_47 : i32 to index
        %get3A_311 = tpu.vector_load %arg7[%get3A_309, %get3A_310] {strides = array<i32>} : memref<16x2048xf32, #tpu.memory_space<vmem>>, vector<16xf32>,
        %broadcast_in_dim3A_312 = arith.constant 7 : i32
        %broadcast_in_dim3A_313 = vector.broadcast %broadcast_in_dim3A_312 : i32 to vector<16xi32>
        %broadcast_in_dim3A_314 = vector.shape_cast %broadcast_in_dim3A_313 : vector<16xi32> to vector<16x1xi32>
        %gather3A_315 = vector.shape_cast %broadcast_in_dim3A_314 : vector<16x1xi32> to vector<16xi32>
        %gather3A_316 = tpu.dynamic_gather %bitcast_convert_type3A_60[%gather3A_315] in [0] : vector<16xf32>, vector<16xi32> -> vector<16xf32>
        %bitcast_convert_type3A_317 = tpu.bitcast %get3A_311 : vector<16xf32> -> vector<16xi32>
        %add3A_318 = arith.constant 32767 : i32
        %add3A_319 = vector.broadcast %add3A_318 : i32 to vector<16xi32>
        %add3A_320 = arith.addi %bitcast_convert_type3A_317, %add3A_319 : vector<16xi32>
        %shift_right_logical3A_321 = arith.constant 16 : i32
        %shift_right_logical3A_322 = vector.broadcast %shift_right_logical3A_321 : i32 to vector<16xi32>
        %shift_right_logical3A_323 = arith.shrui %bitcast_convert_type3A_317, %shift_right_logical3A_322 : vector<16xi32>
        %and3A_324 = arith.constant 1 : i32
        %and3A_325 = vector.broadcast %and3A_324 : i32 to vector<16xi32>
        %and3A_326 = arith.andi %shift_right_logical3A_323, %and3A_325 : vector<16xi32>
        %add3A_327 = arith.addi %add3A_320, %and3A_326 : vector<16xi32>
        %and3A_328 = arith.constant -65536 : i32
        %and3A_329 = vector.broadcast %and3A_328 : i32 to vector<16xi32>
        %and3A_330 = arith.andi %add3A_327, %and3A_329 : vector<16xi32>
        %bitcast_convert_type3A_331 = tpu.bitcast %and3A_330 : vector<16xi32> -> vector<16xf32>
        %mul3A_332 = arith.mulf %gather3A_316, %bitcast_convert_type3A_331 : vector<16xf32>
        %add3A_333 = arith.addf %add3A_201, %mul3A_332 : vector<16xf32>
        %broadcast_in_dim3A_334 = arith.constant 7 : i32
        %broadcast_in_dim3A_335 = vector.broadcast %broadcast_in_dim3A_334 : i32 to vector<16xi32>
        %broadcast_in_dim3A_336 = vector.shape_cast %broadcast_in_dim3A_335 : vector<16xi32> to vector<16x1xi32>
        %gather3A_337 = vector.shape_cast %broadcast_in_dim3A_336 : vector<16x1xi32> to vector<16xi32>
        %gather3A_338 = tpu.dynamic_gather %get3A_62[%gather3A_337] in [0] : vector<16xf32>, vector<16xi32> -> vector<16xf32>
        %mul3A_339 = arith.mulf %gather3A_338, %get3A_311 : vector<16xf32>
        %add3A_340 = arith.addf %add3A_208, %mul3A_339 : vector<16xf32>
        %get3A_341 = arith.constant 8 : i32
        %get3A_342 = arith.index_cast %get3A_341 : i32 to index
        %get3A_343 = arith.index_cast %mul3A_47 : i32 to index
        %get3A_344 = tpu.vector_load %arg7[%get3A_342, %get3A_343] {strides = array<i32>} : memref<16x2048xf32, #tpu.memory_space<vmem>>, vector<16xf32>,
        %broadcast_in_dim3A_345 = arith.constant 8 : i32
        %broadcast_in_dim3A_346 = vector.broadcast %broadcast_in_dim3A_345 : i32 to vector<16xi32>
        %broadcast_in_dim3A_347 = vector.shape_cast %broadcast_in_dim3A_346 : vector<16xi32> to vector<16x1xi32>
        %gather3A_348 = vector.shape_cast %broadcast_in_dim3A_347 : vector<16x1xi32> to vector<16xi32>
        %gather3A_349 = tpu.dynamic_gather %bitcast_convert_type3A_60[%gather3A_348] in [0] : vector<16xf32>, vector<16xi32> -> vector<16xf32>
        %bitcast_convert_type3A_350 = tpu.bitcast %get3A_344 : vector<16xf32> -> vector<16xi32>
        %add3A_351 = arith.constant 32767 : i32
        %add3A_352 = vector.broadcast %add3A_351 : i32 to vector<16xi32>
        %add3A_353 = arith.addi %bitcast_convert_type3A_350, %add3A_352 : vector<16xi32>
        %shift_right_logical3A_354 = arith.constant 16 : i32
        %shift_right_logical3A_355 = vector.broadcast %shift_right_logical3A_354 : i32 to vector<16xi32>
        %shift_right_logical3A_356 = arith.shrui %bitcast_convert_type3A_350, %shift_right_logical3A_355 : vector<16xi32>
        %and3A_357 = arith.constant 1 : i32
        %and3A_358 = vector.broadcast %and3A_357 : i32 to vector<16xi32>
        %and3A_359 = arith.andi %shift_right_logical3A_356, %and3A_358 : vector<16xi32>
        %add3A_360 = arith.addi %add3A_353, %and3A_359 : vector<16xi32>
        %and3A_361 = arith.constant -65536 : i32
        %and3A_362 = vector.broadcast %and3A_361 : i32 to vector<16xi32>
        %and3A_363 = arith.andi %add3A_360, %and3A_362 : vector<16xi32>
        %bitcast_convert_type3A_364 = tpu.bitcast %and3A_363 : vector<16xi32> -> vector<16xf32>
        %mul3A_365 = arith.mulf %gather3A_349, %bitcast_convert_type3A_364 : vector<16xf32>
        %add3A_366 = arith.addf %add3A_234, %mul3A_365 : vector<16xf32>
        %broadcast_in_dim3A_367 = arith.constant 8 : i32
        %broadcast_in_dim3A_368 = vector.broadcast %broadcast_in_dim3A_367 : i32 to vector<16xi32>
        %broadcast_in_dim3A_369 = vector.shape_cast %broadcast_in_dim3A_368 : vector<16xi32> to vector<16x1xi32>
        %gather3A_370 = vector.shape_cast %broadcast_in_dim3A_369 : vector<16x1xi32> to vector<16xi32>
        %gather3A_371 = tpu.dynamic_gather %get3A_62[%gather3A_370] in [0] : vector<16xf32>, vector<16xi32> -> vector<16xf32>
        %mul3A_372 = arith.mulf %gather3A_371, %get3A_344 : vector<16xf32>
        %add3A_373 = arith.addf %add3A_241, %mul3A_372 : vector<16xf32>
        %get3A_374 = arith.constant 9 : i32
        %get3A_375 = arith.index_cast %get3A_374 : i32 to index
        %get3A_376 = arith.index_cast %mul3A_47 : i32 to index
        %get3A_377 = tpu.vector_load %arg7[%get3A_375, %get3A_376] {strides = array<i32>} : memref<16x2048xf32, #tpu.memory_space<vmem>>, vector<16xf32>,
        %broadcast_in_dim3A_378 = arith.constant 9 : i32
        %broadcast_in_dim3A_379 = vector.broadcast %broadcast_in_dim3A_378 : i32 to vector<16xi32>
        %broadcast_in_dim3A_380 = vector.shape_cast %broadcast_in_dim3A_379 : vector<16xi32> to vector<16x1xi32>
        %gather3A_381 = vector.shape_cast %broadcast_in_dim3A_380 : vector<16x1xi32> to vector<16xi32>
        %gather3A_382 = tpu.dynamic_gather %bitcast_convert_type3A_60[%gather3A_381] in [0] : vector<16xf32>, vector<16xi32> -> vector<16xf32>
        %bitcast_convert_type3A_383 = tpu.bitcast %get3A_377 : vector<16xf32> -> vector<16xi32>
        %add3A_384 = arith.constant 32767 : i32
        %add3A_385 = vector.broadcast %add3A_384 : i32 to vector<16xi32>
        %add3A_386 = arith.addi %bitcast_convert_type3A_383, %add3A_385 : vector<16xi32>
        %shift_right_logical3A_387 = arith.constant 16 : i32
        %shift_right_logical3A_388 = vector.broadcast %shift_right_logical3A_387 : i32 to vector<16xi32>
        %shift_right_logical3A_389 = arith.shrui %bitcast_convert_type3A_383, %shift_right_logical3A_388 : vector<16xi32>
        %and3A_390 = arith.constant 1 : i32
        %and3A_391 = vector.broadcast %and3A_390 : i32 to vector<16xi32>
        %and3A_392 = arith.andi %shift_right_logical3A_389, %and3A_391 : vector<16xi32>
        %add3A_393 = arith.addi %add3A_386, %and3A_392 : vector<16xi32>
        %and3A_394 = arith.constant -65536 : i32
        %and3A_395 = vector.broadcast %and3A_394 : i32 to vector<16xi32>
        %and3A_396 = arith.andi %add3A_393, %and3A_395 : vector<16xi32>
        %bitcast_convert_type3A_397 = tpu.bitcast %and3A_396 : vector<16xi32> -> vector<16xf32>
        %mul3A_398 = arith.mulf %gather3A_382, %bitcast_convert_type3A_397 : vector<16xf32>
        %add3A_399 = arith.addf %add3A_267, %mul3A_398 : vector<16xf32>
        %broadcast_in_dim3A_400 = arith.constant 9 : i32
        %broadcast_in_dim3A_401 = vector.broadcast %broadcast_in_dim3A_400 : i32 to vector<16xi32>
        %broadcast_in_dim3A_402 = vector.shape_cast %broadcast_in_dim3A_401 : vector<16xi32> to vector<16x1xi32>
        %gather3A_403 = vector.shape_cast %broadcast_in_dim3A_402 : vector<16x1xi32> to vector<16xi32>
        %gather3A_404 = tpu.dynamic_gather %get3A_62[%gather3A_403] in [0] : vector<16xf32>, vector<16xi32> -> vector<16xf32>
        %mul3A_405 = arith.mulf %gather3A_404, %get3A_377 : vector<16xf32>
        %add3A_406 = arith.addf %add3A_274, %mul3A_405 : vector<16xf32>
        %get3A_407 = arith.constant 10 : i32
        %get3A_408 = arith.index_cast %get3A_407 : i32 to index
        %get3A_409 = arith.index_cast %mul3A_47 : i32 to index
        %get3A_410 = tpu.vector_load %arg7[%get3A_408, %get3A_409] {strides = array<i32>} : memref<16x2048xf32, #tpu.memory_space<vmem>>, vector<16xf32>,
        %broadcast_in_dim3A_411 = arith.constant 10 : i32
        %broadcast_in_dim3A_412 = vector.broadcast %broadcast_in_dim3A_411 : i32 to vector<16xi32>
        %broadcast_in_dim3A_413 = vector.shape_cast %broadcast_in_dim3A_412 : vector<16xi32> to vector<16x1xi32>
        %gather3A_414 = vector.shape_cast %broadcast_in_dim3A_413 : vector<16x1xi32> to vector<16xi32>
        %gather3A_415 = tpu.dynamic_gather %bitcast_convert_type3A_60[%gather3A_414] in [0] : vector<16xf32>, vector<16xi32> -> vector<16xf32>
        %bitcast_convert_type3A_416 = tpu.bitcast %get3A_410 : vector<16xf32> -> vector<16xi32>
        %add3A_417 = arith.constant 32767 : i32
        %add3A_418 = vector.broadcast %add3A_417 : i32 to vector<16xi32>
        %add3A_419 = arith.addi %bitcast_convert_type3A_416, %add3A_418 : vector<16xi32>
        %shift_right_logical3A_420 = arith.constant 16 : i32
        %shift_right_logical3A_421 = vector.broadcast %shift_right_logical3A_420 : i32 to vector<16xi32>
        %shift_right_logical3A_422 = arith.shrui %bitcast_convert_type3A_416, %shift_right_logical3A_421 : vector<16xi32>
        %and3A_423 = arith.constant 1 : i32
        %and3A_424 = vector.broadcast %and3A_423 : i32 to vector<16xi32>
        %and3A_425 = arith.andi %shift_right_logical3A_422, %and3A_424 : vector<16xi32>
        %add3A_426 = arith.addi %add3A_419, %and3A_425 : vector<16xi32>
        %and3A_427 = arith.constant -65536 : i32
        %and3A_428 = vector.broadcast %and3A_427 : i32 to vector<16xi32>
        %and3A_429 = arith.andi %add3A_426, %and3A_428 : vector<16xi32>
        %bitcast_convert_type3A_430 = tpu.bitcast %and3A_429 : vector<16xi32> -> vector<16xf32>
        %mul3A_431 = arith.mulf %gather3A_415, %bitcast_convert_type3A_430 : vector<16xf32>
        %add3A_432 = arith.addf %add3A_300, %mul3A_431 : vector<16xf32>
        %broadcast_in_dim3A_433 = arith.constant 10 : i32
        %broadcast_in_dim3A_434 = vector.broadcast %broadcast_in_dim3A_433 : i32 to vector<16xi32>
        %broadcast_in_dim3A_435 = vector.shape_cast %broadcast_in_dim3A_434 : vector<16xi32> to vector<16x1xi32>
        %gather3A_436 = vector.shape_cast %broadcast_in_dim3A_435 : vector<16x1xi32> to vector<16xi32>
        %gather3A_437 = tpu.dynamic_gather %get3A_62[%gather3A_436] in [0] : vector<16xf32>, vector<16xi32> -> vector<16xf32>
        %mul3A_438 = arith.mulf %gather3A_437, %get3A_410 : vector<16xf32>
        %add3A_439 = arith.addf %add3A_307, %mul3A_438 : vector<16xf32>
        %get3A_440 = arith.constant 11 : i32
        %get3A_441 = arith.index_cast %get3A_440 : i32 to index
        %get3A_442 = arith.index_cast %mul3A_47 : i32 to index
        %get3A_443 = tpu.vector_load %arg7[%get3A_441, %get3A_442] {strides = array<i32>} : memref<16x2048xf32, #tpu.memory_space<vmem>>, vector<16xf32>,
        %broadcast_in_dim3A_444 = arith.constant 11 : i32
        %broadcast_in_dim3A_445 = vector.broadcast %broadcast_in_dim3A_444 : i32 to vector<16xi32>
        %broadcast_in_dim3A_446 = vector.shape_cast %broadcast_in_dim3A_445 : vector<16xi32> to vector<16x1xi32>
        %gather3A_447 = vector.shape_cast %broadcast_in_dim3A_446 : vector<16x1xi32> to vector<16xi32>
        %gather3A_448 = tpu.dynamic_gather %bitcast_convert_type3A_60[%gather3A_447] in [0] : vector<16xf32>, vector<16xi32> -> vector<16xf32>
        %bitcast_convert_type3A_449 = tpu.bitcast %get3A_443 : vector<16xf32> -> vector<16xi32>
        %add3A_450 = arith.constant 32767 : i32
        %add3A_451 = vector.broadcast %add3A_450 : i32 to vector<16xi32>
        %add3A_452 = arith.addi %bitcast_convert_type3A_449, %add3A_451 : vector<16xi32>
        %shift_right_logical3A_453 = arith.constant 16 : i32
        %shift_right_logical3A_454 = vector.broadcast %shift_right_logical3A_453 : i32 to vector<16xi32>
        %shift_right_logical3A_455 = arith.shrui %bitcast_convert_type3A_449, %shift_right_logical3A_454 : vector<16xi32>
        %and3A_456 = arith.constant 1 : i32
        %and3A_457 = vector.broadcast %and3A_456 : i32 to vector<16xi32>
        %and3A_458 = arith.andi %shift_right_logical3A_455, %and3A_457 : vector<16xi32>
        %add3A_459 = arith.addi %add3A_452, %and3A_458 : vector<16xi32>
        %and3A_460 = arith.constant -65536 : i32
        %and3A_461 = vector.broadcast %and3A_460 : i32 to vector<16xi32>
        %and3A_462 = arith.andi %add3A_459, %and3A_461 : vector<16xi32>
        %bitcast_convert_type3A_463 = tpu.bitcast %and3A_462 : vector<16xi32> -> vector<16xf32>
        %mul3A_464 = arith.mulf %gather3A_448, %bitcast_convert_type3A_463 : vector<16xf32>
        %add3A_465 = arith.addf %add3A_333, %mul3A_464 : vector<16xf32>
        %broadcast_in_dim3A_466 = arith.constant 11 : i32
        %broadcast_in_dim3A_467 = vector.broadcast %broadcast_in_dim3A_466 : i32 to vector<16xi32>
        %broadcast_in_dim3A_468 = vector.shape_cast %broadcast_in_dim3A_467 : vector<16xi32> to vector<16x1xi32>
        %gather3A_469 = vector.shape_cast %broadcast_in_dim3A_468 : vector<16x1xi32> to vector<16xi32>
        %gather3A_470 = tpu.dynamic_gather %get3A_62[%gather3A_469] in [0] : vector<16xf32>, vector<16xi32> -> vector<16xf32>
        %mul3A_471 = arith.mulf %gather3A_470, %get3A_443 : vector<16xf32>
        %add3A_472 = arith.addf %add3A_340, %mul3A_471 : vector<16xf32>
        %get3A_473 = arith.constant 12 : i32
        %get3A_474 = arith.index_cast %get3A_473 : i32 to index
        %get3A_475 = arith.index_cast %mul3A_47 : i32 to index
        %get3A_476 = tpu.vector_load %arg7[%get3A_474, %get3A_475] {strides = array<i32>} : memref<16x2048xf32, #tpu.memory_space<vmem>>, vector<16xf32>,
        %broadcast_in_dim3A_477 = arith.constant 12 : i32
        %broadcast_in_dim3A_478 = vector.broadcast %broadcast_in_dim3A_477 : i32 to vector<16xi32>
        %broadcast_in_dim3A_479 = vector.shape_cast %broadcast_in_dim3A_478 : vector<16xi32> to vector<16x1xi32>
        %gather3A_480 = vector.shape_cast %broadcast_in_dim3A_479 : vector<16x1xi32> to vector<16xi32>
        %gather3A_481 = tpu.dynamic_gather %bitcast_convert_type3A_60[%gather3A_480] in [0] : vector<16xf32>, vector<16xi32> -> vector<16xf32>
        %bitcast_convert_type3A_482 = tpu.bitcast %get3A_476 : vector<16xf32> -> vector<16xi32>
        %add3A_483 = arith.constant 32767 : i32
        %add3A_484 = vector.broadcast %add3A_483 : i32 to vector<16xi32>
        %add3A_485 = arith.addi %bitcast_convert_type3A_482, %add3A_484 : vector<16xi32>
        %shift_right_logical3A_486 = arith.constant 16 : i32
        %shift_right_logical3A_487 = vector.broadcast %shift_right_logical3A_486 : i32 to vector<16xi32>
        %shift_right_logical3A_488 = arith.shrui %bitcast_convert_type3A_482, %shift_right_logical3A_487 : vector<16xi32>
        %and3A_489 = arith.constant 1 : i32
        %and3A_490 = vector.broadcast %and3A_489 : i32 to vector<16xi32>
        %and3A_491 = arith.andi %shift_right_logical3A_488, %and3A_490 : vector<16xi32>
        %add3A_492 = arith.addi %add3A_485, %and3A_491 : vector<16xi32>
        %and3A_493 = arith.constant -65536 : i32
        %and3A_494 = vector.broadcast %and3A_493 : i32 to vector<16xi32>
        %and3A_495 = arith.andi %add3A_492, %and3A_494 : vector<16xi32>
        %bitcast_convert_type3A_496 = tpu.bitcast %and3A_495 : vector<16xi32> -> vector<16xf32>
        %mul3A_497 = arith.mulf %gather3A_481, %bitcast_convert_type3A_496 : vector<16xf32>
        %add3A_498 = arith.addf %add3A_366, %mul3A_497 : vector<16xf32>
        %broadcast_in_dim3A_499 = arith.constant 12 : i32
        %broadcast_in_dim3A_500 = vector.broadcast %broadcast_in_dim3A_499 : i32 to vector<16xi32>
        %broadcast_in_dim3A_501 = vector.shape_cast %broadcast_in_dim3A_500 : vector<16xi32> to vector<16x1xi32>
        %gather3A_502 = vector.shape_cast %broadcast_in_dim3A_501 : vector<16x1xi32> to vector<16xi32>
        %gather3A_503 = tpu.dynamic_gather %get3A_62[%gather3A_502] in [0] : vector<16xf32>, vector<16xi32> -> vector<16xf32>
        %mul3A_504 = arith.mulf %gather3A_503, %get3A_476 : vector<16xf32>
        %add3A_505 = arith.addf %add3A_373, %mul3A_504 : vector<16xf32>
        %get3A_506 = arith.constant 13 : i32
        %get3A_507 = arith.index_cast %get3A_506 : i32 to index
        %get3A_508 = arith.index_cast %mul3A_47 : i32 to index
        %get3A_509 = tpu.vector_load %arg7[%get3A_507, %get3A_508] {strides = array<i32>} : memref<16x2048xf32, #tpu.memory_space<vmem>>, vector<16xf32>,
        %broadcast_in_dim3A_510 = arith.constant 13 : i32
        %broadcast_in_dim3A_511 = vector.broadcast %broadcast_in_dim3A_510 : i32 to vector<16xi32>
        %broadcast_in_dim3A_512 = vector.shape_cast %broadcast_in_dim3A_511 : vector<16xi32> to vector<16x1xi32>
        %gather3A_513 = vector.shape_cast %broadcast_in_dim3A_512 : vector<16x1xi32> to vector<16xi32>
        %gather3A_514 = tpu.dynamic_gather %bitcast_convert_type3A_60[%gather3A_513] in [0] : vector<16xf32>, vector<16xi32> -> vector<16xf32>
        %bitcast_convert_type3A_515 = tpu.bitcast %get3A_509 : vector<16xf32> -> vector<16xi32>
        %add3A_516 = arith.constant 32767 : i32
        %add3A_517 = vector.broadcast %add3A_516 : i32 to vector<16xi32>
        %add3A_518 = arith.addi %bitcast_convert_type3A_515, %add3A_517 : vector<16xi32>
        %shift_right_logical3A_519 = arith.constant 16 : i32
        %shift_right_logical3A_520 = vector.broadcast %shift_right_logical3A_519 : i32 to vector<16xi32>
        %shift_right_logical3A_521 = arith.shrui %bitcast_convert_type3A_515, %shift_right_logical3A_520 : vector<16xi32>
        %and3A_522 = arith.constant 1 : i32
        %and3A_523 = vector.broadcast %and3A_522 : i32 to vector<16xi32>
        %and3A_524 = arith.andi %shift_right_logical3A_521, %and3A_523 : vector<16xi32>
        %add3A_525 = arith.addi %add3A_518, %and3A_524 : vector<16xi32>
        %and3A_526 = arith.constant -65536 : i32
        %and3A_527 = vector.broadcast %and3A_526 : i32 to vector<16xi32>
        %and3A_528 = arith.andi %add3A_525, %and3A_527 : vector<16xi32>
        %bitcast_convert_type3A_529 = tpu.bitcast %and3A_528 : vector<16xi32> -> vector<16xf32>
        %mul3A_530 = arith.mulf %gather3A_514, %bitcast_convert_type3A_529 : vector<16xf32>
        %add3A_531 = arith.addf %add3A_399, %mul3A_530 : vector<16xf32>
        %broadcast_in_dim3A_532 = arith.constant 13 : i32
        %broadcast_in_dim3A_533 = vector.broadcast %broadcast_in_dim3A_532 : i32 to vector<16xi32>
        %broadcast_in_dim3A_534 = vector.shape_cast %broadcast_in_dim3A_533 : vector<16xi32> to vector<16x1xi32>
        %gather3A_535 = vector.shape_cast %broadcast_in_dim3A_534 : vector<16x1xi32> to vector<16xi32>
        %gather3A_536 = tpu.dynamic_gather %get3A_62[%gather3A_535] in [0] : vector<16xf32>, vector<16xi32> -> vector<16xf32>
        %mul3A_537 = arith.mulf %gather3A_536, %get3A_509 : vector<16xf32>
        %add3A_538 = arith.addf %add3A_406, %mul3A_537 : vector<16xf32>
        %get3A_539 = arith.constant 14 : i32
        %get3A_540 = arith.index_cast %get3A_539 : i32 to index
        %get3A_541 = arith.index_cast %mul3A_47 : i32 to index
        %get3A_542 = tpu.vector_load %arg7[%get3A_540, %get3A_541] {strides = array<i32>} : memref<16x2048xf32, #tpu.memory_space<vmem>>, vector<16xf32>,
        %broadcast_in_dim3A_543 = arith.constant 14 : i32
        %broadcast_in_dim3A_544 = vector.broadcast %broadcast_in_dim3A_543 : i32 to vector<16xi32>
        %broadcast_in_dim3A_545 = vector.shape_cast %broadcast_in_dim3A_544 : vector<16xi32> to vector<16x1xi32>
        %gather3A_546 = vector.shape_cast %broadcast_in_dim3A_545 : vector<16x1xi32> to vector<16xi32>
        %gather3A_547 = tpu.dynamic_gather %bitcast_convert_type3A_60[%gather3A_546] in [0] : vector<16xf32>, vector<16xi32> -> vector<16xf32>
        %bitcast_convert_type3A_548 = tpu.bitcast %get3A_542 : vector<16xf32> -> vector<16xi32>
        %add3A_549 = arith.constant 32767 : i32
        %add3A_550 = vector.broadcast %add3A_549 : i32 to vector<16xi32>
        %add3A_551 = arith.addi %bitcast_convert_type3A_548, %add3A_550 : vector<16xi32>
        %shift_right_logical3A_552 = arith.constant 16 : i32
        %shift_right_logical3A_553 = vector.broadcast %shift_right_logical3A_552 : i32 to vector<16xi32>
        %shift_right_logical3A_554 = arith.shrui %bitcast_convert_type3A_548, %shift_right_logical3A_553 : vector<16xi32>
        %and3A_555 = arith.constant 1 : i32
        %and3A_556 = vector.broadcast %and3A_555 : i32 to vector<16xi32>
        %and3A_557 = arith.andi %shift_right_logical3A_554, %and3A_556 : vector<16xi32>
        %add3A_558 = arith.addi %add3A_551, %and3A_557 : vector<16xi32>
        %and3A_559 = arith.constant -65536 : i32
        %and3A_560 = vector.broadcast %and3A_559 : i32 to vector<16xi32>
        %and3A_561 = arith.andi %add3A_558, %and3A_560 : vector<16xi32>
        %bitcast_convert_type3A_562 = tpu.bitcast %and3A_561 : vector<16xi32> -> vector<16xf32>
        %mul3A_563 = arith.mulf %gather3A_547, %bitcast_convert_type3A_562 : vector<16xf32>
        %add3A_564 = arith.addf %add3A_432, %mul3A_563 : vector<16xf32>
        %broadcast_in_dim3A_565 = arith.constant 14 : i32
        %broadcast_in_dim3A_566 = vector.broadcast %broadcast_in_dim3A_565 : i32 to vector<16xi32>
        %broadcast_in_dim3A_567 = vector.shape_cast %broadcast_in_dim3A_566 : vector<16xi32> to vector<16x1xi32>
        %gather3A_568 = vector.shape_cast %broadcast_in_dim3A_567 : vector<16x1xi32> to vector<16xi32>
        %gather3A_569 = tpu.dynamic_gather %get3A_62[%gather3A_568] in [0] : vector<16xf32>, vector<16xi32> -> vector<16xf32>
        %mul3A_570 = arith.mulf %gather3A_569, %get3A_542 : vector<16xf32>
        %add3A_571 = arith.addf %add3A_439, %mul3A_570 : vector<16xf32>
        %get3A_572 = arith.constant 15 : i32
        %get3A_573 = arith.index_cast %get3A_572 : i32 to index
        %get3A_574 = arith.index_cast %mul3A_47 : i32 to index
        %get3A_575 = tpu.vector_load %arg7[%get3A_573, %get3A_574] {strides = array<i32>} : memref<16x2048xf32, #tpu.memory_space<vmem>>, vector<16xf32>,
        %broadcast_in_dim3A_576 = arith.constant 15 : i32
        %broadcast_in_dim3A_577 = vector.broadcast %broadcast_in_dim3A_576 : i32 to vector<16xi32>
        %broadcast_in_dim3A_578 = vector.shape_cast %broadcast_in_dim3A_577 : vector<16xi32> to vector<16x1xi32>
        %gather3A_579 = vector.shape_cast %broadcast_in_dim3A_578 : vector<16x1xi32> to vector<16xi32>
        %gather3A_580 = tpu.dynamic_gather %bitcast_convert_type3A_60[%gather3A_579] in [0] : vector<16xf32>, vector<16xi32> -> vector<16xf32>
        %bitcast_convert_type3A_581 = tpu.bitcast %get3A_575 : vector<16xf32> -> vector<16xi32>
        %add3A_582 = arith.constant 32767 : i32
        %add3A_583 = vector.broadcast %add3A_582 : i32 to vector<16xi32>
        %add3A_584 = arith.addi %bitcast_convert_type3A_581, %add3A_583 : vector<16xi32>
        %shift_right_logical3A_585 = arith.constant 16 : i32
        %shift_right_logical3A_586 = vector.broadcast %shift_right_logical3A_585 : i32 to vector<16xi32>
        %shift_right_logical3A_587 = arith.shrui %bitcast_convert_type3A_581, %shift_right_logical3A_586 : vector<16xi32>
        %and3A_588 = arith.constant 1 : i32
        %and3A_589 = vector.broadcast %and3A_588 : i32 to vector<16xi32>
        %and3A_590 = arith.andi %shift_right_logical3A_587, %and3A_589 : vector<16xi32>
        %add3A_591 = arith.addi %add3A_584, %and3A_590 : vector<16xi32>
        %and3A_592 = arith.constant -65536 : i32
        %and3A_593 = vector.broadcast %and3A_592 : i32 to vector<16xi32>
        %and3A_594 = arith.andi %add3A_591, %and3A_593 : vector<16xi32>
        %bitcast_convert_type3A_595 = tpu.bitcast %and3A_594 : vector<16xi32> -> vector<16xf32>
        %mul3A_596 = arith.mulf %gather3A_580, %bitcast_convert_type3A_595 : vector<16xf32>
        %add3A_597 = arith.addf %add3A_465, %mul3A_596 : vector<16xf32>
        %broadcast_in_dim3A_598 = arith.constant 15 : i32
        %broadcast_in_dim3A_599 = vector.broadcast %broadcast_in_dim3A_598 : i32 to vector<16xi32>
        %broadcast_in_dim3A_600 = vector.shape_cast %broadcast_in_dim3A_599 : vector<16xi32> to vector<16x1xi32>
        %gather3A_601 = vector.shape_cast %broadcast_in_dim3A_600 : vector<16x1xi32> to vector<16xi32>
        %gather3A_602 = tpu.dynamic_gather %get3A_62[%gather3A_601] in [0] : vector<16xf32>, vector<16xi32> -> vector<16xf32>
        %mul3A_603 = arith.mulf %gather3A_602, %get3A_575 : vector<16xf32>
        %add3A_604 = arith.addf %add3A_472, %mul3A_603 : vector<16xf32>
        %add3A_605 = arith.addf %add3A_498, %add3A_531 : vector<16xf32>
        %add3A_606 = arith.addf %add3A_564, %add3A_597 : vector<16xf32>
        %add3A_607 = arith.addf %add3A_605, %add3A_606 : vector<16xf32>
        %swap3A = arith.index_cast %mul3A_47 : i32 to index
        %swap3A_608 = tpu.vector_load %arg11[%swap3A] {strides = array<i32>} : memref<2048xf32, #tpu.memory_space<vmem>>, vector<16xf32>,
        tpu.vector_store %arg11[%swap3A], %add3A_607 {strides = array<i32>} : memref<2048xf32, #tpu.memory_space<vmem>>, vector<16xf32>,
        %add3A_609 = arith.addf %add3A_505, %add3A_538 : vector<16xf32>
        %add3A_610 = arith.addf %add3A_571, %add3A_604 : vector<16xf32>
        %add3A_611 = arith.addf %add3A_609, %add3A_610 : vector<16xf32>
        %swap3A_612 = arith.index_cast %mul3A_47 : i32 to index
        %swap3A_613 = tpu.vector_load %arg12[%swap3A_612] {strides = array<i32>} : memref<2048xf32, #tpu.memory_space<vmem>>, vector<16xf32>,
        tpu.vector_store %arg12[%swap3A_612], %add3A_611 {strides = array<i32>} : memref<2048xf32, #tpu.memory_space<vmem>>, vector<16xf32>,
      }
      %scan3A_38 = arith.constant 128 : i32
      %scan3A_39 = arith.constant 0 : i32
      %scan3A_40 = arith.constant 0 : i32
      %scan3A_41 = arith.constant 16 : i32
      %scan3A_42 = arith.addi %scan3A_40, %scan3A_41 : i32
      %scan3A_43 = arith.constant 1 : i32
      scf.for %scan3A_45 = %scan3A_40 to %scan3A_42 step %scan3A_43  : i32 {
        %mul3A_46 = arith.constant 16 : i32
        %mul3A_47 = arith.muli %scan3A_30, %mul3A_46 : i32
        %add3A_48 = arith.addi %mul3A_47, %scan3A_45 : i32
        %and3A = arith.constant 1 : i32
        %and3A_49 = arith.andi %add3A_48, %and3A : i32
        %mul3A_50 = arith.constant 128 : i32
        %mul3A_51 = arith.muli %scan3A_45, %mul3A_50 : i32
        %shift_right_arithmetic3A = arith.constant 4 : i32
        %shift_right_arithmetic3A_52 = arith.shrsi %add3A_48, %shift_right_arithmetic3A : i32
        %mul3A_53 = arith.constant 2048 : i32
        %mul3A_54 = arith.muli %add3A, %mul3A_53 : i32
        %and3A_55 = arith.constant 15 : i32
        %and3A_56 = arith.andi %add3A_48, %and3A_55 : i32
        %mul3A_57 = arith.constant 128 : i32
        %mul3A_58 = arith.muli %and3A_56, %mul3A_57 : i32
        %add3A_59 = arith.addi %mul3A_54, %mul3A_58 : i32
        %mul3A_60 = arith.constant 10 : i32
        %mul3A_61 = arith.muli %add3A_59, %mul3A_60 : i32
        %dma_wait3A = arith.constant 0 : i32
        %dma_wait3A_62 = arith.constant 0 : i32
        %dma_wait3A_63 = tpu.memref_slice %arg6[%and3A_49, %dma_wait3A, %dma_wait3A_62] : memref<2x16x1280xf32, #tpu.memory_space<vmem>> -> memref<1x16x1280xf32, #tpu.memory_space<vmem>>
        %dma_wait3A_64 = tpu.memref_squeeze %dma_wait3A_63 : memref<1x16x1280xf32, #tpu.memory_space<vmem>> -> memref<16x1280xf32, #tpu.memory_space<vmem>>
        %dma_wait3A_65 = arith.constant 0 : i32
        %dma_wait3A_66 = tpu.memref_slice %arg2[%shift_right_arithmetic3A_52, %dma_wait3A_65, %mul3A_61] : memref<8x16x655360xf32, #tpu.memory_space<hbm>> -> memref<1x16x1280xf32, #tpu.memory_space<hbm>>
        %dma_wait3A_67 = tpu.memref_squeeze %dma_wait3A_66 : memref<1x16x1280xf32, #tpu.memory_space<hbm>> -> memref<16x1280xf32, #tpu.memory_space<hbm>>
        %dma_wait3A_68 = tpu.memref_slice %arg14[%and3A_49] : memref<2x!tpu.dma_semaphore, #tpu.memory_space<semaphore_mem>> -> memref<1x!tpu.dma_semaphore, #tpu.memory_space<semaphore_mem>>
        %dma_wait3A_69 = tpu.memref_squeeze %dma_wait3A_68 : memref<1x!tpu.dma_semaphore, #tpu.memory_space<semaphore_mem>> -> memref<!tpu.dma_semaphore, #tpu.memory_space<semaphore_mem>>
        %dma_wait3A_70 = arith.constant 0 : i32
        %dma_wait3A_71 = arith.constant 0 : i32
        %dma_wait3A_72 = tpu.memref_slice %arg6[%and3A_49, %dma_wait3A_70, %dma_wait3A_71] : memref<2x16x1280xf32, #tpu.memory_space<vmem>> -> memref<1x16x1280xf32, #tpu.memory_space<vmem>>
        %dma_wait3A_73 = tpu.memref_squeeze %dma_wait3A_72 : memref<1x16x1280xf32, #tpu.memory_space<vmem>> -> memref<16x1280xf32, #tpu.memory_space<vmem>>
        %dma_wait3A_74 = arith.constant 0 : i32
        %dma_wait3A_75 = tpu.memref_slice %arg2[%shift_right_arithmetic3A_52, %dma_wait3A_74, %mul3A_61] : memref<8x16x655360xf32, #tpu.memory_space<hbm>> -> memref<1x16x1280xf32, #tpu.memory_space<hbm>>
        %dma_wait3A_76 = tpu.memref_squeeze %dma_wait3A_75 : memref<1x16x1280xf32, #tpu.memory_space<hbm>> -> memref<16x1280xf32, #tpu.memory_space<hbm>>
        tpu.wait_dma2 semaphore(%dma_wait3A_69 : memref<!tpu.dma_semaphore, #tpu.memory_space<semaphore_mem>>) src(%dma_wait3A_76 : memref<16x1280xf32, #tpu.memory_space<hbm>>) dst(%dma_wait3A_73 : memref<16x1280xf32, #tpu.memory_space<vmem>>)
        %add3A_77 = arith.constant 1 : i32
        %add3A_78 = arith.addi %add3A_48, %add3A_77 : i32
        %lt3A = arith.constant 128 : i32
        %lt3A_79 = arith.cmpi slt, %add3A_78, %lt3A : i32
        %convert_element_type3A = arith.extui %lt3A_79 : i1 to i32
        %cond3A = arith.constant 0 : i32
        %cond3A_80 = arith.cmpi ne, %convert_element_type3A, %cond3A : i32
        scf.if %cond3A_80 {
          %add3A_93 = arith.constant 1 : i32
          %add3A_94 = arith.addi %add3A_48, %add3A_93 : i32
          %shift_right_arithmetic3A_95 = arith.constant 4 : i32
          %shift_right_arithmetic3A_96 = arith.shrsi %add3A_94, %shift_right_arithmetic3A_95 : i32
          %mul3A_97 = arith.constant 2048 : i32
          %mul3A_98 = arith.muli %add3A, %mul3A_97 : i32
          %and3A_99 = arith.constant 15 : i32
          %and3A_100 = arith.andi %add3A_94, %and3A_99 : i32
          %mul3A_101 = arith.constant 128 : i32
          %mul3A_102 = arith.muli %and3A_100, %mul3A_101 : i32
          %add3A_103 = arith.addi %mul3A_98, %mul3A_102 : i32
          %mul3A_104 = arith.constant 10 : i32
          %mul3A_105 = arith.muli %add3A_103, %mul3A_104 : i32
          %sub3A = arith.constant 1 : i32
          %sub3A_106 = arith.subi %sub3A, %and3A_49 : i32
          %sub3A_107 = arith.constant 1 : i32
          %sub3A_108 = arith.subi %sub3A_107, %and3A_49 : i32
          %dma_start3A_109 = arith.constant 0 : i32
          %dma_start3A_110 = arith.constant 0 : i32
          %dma_start3A_111 = tpu.memref_slice %arg6[%sub3A_106, %dma_start3A_109, %dma_start3A_110] : memref<2x16x1280xf32, #tpu.memory_space<vmem>> -> memref<1x16x1280xf32, #tpu.memory_space<vmem>>
          %dma_start3A_112 = tpu.memref_squeeze %dma_start3A_111 : memref<1x16x1280xf32, #tpu.memory_space<vmem>> -> memref<16x1280xf32, #tpu.memory_space<vmem>>
          %dma_start3A_113 = arith.constant 0 : i32
          %dma_start3A_114 = tpu.memref_slice %arg2[%shift_right_arithmetic3A_96, %dma_start3A_113, %mul3A_105] : memref<8x16x655360xf32, #tpu.memory_space<hbm>> -> memref<1x16x1280xf32, #tpu.memory_space<hbm>>
          %dma_start3A_115 = tpu.memref_squeeze %dma_start3A_114 : memref<1x16x1280xf32, #tpu.memory_space<hbm>> -> memref<16x1280xf32, #tpu.memory_space<hbm>>
          %dma_start3A_116 = tpu.memref_slice %arg14[%sub3A_108] : memref<2x!tpu.dma_semaphore, #tpu.memory_space<semaphore_mem>> -> memref<1x!tpu.dma_semaphore, #tpu.memory_space<semaphore_mem>>
          %dma_start3A_117 = tpu.memref_squeeze %dma_start3A_116 : memref<1x!tpu.dma_semaphore, #tpu.memory_space<semaphore_mem>> -> memref<!tpu.dma_semaphore, #tpu.memory_space<semaphore_mem>>
          %dma_start3A_118 = arith.constant 0 : i32
          %dma_start3A_119 = arith.constant 0 : i32
          %dma_start3A_120 = tpu.memref_slice %arg6[%sub3A_106, %dma_start3A_118, %dma_start3A_119] : memref<2x16x1280xf32, #tpu.memory_space<vmem>> -> memref<1x16x1280xf32, #tpu.memory_space<vmem>>
          %dma_start3A_121 = tpu.memref_squeeze %dma_start3A_120 : memref<1x16x1280xf32, #tpu.memory_space<vmem>> -> memref<16x1280xf32, #tpu.memory_space<vmem>>
          %dma_start3A_122 = arith.constant 0 : i32
          %dma_start3A_123 = tpu.memref_slice %arg2[%shift_right_arithmetic3A_96, %dma_start3A_122, %mul3A_105] : memref<8x16x655360xf32, #tpu.memory_space<hbm>> -> memref<1x16x1280xf32, #tpu.memory_space<hbm>>
          %dma_start3A_124 = tpu.memref_squeeze %dma_start3A_123 : memref<1x16x1280xf32, #tpu.memory_space<hbm>> -> memref<16x1280xf32, #tpu.memory_space<hbm>>
          tpu.enqueue_dma source(%dma_start3A_124 : memref<16x1280xf32, #tpu.memory_space<hbm>>) target(%dma_start3A_121 : memref<16x1280xf32, #tpu.memory_space<vmem>>) target_semaphore(%dma_start3A_117 : memref<!tpu.dma_semaphore, #tpu.memory_space<semaphore_mem>>)
        } else {
        }
        %scan3A_81 = arith.constant 0 : i32
        %scan3A_82 = arith.constant 0 : i32
        %scan3A_83 = arith.constant 80 : i32
        %scan3A_84 = arith.addi %scan3A_82, %scan3A_83 : i32
        %scan3A_85 = arith.constant 1 : i32
        scf.for %scan3A_93 = %scan3A_82 to %scan3A_84 step %scan3A_85  : i32 {
          %mul3A_94 = arith.constant 16 : i32
          %mul3A_95 = arith.muli %scan3A_93, %mul3A_94 : i32
          %get3A = arith.constant 16 : index
          %get3A_96 = tpu.vector_load %arg13[%get3A] {strides = array<i32>} : memref<80xf32, #tpu.memory_space<vmem>>, vector<16xf32>,
          %bitcast_convert_type3A = tpu.bitcast %get3A_96 : vector<16xf32> -> vector<16xi32>
          %add3A_97 = arith.constant 32767 : i32
          %add3A_98 = vector.broadcast %add3A_97 : i32 to vector<16xi32>
          %add3A_99 = arith.addi %bitcast_convert_type3A, %add3A_98 : vector<16xi32>
          %shift_right_logical3A = arith.constant 16 : i32
          %shift_right_logical3A_100 = vector.broadcast %shift_right_logical3A : i32 to vector<16xi32>
          %shift_right_logical3A_101 = arith.shrui %bitcast_convert_type3A, %shift_right_logical3A_100 : vector<16xi32>
          %and3A_102 = arith.constant 1 : i32
          %and3A_103 = vector.broadcast %and3A_102 : i32 to vector<16xi32>
          %and3A_104 = arith.andi %shift_right_logical3A_101, %and3A_103 : vector<16xi32>
          %add3A_105 = arith.addi %add3A_99, %and3A_104 : vector<16xi32>
          %and3A_106 = arith.constant -65536 : i32
          %and3A_107 = vector.broadcast %and3A_106 : i32 to vector<16xi32>
          %and3A_108 = arith.andi %add3A_105, %and3A_107 : vector<16xi32>
          %bitcast_convert_type3A_109 = tpu.bitcast %and3A_108 : vector<16xi32> -> vector<16xf32>
          %get3A_110 = arith.constant 48 : index
          %get3A_111 = tpu.vector_load %arg13[%get3A_110] {strides = array<i32>} : memref<80xf32, #tpu.memory_space<vmem>>, vector<16xf32>,
          %broadcast_in_dim3A = arith.constant 0.000000e+00 : f32
          %broadcast_in_dim3A_112 = vector.broadcast %broadcast_in_dim3A : f32 to vector<16xf32>
          %broadcast_in_dim3A_113 = arith.constant 0.000000e+00 : f32
          %broadcast_in_dim3A_114 = vector.broadcast %broadcast_in_dim3A_113 : f32 to vector<16xf32>
          %broadcast_in_dim3A_115 = arith.constant 0.000000e+00 : f32
          %broadcast_in_dim3A_116 = vector.broadcast %broadcast_in_dim3A_115 : f32 to vector<16xf32>
          %broadcast_in_dim3A_117 = arith.constant 0.000000e+00 : f32
          %broadcast_in_dim3A_118 = vector.broadcast %broadcast_in_dim3A_117 : f32 to vector<16xf32>
          %broadcast_in_dim3A_119 = arith.constant 0.000000e+00 : f32
          %broadcast_in_dim3A_120 = vector.broadcast %broadcast_in_dim3A_119 : f32 to vector<16xf32>
          %broadcast_in_dim3A_121 = arith.constant 0.000000e+00 : f32
          %broadcast_in_dim3A_122 = vector.broadcast %broadcast_in_dim3A_121 : f32 to vector<16xf32>
          %broadcast_in_dim3A_123 = arith.constant 0.000000e+00 : f32
          %broadcast_in_dim3A_124 = vector.broadcast %broadcast_in_dim3A_123 : f32 to vector<16xf32>
          %broadcast_in_dim3A_125 = arith.constant 0.000000e+00 : f32
          %broadcast_in_dim3A_126 = vector.broadcast %broadcast_in_dim3A_125 : f32 to vector<16xf32>
          %get3A_127 = arith.constant 0 : i32
          %get3A_128 = arith.index_cast %and3A_49 : i32 to index
          %get3A_129 = arith.index_cast %get3A_127 : i32 to index
          %get3A_130 = arith.index_cast %mul3A_95 : i32 to index
          %get3A_131 = tpu.vector_load %arg6[%get3A_128, %get3A_129, %get3A_130] {strides = array<i32>} : memref<2x16x1280xf32, #tpu.memory_space<vmem>>, vector<16xf32>,
          %broadcast_in_dim3A_132 = arith.constant 0 : i32
          %broadcast_in_dim3A_133 = vector.broadcast %broadcast_in_dim3A_132 : i32 to vector<16xi32>
          %broadcast_in_dim3A_134 = vector.shape_cast %broadcast_in_dim3A_133 : vector<16xi32> to vector<16x1xi32>
          %gather3A = vector.shape_cast %broadcast_in_dim3A_134 : vector<16x1xi32> to vector<16xi32>
          %gather3A_135 = tpu.dynamic_gather %bitcast_convert_type3A_109[%gather3A] in [0] : vector<16xf32>, vector<16xi32> -> vector<16xf32>
          %bitcast_convert_type3A_136 = tpu.bitcast %get3A_131 : vector<16xf32> -> vector<16xi32>
          %add3A_137 = arith.constant 32767 : i32
          %add3A_138 = vector.broadcast %add3A_137 : i32 to vector<16xi32>
          %add3A_139 = arith.addi %bitcast_convert_type3A_136, %add3A_138 : vector<16xi32>
          %shift_right_logical3A_140 = arith.constant 16 : i32
          %shift_right_logical3A_141 = vector.broadcast %shift_right_logical3A_140 : i32 to vector<16xi32>
          %shift_right_logical3A_142 = arith.shrui %bitcast_convert_type3A_136, %shift_right_logical3A_141 : vector<16xi32>
          %and3A_143 = arith.constant 1 : i32
          %and3A_144 = vector.broadcast %and3A_143 : i32 to vector<16xi32>
          %and3A_145 = arith.andi %shift_right_logical3A_142, %and3A_144 : vector<16xi32>
          %add3A_146 = arith.addi %add3A_139, %and3A_145 : vector<16xi32>
          %and3A_147 = arith.constant -65536 : i32
          %and3A_148 = vector.broadcast %and3A_147 : i32 to vector<16xi32>
          %and3A_149 = arith.andi %add3A_146, %and3A_148 : vector<16xi32>
          %bitcast_convert_type3A_150 = tpu.bitcast %and3A_149 : vector<16xi32> -> vector<16xf32>
          %mul3A_151 = arith.mulf %gather3A_135, %bitcast_convert_type3A_150 : vector<16xf32>
          %add3A_152 = arith.addf %broadcast_in_dim3A_112, %mul3A_151 : vector<16xf32>
          %broadcast_in_dim3A_153 = arith.constant 0 : i32
          %broadcast_in_dim3A_154 = vector.broadcast %broadcast_in_dim3A_153 : i32 to vector<16xi32>
          %broadcast_in_dim3A_155 = vector.shape_cast %broadcast_in_dim3A_154 : vector<16xi32> to vector<16x1xi32>
          %gather3A_156 = vector.shape_cast %broadcast_in_dim3A_155 : vector<16x1xi32> to vector<16xi32>
          %gather3A_157 = tpu.dynamic_gather %get3A_111[%gather3A_156] in [0] : vector<16xf32>, vector<16xi32> -> vector<16xf32>
          %mul3A_158 = arith.mulf %gather3A_157, %get3A_131 : vector<16xf32>
          %add3A_159 = arith.addf %broadcast_in_dim3A_120, %mul3A_158 : vector<16xf32>
          %get3A_160 = arith.constant 1 : i32
          %get3A_161 = arith.index_cast %and3A_49 : i32 to index
          %get3A_162 = arith.index_cast %get3A_160 : i32 to index
          %get3A_163 = arith.index_cast %mul3A_95 : i32 to index
          %get3A_164 = tpu.vector_load %arg6[%get3A_161, %get3A_162, %get3A_163] {strides = array<i32>} : memref<2x16x1280xf32, #tpu.memory_space<vmem>>, vector<16xf32>,
          %broadcast_in_dim3A_165 = arith.constant 1 : i32
          %broadcast_in_dim3A_166 = vector.broadcast %broadcast_in_dim3A_165 : i32 to vector<16xi32>
          %broadcast_in_dim3A_167 = vector.shape_cast %broadcast_in_dim3A_166 : vector<16xi32> to vector<16x1xi32>
          %gather3A_168 = vector.shape_cast %broadcast_in_dim3A_167 : vector<16x1xi32> to vector<16xi32>
          %gather3A_169 = tpu.dynamic_gather %bitcast_convert_type3A_109[%gather3A_168] in [0] : vector<16xf32>, vector<16xi32> -> vector<16xf32>
          %bitcast_convert_type3A_170 = tpu.bitcast %get3A_164 : vector<16xf32> -> vector<16xi32>
          %add3A_171 = arith.constant 32767 : i32
          %add3A_172 = vector.broadcast %add3A_171 : i32 to vector<16xi32>
          %add3A_173 = arith.addi %bitcast_convert_type3A_170, %add3A_172 : vector<16xi32>
          %shift_right_logical3A_174 = arith.constant 16 : i32
          %shift_right_logical3A_175 = vector.broadcast %shift_right_logical3A_174 : i32 to vector<16xi32>
          %shift_right_logical3A_176 = arith.shrui %bitcast_convert_type3A_170, %shift_right_logical3A_175 : vector<16xi32>
          %and3A_177 = arith.constant 1 : i32
          %and3A_178 = vector.broadcast %and3A_177 : i32 to vector<16xi32>
          %and3A_179 = arith.andi %shift_right_logical3A_176, %and3A_178 : vector<16xi32>
          %add3A_180 = arith.addi %add3A_173, %and3A_179 : vector<16xi32>
          %and3A_181 = arith.constant -65536 : i32
          %and3A_182 = vector.broadcast %and3A_181 : i32 to vector<16xi32>
          %and3A_183 = arith.andi %add3A_180, %and3A_182 : vector<16xi32>
          %bitcast_convert_type3A_184 = tpu.bitcast %and3A_183 : vector<16xi32> -> vector<16xf32>
          %mul3A_185 = arith.mulf %gather3A_169, %bitcast_convert_type3A_184 : vector<16xf32>
          %add3A_186 = arith.addf %broadcast_in_dim3A_114, %mul3A_185 : vector<16xf32>
          %broadcast_in_dim3A_187 = arith.constant 1 : i32
          %broadcast_in_dim3A_188 = vector.broadcast %broadcast_in_dim3A_187 : i32 to vector<16xi32>
          %broadcast_in_dim3A_189 = vector.shape_cast %broadcast_in_dim3A_188 : vector<16xi32> to vector<16x1xi32>
          %gather3A_190 = vector.shape_cast %broadcast_in_dim3A_189 : vector<16x1xi32> to vector<16xi32>
          %gather3A_191 = tpu.dynamic_gather %get3A_111[%gather3A_190] in [0] : vector<16xf32>, vector<16xi32> -> vector<16xf32>
          %mul3A_192 = arith.mulf %gather3A_191, %get3A_164 : vector<16xf32>
          %add3A_193 = arith.addf %broadcast_in_dim3A_122, %mul3A_192 : vector<16xf32>
          %get3A_194 = arith.constant 2 : i32
          %get3A_195 = arith.index_cast %and3A_49 : i32 to index
          %get3A_196 = arith.index_cast %get3A_194 : i32 to index
          %get3A_197 = arith.index_cast %mul3A_95 : i32 to index
          %get3A_198 = tpu.vector_load %arg6[%get3A_195, %get3A_196, %get3A_197] {strides = array<i32>} : memref<2x16x1280xf32, #tpu.memory_space<vmem>>, vector<16xf32>,
          %broadcast_in_dim3A_199 = arith.constant 2 : i32
          %broadcast_in_dim3A_200 = vector.broadcast %broadcast_in_dim3A_199 : i32 to vector<16xi32>
          %broadcast_in_dim3A_201 = vector.shape_cast %broadcast_in_dim3A_200 : vector<16xi32> to vector<16x1xi32>
          %gather3A_202 = vector.shape_cast %broadcast_in_dim3A_201 : vector<16x1xi32> to vector<16xi32>
          %gather3A_203 = tpu.dynamic_gather %bitcast_convert_type3A_109[%gather3A_202] in [0] : vector<16xf32>, vector<16xi32> -> vector<16xf32>
          %bitcast_convert_type3A_204 = tpu.bitcast %get3A_198 : vector<16xf32> -> vector<16xi32>
          %add3A_205 = arith.constant 32767 : i32
          %add3A_206 = vector.broadcast %add3A_205 : i32 to vector<16xi32>
          %add3A_207 = arith.addi %bitcast_convert_type3A_204, %add3A_206 : vector<16xi32>
          %shift_right_logical3A_208 = arith.constant 16 : i32
          %shift_right_logical3A_209 = vector.broadcast %shift_right_logical3A_208 : i32 to vector<16xi32>
          %shift_right_logical3A_210 = arith.shrui %bitcast_convert_type3A_204, %shift_right_logical3A_209 : vector<16xi32>
          %and3A_211 = arith.constant 1 : i32
          %and3A_212 = vector.broadcast %and3A_211 : i32 to vector<16xi32>
          %and3A_213 = arith.andi %shift_right_logical3A_210, %and3A_212 : vector<16xi32>
          %add3A_214 = arith.addi %add3A_207, %and3A_213 : vector<16xi32>
          %and3A_215 = arith.constant -65536 : i32
          %and3A_216 = vector.broadcast %and3A_215 : i32 to vector<16xi32>
          %and3A_217 = arith.andi %add3A_214, %and3A_216 : vector<16xi32>
          %bitcast_convert_type3A_218 = tpu.bitcast %and3A_217 : vector<16xi32> -> vector<16xf32>
          %mul3A_219 = arith.mulf %gather3A_203, %bitcast_convert_type3A_218 : vector<16xf32>
          %add3A_220 = arith.addf %broadcast_in_dim3A_116, %mul3A_219 : vector<16xf32>
          %broadcast_in_dim3A_221 = arith.constant 2 : i32
          %broadcast_in_dim3A_222 = vector.broadcast %broadcast_in_dim3A_221 : i32 to vector<16xi32>
          %broadcast_in_dim3A_223 = vector.shape_cast %broadcast_in_dim3A_222 : vector<16xi32> to vector<16x1xi32>
          %gather3A_224 = vector.shape_cast %broadcast_in_dim3A_223 : vector<16x1xi32> to vector<16xi32>
          %gather3A_225 = tpu.dynamic_gather %get3A_111[%gather3A_224] in [0] : vector<16xf32>, vector<16xi32> -> vector<16xf32>
          %mul3A_226 = arith.mulf %gather3A_225, %get3A_198 : vector<16xf32>
          %add3A_227 = arith.addf %broadcast_in_dim3A_124, %mul3A_226 : vector<16xf32>
          %get3A_228 = arith.constant 3 : i32
          %get3A_229 = arith.index_cast %and3A_49 : i32 to index
          %get3A_230 = arith.index_cast %get3A_228 : i32 to index
          %get3A_231 = arith.index_cast %mul3A_95 : i32 to index
          %get3A_232 = tpu.vector_load %arg6[%get3A_229, %get3A_230, %get3A_231] {strides = array<i32>} : memref<2x16x1280xf32, #tpu.memory_space<vmem>>, vector<16xf32>,
          %broadcast_in_dim3A_233 = arith.constant 3 : i32
          %broadcast_in_dim3A_234 = vector.broadcast %broadcast_in_dim3A_233 : i32 to vector<16xi32>
          %broadcast_in_dim3A_235 = vector.shape_cast %broadcast_in_dim3A_234 : vector<16xi32> to vector<16x1xi32>
          %gather3A_236 = vector.shape_cast %broadcast_in_dim3A_235 : vector<16x1xi32> to vector<16xi32>
          %gather3A_237 = tpu.dynamic_gather %bitcast_convert_type3A_109[%gather3A_236] in [0] : vector<16xf32>, vector<16xi32> -> vector<16xf32>
          %bitcast_convert_type3A_238 = tpu.bitcast %get3A_232 : vector<16xf32> -> vector<16xi32>
          %add3A_239 = arith.constant 32767 : i32
          %add3A_240 = vector.broadcast %add3A_239 : i32 to vector<16xi32>
          %add3A_241 = arith.addi %bitcast_convert_type3A_238, %add3A_240 : vector<16xi32>
          %shift_right_logical3A_242 = arith.constant 16 : i32
          %shift_right_logical3A_243 = vector.broadcast %shift_right_logical3A_242 : i32 to vector<16xi32>
          %shift_right_logical3A_244 = arith.shrui %bitcast_convert_type3A_238, %shift_right_logical3A_243 : vector<16xi32>
          %and3A_245 = arith.constant 1 : i32
          %and3A_246 = vector.broadcast %and3A_245 : i32 to vector<16xi32>
          %and3A_247 = arith.andi %shift_right_logical3A_244, %and3A_246 : vector<16xi32>
          %add3A_248 = arith.addi %add3A_241, %and3A_247 : vector<16xi32>
          %and3A_249 = arith.constant -65536 : i32
          %and3A_250 = vector.broadcast %and3A_249 : i32 to vector<16xi32>
          %and3A_251 = arith.andi %add3A_248, %and3A_250 : vector<16xi32>
          %bitcast_convert_type3A_252 = tpu.bitcast %and3A_251 : vector<16xi32> -> vector<16xf32>
          %mul3A_253 = arith.mulf %gather3A_237, %bitcast_convert_type3A_252 : vector<16xf32>
          %add3A_254 = arith.addf %broadcast_in_dim3A_118, %mul3A_253 : vector<16xf32>
          %broadcast_in_dim3A_255 = arith.constant 3 : i32
          %broadcast_in_dim3A_256 = vector.broadcast %broadcast_in_dim3A_255 : i32 to vector<16xi32>
          %broadcast_in_dim3A_257 = vector.shape_cast %broadcast_in_dim3A_256 : vector<16xi32> to vector<16x1xi32>
          %gather3A_258 = vector.shape_cast %broadcast_in_dim3A_257 : vector<16x1xi32> to vector<16xi32>
          %gather3A_259 = tpu.dynamic_gather %get3A_111[%gather3A_258] in [0] : vector<16xf32>, vector<16xi32> -> vector<16xf32>
          %mul3A_260 = arith.mulf %gather3A_259, %get3A_232 : vector<16xf32>
          %add3A_261 = arith.addf %broadcast_in_dim3A_126, %mul3A_260 : vector<16xf32>
          %get3A_262 = arith.constant 4 : i32
          %get3A_263 = arith.index_cast %and3A_49 : i32 to index
          %get3A_264 = arith.index_cast %get3A_262 : i32 to index
          %get3A_265 = arith.index_cast %mul3A_95 : i32 to index
          %get3A_266 = tpu.vector_load %arg6[%get3A_263, %get3A_264, %get3A_265] {strides = array<i32>} : memref<2x16x1280xf32, #tpu.memory_space<vmem>>, vector<16xf32>,
          %broadcast_in_dim3A_267 = arith.constant 4 : i32
          %broadcast_in_dim3A_268 = vector.broadcast %broadcast_in_dim3A_267 : i32 to vector<16xi32>
          %broadcast_in_dim3A_269 = vector.shape_cast %broadcast_in_dim3A_268 : vector<16xi32> to vector<16x1xi32>
          %gather3A_270 = vector.shape_cast %broadcast_in_dim3A_269 : vector<16x1xi32> to vector<16xi32>
          %gather3A_271 = tpu.dynamic_gather %bitcast_convert_type3A_109[%gather3A_270] in [0] : vector<16xf32>, vector<16xi32> -> vector<16xf32>
          %bitcast_convert_type3A_272 = tpu.bitcast %get3A_266 : vector<16xf32> -> vector<16xi32>
          %add3A_273 = arith.constant 32767 : i32
          %add3A_274 = vector.broadcast %add3A_273 : i32 to vector<16xi32>
          %add3A_275 = arith.addi %bitcast_convert_type3A_272, %add3A_274 : vector<16xi32>
          %shift_right_logical3A_276 = arith.constant 16 : i32
          %shift_right_logical3A_277 = vector.broadcast %shift_right_logical3A_276 : i32 to vector<16xi32>
          %shift_right_logical3A_278 = arith.shrui %bitcast_convert_type3A_272, %shift_right_logical3A_277 : vector<16xi32>
          %and3A_279 = arith.constant 1 : i32
          %and3A_280 = vector.broadcast %and3A_279 : i32 to vector<16xi32>
          %and3A_281 = arith.andi %shift_right_logical3A_278, %and3A_280 : vector<16xi32>
          %add3A_282 = arith.addi %add3A_275, %and3A_281 : vector<16xi32>
          %and3A_283 = arith.constant -65536 : i32
          %and3A_284 = vector.broadcast %and3A_283 : i32 to vector<16xi32>
          %and3A_285 = arith.andi %add3A_282, %and3A_284 : vector<16xi32>
          %bitcast_convert_type3A_286 = tpu.bitcast %and3A_285 : vector<16xi32> -> vector<16xf32>
          %mul3A_287 = arith.mulf %gather3A_271, %bitcast_convert_type3A_286 : vector<16xf32>
          %add3A_288 = arith.addf %add3A_152, %mul3A_287 : vector<16xf32>
          %broadcast_in_dim3A_289 = arith.constant 4 : i32
          %broadcast_in_dim3A_290 = vector.broadcast %broadcast_in_dim3A_289 : i32 to vector<16xi32>
          %broadcast_in_dim3A_291 = vector.shape_cast %broadcast_in_dim3A_290 : vector<16xi32> to vector<16x1xi32>
          %gather3A_292 = vector.shape_cast %broadcast_in_dim3A_291 : vector<16x1xi32> to vector<16xi32>
          %gather3A_293 = tpu.dynamic_gather %get3A_111[%gather3A_292] in [0] : vector<16xf32>, vector<16xi32> -> vector<16xf32>
          %mul3A_294 = arith.mulf %gather3A_293, %get3A_266 : vector<16xf32>
          %add3A_295 = arith.addf %add3A_159, %mul3A_294 : vector<16xf32>
          %get3A_296 = arith.constant 5 : i32
          %get3A_297 = arith.index_cast %and3A_49 : i32 to index
          %get3A_298 = arith.index_cast %get3A_296 : i32 to index
          %get3A_299 = arith.index_cast %mul3A_95 : i32 to index
          %get3A_300 = tpu.vector_load %arg6[%get3A_297, %get3A_298, %get3A_299] {strides = array<i32>} : memref<2x16x1280xf32, #tpu.memory_space<vmem>>, vector<16xf32>,
          %broadcast_in_dim3A_301 = arith.constant 5 : i32
          %broadcast_in_dim3A_302 = vector.broadcast %broadcast_in_dim3A_301 : i32 to vector<16xi32>
          %broadcast_in_dim3A_303 = vector.shape_cast %broadcast_in_dim3A_302 : vector<16xi32> to vector<16x1xi32>
          %gather3A_304 = vector.shape_cast %broadcast_in_dim3A_303 : vector<16x1xi32> to vector<16xi32>
          %gather3A_305 = tpu.dynamic_gather %bitcast_convert_type3A_109[%gather3A_304] in [0] : vector<16xf32>, vector<16xi32> -> vector<16xf32>
          %bitcast_convert_type3A_306 = tpu.bitcast %get3A_300 : vector<16xf32> -> vector<16xi32>
          %add3A_307 = arith.constant 32767 : i32
          %add3A_308 = vector.broadcast %add3A_307 : i32 to vector<16xi32>
          %add3A_309 = arith.addi %bitcast_convert_type3A_306, %add3A_308 : vector<16xi32>
          %shift_right_logical3A_310 = arith.constant 16 : i32
          %shift_right_logical3A_311 = vector.broadcast %shift_right_logical3A_310 : i32 to vector<16xi32>
          %shift_right_logical3A_312 = arith.shrui %bitcast_convert_type3A_306, %shift_right_logical3A_311 : vector<16xi32>
          %and3A_313 = arith.constant 1 : i32
          %and3A_314 = vector.broadcast %and3A_313 : i32 to vector<16xi32>
          %and3A_315 = arith.andi %shift_right_logical3A_312, %and3A_314 : vector<16xi32>
          %add3A_316 = arith.addi %add3A_309, %and3A_315 : vector<16xi32>
          %and3A_317 = arith.constant -65536 : i32
          %and3A_318 = vector.broadcast %and3A_317 : i32 to vector<16xi32>
          %and3A_319 = arith.andi %add3A_316, %and3A_318 : vector<16xi32>
          %bitcast_convert_type3A_320 = tpu.bitcast %and3A_319 : vector<16xi32> -> vector<16xf32>
          %mul3A_321 = arith.mulf %gather3A_305, %bitcast_convert_type3A_320 : vector<16xf32>
          %add3A_322 = arith.addf %add3A_186, %mul3A_321 : vector<16xf32>
          %broadcast_in_dim3A_323 = arith.constant 5 : i32
          %broadcast_in_dim3A_324 = vector.broadcast %broadcast_in_dim3A_323 : i32 to vector<16xi32>
          %broadcast_in_dim3A_325 = vector.shape_cast %broadcast_in_dim3A_324 : vector<16xi32> to vector<16x1xi32>
          %gather3A_326 = vector.shape_cast %broadcast_in_dim3A_325 : vector<16x1xi32> to vector<16xi32>
          %gather3A_327 = tpu.dynamic_gather %get3A_111[%gather3A_326] in [0] : vector<16xf32>, vector<16xi32> -> vector<16xf32>
          %mul3A_328 = arith.mulf %gather3A_327, %get3A_300 : vector<16xf32>
          %add3A_329 = arith.addf %add3A_193, %mul3A_328 : vector<16xf32>
          %get3A_330 = arith.constant 6 : i32
          %get3A_331 = arith.index_cast %and3A_49 : i32 to index
          %get3A_332 = arith.index_cast %get3A_330 : i32 to index
          %get3A_333 = arith.index_cast %mul3A_95 : i32 to index
          %get3A_334 = tpu.vector_load %arg6[%get3A_331, %get3A_332, %get3A_333] {strides = array<i32>} : memref<2x16x1280xf32, #tpu.memory_space<vmem>>, vector<16xf32>,
          %broadcast_in_dim3A_335 = arith.constant 6 : i32
          %broadcast_in_dim3A_336 = vector.broadcast %broadcast_in_dim3A_335 : i32 to vector<16xi32>
          %broadcast_in_dim3A_337 = vector.shape_cast %broadcast_in_dim3A_336 : vector<16xi32> to vector<16x1xi32>
          %gather3A_338 = vector.shape_cast %broadcast_in_dim3A_337 : vector<16x1xi32> to vector<16xi32>
          %gather3A_339 = tpu.dynamic_gather %bitcast_convert_type3A_109[%gather3A_338] in [0] : vector<16xf32>, vector<16xi32> -> vector<16xf32>
          %bitcast_convert_type3A_340 = tpu.bitcast %get3A_334 : vector<16xf32> -> vector<16xi32>
          %add3A_341 = arith.constant 32767 : i32
          %add3A_342 = vector.broadcast %add3A_341 : i32 to vector<16xi32>
          %add3A_343 = arith.addi %bitcast_convert_type3A_340, %add3A_342 : vector<16xi32>
          %shift_right_logical3A_344 = arith.constant 16 : i32
          %shift_right_logical3A_345 = vector.broadcast %shift_right_logical3A_344 : i32 to vector<16xi32>
          %shift_right_logical3A_346 = arith.shrui %bitcast_convert_type3A_340, %shift_right_logical3A_345 : vector<16xi32>
          %and3A_347 = arith.constant 1 : i32
          %and3A_348 = vector.broadcast %and3A_347 : i32 to vector<16xi32>
          %and3A_349 = arith.andi %shift_right_logical3A_346, %and3A_348 : vector<16xi32>
          %add3A_350 = arith.addi %add3A_343, %and3A_349 : vector<16xi32>
          %and3A_351 = arith.constant -65536 : i32
          %and3A_352 = vector.broadcast %and3A_351 : i32 to vector<16xi32>
          %and3A_353 = arith.andi %add3A_350, %and3A_352 : vector<16xi32>
          %bitcast_convert_type3A_354 = tpu.bitcast %and3A_353 : vector<16xi32> -> vector<16xf32>
          %mul3A_355 = arith.mulf %gather3A_339, %bitcast_convert_type3A_354 : vector<16xf32>
          %add3A_356 = arith.addf %add3A_220, %mul3A_355 : vector<16xf32>
          %broadcast_in_dim3A_357 = arith.constant 6 : i32
          %broadcast_in_dim3A_358 = vector.broadcast %broadcast_in_dim3A_357 : i32 to vector<16xi32>
          %broadcast_in_dim3A_359 = vector.shape_cast %broadcast_in_dim3A_358 : vector<16xi32> to vector<16x1xi32>
          %gather3A_360 = vector.shape_cast %broadcast_in_dim3A_359 : vector<16x1xi32> to vector<16xi32>
          %gather3A_361 = tpu.dynamic_gather %get3A_111[%gather3A_360] in [0] : vector<16xf32>, vector<16xi32> -> vector<16xf32>
          %mul3A_362 = arith.mulf %gather3A_361, %get3A_334 : vector<16xf32>
          %add3A_363 = arith.addf %add3A_227, %mul3A_362 : vector<16xf32>
          %get3A_364 = arith.constant 7 : i32
          %get3A_365 = arith.index_cast %and3A_49 : i32 to index
          %get3A_366 = arith.index_cast %get3A_364 : i32 to index
          %get3A_367 = arith.index_cast %mul3A_95 : i32 to index
          %get3A_368 = tpu.vector_load %arg6[%get3A_365, %get3A_366, %get3A_367] {strides = array<i32>} : memref<2x16x1280xf32, #tpu.memory_space<vmem>>, vector<16xf32>,
          %broadcast_in_dim3A_369 = arith.constant 7 : i32
          %broadcast_in_dim3A_370 = vector.broadcast %broadcast_in_dim3A_369 : i32 to vector<16xi32>
          %broadcast_in_dim3A_371 = vector.shape_cast %broadcast_in_dim3A_370 : vector<16xi32> to vector<16x1xi32>
          %gather3A_372 = vector.shape_cast %broadcast_in_dim3A_371 : vector<16x1xi32> to vector<16xi32>
          %gather3A_373 = tpu.dynamic_gather %bitcast_convert_type3A_109[%gather3A_372] in [0] : vector<16xf32>, vector<16xi32> -> vector<16xf32>
          %bitcast_convert_type3A_374 = tpu.bitcast %get3A_368 : vector<16xf32> -> vector<16xi32>
          %add3A_375 = arith.constant 32767 : i32
          %add3A_376 = vector.broadcast %add3A_375 : i32 to vector<16xi32>
          %add3A_377 = arith.addi %bitcast_convert_type3A_374, %add3A_376 : vector<16xi32>
          %shift_right_logical3A_378 = arith.constant 16 : i32
          %shift_right_logical3A_379 = vector.broadcast %shift_right_logical3A_378 : i32 to vector<16xi32>
          %shift_right_logical3A_380 = arith.shrui %bitcast_convert_type3A_374, %shift_right_logical3A_379 : vector<16xi32>
          %and3A_381 = arith.constant 1 : i32
          %and3A_382 = vector.broadcast %and3A_381 : i32 to vector<16xi32>
          %and3A_383 = arith.andi %shift_right_logical3A_380, %and3A_382 : vector<16xi32>
          %add3A_384 = arith.addi %add3A_377, %and3A_383 : vector<16xi32>
          %and3A_385 = arith.constant -65536 : i32
          %and3A_386 = vector.broadcast %and3A_385 : i32 to vector<16xi32>
          %and3A_387 = arith.andi %add3A_384, %and3A_386 : vector<16xi32>
          %bitcast_convert_type3A_388 = tpu.bitcast %and3A_387 : vector<16xi32> -> vector<16xf32>
          %mul3A_389 = arith.mulf %gather3A_373, %bitcast_convert_type3A_388 : vector<16xf32>
          %add3A_390 = arith.addf %add3A_254, %mul3A_389 : vector<16xf32>
          %broadcast_in_dim3A_391 = arith.constant 7 : i32
          %broadcast_in_dim3A_392 = vector.broadcast %broadcast_in_dim3A_391 : i32 to vector<16xi32>
          %broadcast_in_dim3A_393 = vector.shape_cast %broadcast_in_dim3A_392 : vector<16xi32> to vector<16x1xi32>
          %gather3A_394 = vector.shape_cast %broadcast_in_dim3A_393 : vector<16x1xi32> to vector<16xi32>
          %gather3A_395 = tpu.dynamic_gather %get3A_111[%gather3A_394] in [0] : vector<16xf32>, vector<16xi32> -> vector<16xf32>
          %mul3A_396 = arith.mulf %gather3A_395, %get3A_368 : vector<16xf32>
          %add3A_397 = arith.addf %add3A_261, %mul3A_396 : vector<16xf32>
          %get3A_398 = arith.constant 8 : i32
          %get3A_399 = arith.index_cast %and3A_49 : i32 to index
          %get3A_400 = arith.index_cast %get3A_398 : i32 to index
          %get3A_401 = arith.index_cast %mul3A_95 : i32 to index
          %get3A_402 = tpu.vector_load %arg6[%get3A_399, %get3A_400, %get3A_401] {strides = array<i32>} : memref<2x16x1280xf32, #tpu.memory_space<vmem>>, vector<16xf32>,
          %broadcast_in_dim3A_403 = arith.constant 8 : i32
          %broadcast_in_dim3A_404 = vector.broadcast %broadcast_in_dim3A_403 : i32 to vector<16xi32>
          %broadcast_in_dim3A_405 = vector.shape_cast %broadcast_in_dim3A_404 : vector<16xi32> to vector<16x1xi32>
          %gather3A_406 = vector.shape_cast %broadcast_in_dim3A_405 : vector<16x1xi32> to vector<16xi32>
          %gather3A_407 = tpu.dynamic_gather %bitcast_convert_type3A_109[%gather3A_406] in [0] : vector<16xf32>, vector<16xi32> -> vector<16xf32>
          %bitcast_convert_type3A_408 = tpu.bitcast %get3A_402 : vector<16xf32> -> vector<16xi32>
          %add3A_409 = arith.constant 32767 : i32
          %add3A_410 = vector.broadcast %add3A_409 : i32 to vector<16xi32>
          %add3A_411 = arith.addi %bitcast_convert_type3A_408, %add3A_410 : vector<16xi32>
          %shift_right_logical3A_412 = arith.constant 16 : i32
          %shift_right_logical3A_413 = vector.broadcast %shift_right_logical3A_412 : i32 to vector<16xi32>
          %shift_right_logical3A_414 = arith.shrui %bitcast_convert_type3A_408, %shift_right_logical3A_413 : vector<16xi32>
          %and3A_415 = arith.constant 1 : i32
          %and3A_416 = vector.broadcast %and3A_415 : i32 to vector<16xi32>
          %and3A_417 = arith.andi %shift_right_logical3A_414, %and3A_416 : vector<16xi32>
          %add3A_418 = arith.addi %add3A_411, %and3A_417 : vector<16xi32>
          %and3A_419 = arith.constant -65536 : i32
          %and3A_420 = vector.broadcast %and3A_419 : i32 to vector<16xi32>
          %and3A_421 = arith.andi %add3A_418, %and3A_420 : vector<16xi32>
          %bitcast_convert_type3A_422 = tpu.bitcast %and3A_421 : vector<16xi32> -> vector<16xf32>
          %mul3A_423 = arith.mulf %gather3A_407, %bitcast_convert_type3A_422 : vector<16xf32>
          %add3A_424 = arith.addf %add3A_288, %mul3A_423 : vector<16xf32>
          %broadcast_in_dim3A_425 = arith.constant 8 : i32
          %broadcast_in_dim3A_426 = vector.broadcast %broadcast_in_dim3A_425 : i32 to vector<16xi32>
          %broadcast_in_dim3A_427 = vector.shape_cast %broadcast_in_dim3A_426 : vector<16xi32> to vector<16x1xi32>
          %gather3A_428 = vector.shape_cast %broadcast_in_dim3A_427 : vector<16x1xi32> to vector<16xi32>
          %gather3A_429 = tpu.dynamic_gather %get3A_111[%gather3A_428] in [0] : vector<16xf32>, vector<16xi32> -> vector<16xf32>
          %mul3A_430 = arith.mulf %gather3A_429, %get3A_402 : vector<16xf32>
          %add3A_431 = arith.addf %add3A_295, %mul3A_430 : vector<16xf32>
          %get3A_432 = arith.constant 9 : i32
          %get3A_433 = arith.index_cast %and3A_49 : i32 to index
          %get3A_434 = arith.index_cast %get3A_432 : i32 to index
          %get3A_435 = arith.index_cast %mul3A_95 : i32 to index
          %get3A_436 = tpu.vector_load %arg6[%get3A_433, %get3A_434, %get3A_435] {strides = array<i32>} : memref<2x16x1280xf32, #tpu.memory_space<vmem>>, vector<16xf32>,
          %broadcast_in_dim3A_437 = arith.constant 9 : i32
          %broadcast_in_dim3A_438 = vector.broadcast %broadcast_in_dim3A_437 : i32 to vector<16xi32>
          %broadcast_in_dim3A_439 = vector.shape_cast %broadcast_in_dim3A_438 : vector<16xi32> to vector<16x1xi32>
          %gather3A_440 = vector.shape_cast %broadcast_in_dim3A_439 : vector<16x1xi32> to vector<16xi32>
          %gather3A_441 = tpu.dynamic_gather %bitcast_convert_type3A_109[%gather3A_440] in [0] : vector<16xf32>, vector<16xi32> -> vector<16xf32>
          %bitcast_convert_type3A_442 = tpu.bitcast %get3A_436 : vector<16xf32> -> vector<16xi32>
          %add3A_443 = arith.constant 32767 : i32
          %add3A_444 = vector.broadcast %add3A_443 : i32 to vector<16xi32>
          %add3A_445 = arith.addi %bitcast_convert_type3A_442, %add3A_444 : vector<16xi32>
          %shift_right_logical3A_446 = arith.constant 16 : i32
          %shift_right_logical3A_447 = vector.broadcast %shift_right_logical3A_446 : i32 to vector<16xi32>
          %shift_right_logical3A_448 = arith.shrui %bitcast_convert_type3A_442, %shift_right_logical3A_447 : vector<16xi32>
          %and3A_449 = arith.constant 1 : i32
          %and3A_450 = vector.broadcast %and3A_449 : i32 to vector<16xi32>
          %and3A_451 = arith.andi %shift_right_logical3A_448, %and3A_450 : vector<16xi32>
          %add3A_452 = arith.addi %add3A_445, %and3A_451 : vector<16xi32>
          %and3A_453 = arith.constant -65536 : i32
          %and3A_454 = vector.broadcast %and3A_453 : i32 to vector<16xi32>
          %and3A_455 = arith.andi %add3A_452, %and3A_454 : vector<16xi32>
          %bitcast_convert_type3A_456 = tpu.bitcast %and3A_455 : vector<16xi32> -> vector<16xf32>
          %mul3A_457 = arith.mulf %gather3A_441, %bitcast_convert_type3A_456 : vector<16xf32>
          %add3A_458 = arith.addf %add3A_322, %mul3A_457 : vector<16xf32>
          %broadcast_in_dim3A_459 = arith.constant 9 : i32
          %broadcast_in_dim3A_460 = vector.broadcast %broadcast_in_dim3A_459 : i32 to vector<16xi32>
          %broadcast_in_dim3A_461 = vector.shape_cast %broadcast_in_dim3A_460 : vector<16xi32> to vector<16x1xi32>
          %gather3A_462 = vector.shape_cast %broadcast_in_dim3A_461 : vector<16x1xi32> to vector<16xi32>
          %gather3A_463 = tpu.dynamic_gather %get3A_111[%gather3A_462] in [0] : vector<16xf32>, vector<16xi32> -> vector<16xf32>
          %mul3A_464 = arith.mulf %gather3A_463, %get3A_436 : vector<16xf32>
          %add3A_465 = arith.addf %add3A_329, %mul3A_464 : vector<16xf32>
          %get3A_466 = arith.constant 10 : i32
          %get3A_467 = arith.index_cast %and3A_49 : i32 to index
          %get3A_468 = arith.index_cast %get3A_466 : i32 to index
          %get3A_469 = arith.index_cast %mul3A_95 : i32 to index
          %get3A_470 = tpu.vector_load %arg6[%get3A_467, %get3A_468, %get3A_469] {strides = array<i32>} : memref<2x16x1280xf32, #tpu.memory_space<vmem>>, vector<16xf32>,
          %broadcast_in_dim3A_471 = arith.constant 10 : i32
          %broadcast_in_dim3A_472 = vector.broadcast %broadcast_in_dim3A_471 : i32 to vector<16xi32>
          %broadcast_in_dim3A_473 = vector.shape_cast %broadcast_in_dim3A_472 : vector<16xi32> to vector<16x1xi32>
          %gather3A_474 = vector.shape_cast %broadcast_in_dim3A_473 : vector<16x1xi32> to vector<16xi32>
          %gather3A_475 = tpu.dynamic_gather %bitcast_convert_type3A_109[%gather3A_474] in [0] : vector<16xf32>, vector<16xi32> -> vector<16xf32>
          %bitcast_convert_type3A_476 = tpu.bitcast %get3A_470 : vector<16xf32> -> vector<16xi32>
          %add3A_477 = arith.constant 32767 : i32
          %add3A_478 = vector.broadcast %add3A_477 : i32 to vector<16xi32>
          %add3A_479 = arith.addi %bitcast_convert_type3A_476, %add3A_478 : vector<16xi32>
          %shift_right_logical3A_480 = arith.constant 16 : i32
          %shift_right_logical3A_481 = vector.broadcast %shift_right_logical3A_480 : i32 to vector<16xi32>
          %shift_right_logical3A_482 = arith.shrui %bitcast_convert_type3A_476, %shift_right_logical3A_481 : vector<16xi32>
          %and3A_483 = arith.constant 1 : i32
          %and3A_484 = vector.broadcast %and3A_483 : i32 to vector<16xi32>
          %and3A_485 = arith.andi %shift_right_logical3A_482, %and3A_484 : vector<16xi32>
          %add3A_486 = arith.addi %add3A_479, %and3A_485 : vector<16xi32>
          %and3A_487 = arith.constant -65536 : i32
          %and3A_488 = vector.broadcast %and3A_487 : i32 to vector<16xi32>
          %and3A_489 = arith.andi %add3A_486, %and3A_488 : vector<16xi32>
          %bitcast_convert_type3A_490 = tpu.bitcast %and3A_489 : vector<16xi32> -> vector<16xf32>
          %mul3A_491 = arith.mulf %gather3A_475, %bitcast_convert_type3A_490 : vector<16xf32>
          %add3A_492 = arith.addf %add3A_356, %mul3A_491 : vector<16xf32>
          %broadcast_in_dim3A_493 = arith.constant 10 : i32
          %broadcast_in_dim3A_494 = vector.broadcast %broadcast_in_dim3A_493 : i32 to vector<16xi32>
          %broadcast_in_dim3A_495 = vector.shape_cast %broadcast_in_dim3A_494 : vector<16xi32> to vector<16x1xi32>
          %gather3A_496 = vector.shape_cast %broadcast_in_dim3A_495 : vector<16x1xi32> to vector<16xi32>
          %gather3A_497 = tpu.dynamic_gather %get3A_111[%gather3A_496] in [0] : vector<16xf32>, vector<16xi32> -> vector<16xf32>
          %mul3A_498 = arith.mulf %gather3A_497, %get3A_470 : vector<16xf32>
          %add3A_499 = arith.addf %add3A_363, %mul3A_498 : vector<16xf32>
          %get3A_500 = arith.constant 11 : i32
          %get3A_501 = arith.index_cast %and3A_49 : i32 to index
          %get3A_502 = arith.index_cast %get3A_500 : i32 to index
          %get3A_503 = arith.index_cast %mul3A_95 : i32 to index
          %get3A_504 = tpu.vector_load %arg6[%get3A_501, %get3A_502, %get3A_503] {strides = array<i32>} : memref<2x16x1280xf32, #tpu.memory_space<vmem>>, vector<16xf32>,
          %broadcast_in_dim3A_505 = arith.constant 11 : i32
          %broadcast_in_dim3A_506 = vector.broadcast %broadcast_in_dim3A_505 : i32 to vector<16xi32>
          %broadcast_in_dim3A_507 = vector.shape_cast %broadcast_in_dim3A_506 : vector<16xi32> to vector<16x1xi32>
          %gather3A_508 = vector.shape_cast %broadcast_in_dim3A_507 : vector<16x1xi32> to vector<16xi32>
          %gather3A_509 = tpu.dynamic_gather %bitcast_convert_type3A_109[%gather3A_508] in [0] : vector<16xf32>, vector<16xi32> -> vector<16xf32>
          %bitcast_convert_type3A_510 = tpu.bitcast %get3A_504 : vector<16xf32> -> vector<16xi32>
          %add3A_511 = arith.constant 32767 : i32
          %add3A_512 = vector.broadcast %add3A_511 : i32 to vector<16xi32>
          %add3A_513 = arith.addi %bitcast_convert_type3A_510, %add3A_512 : vector<16xi32>
          %shift_right_logical3A_514 = arith.constant 16 : i32
          %shift_right_logical3A_515 = vector.broadcast %shift_right_logical3A_514 : i32 to vector<16xi32>
          %shift_right_logical3A_516 = arith.shrui %bitcast_convert_type3A_510, %shift_right_logical3A_515 : vector<16xi32>
          %and3A_517 = arith.constant 1 : i32
          %and3A_518 = vector.broadcast %and3A_517 : i32 to vector<16xi32>
          %and3A_519 = arith.andi %shift_right_logical3A_516, %and3A_518 : vector<16xi32>
          %add3A_520 = arith.addi %add3A_513, %and3A_519 : vector<16xi32>
          %and3A_521 = arith.constant -65536 : i32
          %and3A_522 = vector.broadcast %and3A_521 : i32 to vector<16xi32>
          %and3A_523 = arith.andi %add3A_520, %and3A_522 : vector<16xi32>
          %bitcast_convert_type3A_524 = tpu.bitcast %and3A_523 : vector<16xi32> -> vector<16xf32>
          %mul3A_525 = arith.mulf %gather3A_509, %bitcast_convert_type3A_524 : vector<16xf32>
          %add3A_526 = arith.addf %add3A_390, %mul3A_525 : vector<16xf32>
          %broadcast_in_dim3A_527 = arith.constant 11 : i32
          %broadcast_in_dim3A_528 = vector.broadcast %broadcast_in_dim3A_527 : i32 to vector<16xi32>
          %broadcast_in_dim3A_529 = vector.shape_cast %broadcast_in_dim3A_528 : vector<16xi32> to vector<16x1xi32>
          %gather3A_530 = vector.shape_cast %broadcast_in_dim3A_529 : vector<16x1xi32> to vector<16xi32>
          %gather3A_531 = tpu.dynamic_gather %get3A_111[%gather3A_530] in [0] : vector<16xf32>, vector<16xi32> -> vector<16xf32>
          %mul3A_532 = arith.mulf %gather3A_531, %get3A_504 : vector<16xf32>
          %add3A_533 = arith.addf %add3A_397, %mul3A_532 : vector<16xf32>
          %get3A_534 = arith.constant 12 : i32
          %get3A_535 = arith.index_cast %and3A_49 : i32 to index
          %get3A_536 = arith.index_cast %get3A_534 : i32 to index
          %get3A_537 = arith.index_cast %mul3A_95 : i32 to index
          %get3A_538 = tpu.vector_load %arg6[%get3A_535, %get3A_536, %get3A_537] {strides = array<i32>} : memref<2x16x1280xf32, #tpu.memory_space<vmem>>, vector<16xf32>,
          %broadcast_in_dim3A_539 = arith.constant 12 : i32
          %broadcast_in_dim3A_540 = vector.broadcast %broadcast_in_dim3A_539 : i32 to vector<16xi32>
          %broadcast_in_dim3A_541 = vector.shape_cast %broadcast_in_dim3A_540 : vector<16xi32> to vector<16x1xi32>
          %gather3A_542 = vector.shape_cast %broadcast_in_dim3A_541 : vector<16x1xi32> to vector<16xi32>
          %gather3A_543 = tpu.dynamic_gather %bitcast_convert_type3A_109[%gather3A_542] in [0] : vector<16xf32>, vector<16xi32> -> vector<16xf32>
          %bitcast_convert_type3A_544 = tpu.bitcast %get3A_538 : vector<16xf32> -> vector<16xi32>
          %add3A_545 = arith.constant 32767 : i32
          %add3A_546 = vector.broadcast %add3A_545 : i32 to vector<16xi32>
          %add3A_547 = arith.addi %bitcast_convert_type3A_544, %add3A_546 : vector<16xi32>
          %shift_right_logical3A_548 = arith.constant 16 : i32
          %shift_right_logical3A_549 = vector.broadcast %shift_right_logical3A_548 : i32 to vector<16xi32>
          %shift_right_logical3A_550 = arith.shrui %bitcast_convert_type3A_544, %shift_right_logical3A_549 : vector<16xi32>
          %and3A_551 = arith.constant 1 : i32
          %and3A_552 = vector.broadcast %and3A_551 : i32 to vector<16xi32>
          %and3A_553 = arith.andi %shift_right_logical3A_550, %and3A_552 : vector<16xi32>
          %add3A_554 = arith.addi %add3A_547, %and3A_553 : vector<16xi32>
          %and3A_555 = arith.constant -65536 : i32
          %and3A_556 = vector.broadcast %and3A_555 : i32 to vector<16xi32>
          %and3A_557 = arith.andi %add3A_554, %and3A_556 : vector<16xi32>
          %bitcast_convert_type3A_558 = tpu.bitcast %and3A_557 : vector<16xi32> -> vector<16xf32>
          %mul3A_559 = arith.mulf %gather3A_543, %bitcast_convert_type3A_558 : vector<16xf32>
          %add3A_560 = arith.addf %add3A_424, %mul3A_559 : vector<16xf32>
          %broadcast_in_dim3A_561 = arith.constant 12 : i32
          %broadcast_in_dim3A_562 = vector.broadcast %broadcast_in_dim3A_561 : i32 to vector<16xi32>
          %broadcast_in_dim3A_563 = vector.shape_cast %broadcast_in_dim3A_562 : vector<16xi32> to vector<16x1xi32>
          %gather3A_564 = vector.shape_cast %broadcast_in_dim3A_563 : vector<16x1xi32> to vector<16xi32>
          %gather3A_565 = tpu.dynamic_gather %get3A_111[%gather3A_564] in [0] : vector<16xf32>, vector<16xi32> -> vector<16xf32>
          %mul3A_566 = arith.mulf %gather3A_565, %get3A_538 : vector<16xf32>
          %add3A_567 = arith.addf %add3A_431, %mul3A_566 : vector<16xf32>
          %get3A_568 = arith.constant 13 : i32
          %get3A_569 = arith.index_cast %and3A_49 : i32 to index
          %get3A_570 = arith.index_cast %get3A_568 : i32 to index
          %get3A_571 = arith.index_cast %mul3A_95 : i32 to index
          %get3A_572 = tpu.vector_load %arg6[%get3A_569, %get3A_570, %get3A_571] {strides = array<i32>} : memref<2x16x1280xf32, #tpu.memory_space<vmem>>, vector<16xf32>,
          %broadcast_in_dim3A_573 = arith.constant 13 : i32
          %broadcast_in_dim3A_574 = vector.broadcast %broadcast_in_dim3A_573 : i32 to vector<16xi32>
          %broadcast_in_dim3A_575 = vector.shape_cast %broadcast_in_dim3A_574 : vector<16xi32> to vector<16x1xi32>
          %gather3A_576 = vector.shape_cast %broadcast_in_dim3A_575 : vector<16x1xi32> to vector<16xi32>
          %gather3A_577 = tpu.dynamic_gather %bitcast_convert_type3A_109[%gather3A_576] in [0] : vector<16xf32>, vector<16xi32> -> vector<16xf32>
          %bitcast_convert_type3A_578 = tpu.bitcast %get3A_572 : vector<16xf32> -> vector<16xi32>
          %add3A_579 = arith.constant 32767 : i32
          %add3A_580 = vector.broadcast %add3A_579 : i32 to vector<16xi32>
          %add3A_581 = arith.addi %bitcast_convert_type3A_578, %add3A_580 : vector<16xi32>
          %shift_right_logical3A_582 = arith.constant 16 : i32
          %shift_right_logical3A_583 = vector.broadcast %shift_right_logical3A_582 : i32 to vector<16xi32>
          %shift_right_logical3A_584 = arith.shrui %bitcast_convert_type3A_578, %shift_right_logical3A_583 : vector<16xi32>
          %and3A_585 = arith.constant 1 : i32
          %and3A_586 = vector.broadcast %and3A_585 : i32 to vector<16xi32>
          %and3A_587 = arith.andi %shift_right_logical3A_584, %and3A_586 : vector<16xi32>
          %add3A_588 = arith.addi %add3A_581, %and3A_587 : vector<16xi32>
          %and3A_589 = arith.constant -65536 : i32
          %and3A_590 = vector.broadcast %and3A_589 : i32 to vector<16xi32>
          %and3A_591 = arith.andi %add3A_588, %and3A_590 : vector<16xi32>
          %bitcast_convert_type3A_592 = tpu.bitcast %and3A_591 : vector<16xi32> -> vector<16xf32>
          %mul3A_593 = arith.mulf %gather3A_577, %bitcast_convert_type3A_592 : vector<16xf32>
          %add3A_594 = arith.addf %add3A_458, %mul3A_593 : vector<16xf32>
          %broadcast_in_dim3A_595 = arith.constant 13 : i32
          %broadcast_in_dim3A_596 = vector.broadcast %broadcast_in_dim3A_595 : i32 to vector<16xi32>
          %broadcast_in_dim3A_597 = vector.shape_cast %broadcast_in_dim3A_596 : vector<16xi32> to vector<16x1xi32>
          %gather3A_598 = vector.shape_cast %broadcast_in_dim3A_597 : vector<16x1xi32> to vector<16xi32>
          %gather3A_599 = tpu.dynamic_gather %get3A_111[%gather3A_598] in [0] : vector<16xf32>, vector<16xi32> -> vector<16xf32>
          %mul3A_600 = arith.mulf %gather3A_599, %get3A_572 : vector<16xf32>
          %add3A_601 = arith.addf %add3A_465, %mul3A_600 : vector<16xf32>
          %get3A_602 = arith.constant 14 : i32
          %get3A_603 = arith.index_cast %and3A_49 : i32 to index
          %get3A_604 = arith.index_cast %get3A_602 : i32 to index
          %get3A_605 = arith.index_cast %mul3A_95 : i32 to index
          %get3A_606 = tpu.vector_load %arg6[%get3A_603, %get3A_604, %get3A_605] {strides = array<i32>} : memref<2x16x1280xf32, #tpu.memory_space<vmem>>, vector<16xf32>,
          %broadcast_in_dim3A_607 = arith.constant 14 : i32
          %broadcast_in_dim3A_608 = vector.broadcast %broadcast_in_dim3A_607 : i32 to vector<16xi32>
          %broadcast_in_dim3A_609 = vector.shape_cast %broadcast_in_dim3A_608 : vector<16xi32> to vector<16x1xi32>
          %gather3A_610 = vector.shape_cast %broadcast_in_dim3A_609 : vector<16x1xi32> to vector<16xi32>
          %gather3A_611 = tpu.dynamic_gather %bitcast_convert_type3A_109[%gather3A_610] in [0] : vector<16xf32>, vector<16xi32> -> vector<16xf32>
          %bitcast_convert_type3A_612 = tpu.bitcast %get3A_606 : vector<16xf32> -> vector<16xi32>
          %add3A_613 = arith.constant 32767 : i32
          %add3A_614 = vector.broadcast %add3A_613 : i32 to vector<16xi32>
          %add3A_615 = arith.addi %bitcast_convert_type3A_612, %add3A_614 : vector<16xi32>
          %shift_right_logical3A_616 = arith.constant 16 : i32
          %shift_right_logical3A_617 = vector.broadcast %shift_right_logical3A_616 : i32 to vector<16xi32>
          %shift_right_logical3A_618 = arith.shrui %bitcast_convert_type3A_612, %shift_right_logical3A_617 : vector<16xi32>
          %and3A_619 = arith.constant 1 : i32
          %and3A_620 = vector.broadcast %and3A_619 : i32 to vector<16xi32>
          %and3A_621 = arith.andi %shift_right_logical3A_618, %and3A_620 : vector<16xi32>
          %add3A_622 = arith.addi %add3A_615, %and3A_621 : vector<16xi32>
          %and3A_623 = arith.constant -65536 : i32
          %and3A_624 = vector.broadcast %and3A_623 : i32 to vector<16xi32>
          %and3A_625 = arith.andi %add3A_622, %and3A_624 : vector<16xi32>
          %bitcast_convert_type3A_626 = tpu.bitcast %and3A_625 : vector<16xi32> -> vector<16xf32>
          %mul3A_627 = arith.mulf %gather3A_611, %bitcast_convert_type3A_626 : vector<16xf32>
          %add3A_628 = arith.addf %add3A_492, %mul3A_627 : vector<16xf32>
          %broadcast_in_dim3A_629 = arith.constant 14 : i32
          %broadcast_in_dim3A_630 = vector.broadcast %broadcast_in_dim3A_629 : i32 to vector<16xi32>
          %broadcast_in_dim3A_631 = vector.shape_cast %broadcast_in_dim3A_630 : vector<16xi32> to vector<16x1xi32>
          %gather3A_632 = vector.shape_cast %broadcast_in_dim3A_631 : vector<16x1xi32> to vector<16xi32>
          %gather3A_633 = tpu.dynamic_gather %get3A_111[%gather3A_632] in [0] : vector<16xf32>, vector<16xi32> -> vector<16xf32>
          %mul3A_634 = arith.mulf %gather3A_633, %get3A_606 : vector<16xf32>
          %add3A_635 = arith.addf %add3A_499, %mul3A_634 : vector<16xf32>
          %get3A_636 = arith.constant 15 : i32
          %get3A_637 = arith.index_cast %and3A_49 : i32 to index
          %get3A_638 = arith.index_cast %get3A_636 : i32 to index
          %get3A_639 = arith.index_cast %mul3A_95 : i32 to index
          %get3A_640 = tpu.vector_load %arg6[%get3A_637, %get3A_638, %get3A_639] {strides = array<i32>} : memref<2x16x1280xf32, #tpu.memory_space<vmem>>, vector<16xf32>,
          %broadcast_in_dim3A_641 = arith.constant 15 : i32
          %broadcast_in_dim3A_642 = vector.broadcast %broadcast_in_dim3A_641 : i32 to vector<16xi32>
          %broadcast_in_dim3A_643 = vector.shape_cast %broadcast_in_dim3A_642 : vector<16xi32> to vector<16x1xi32>
          %gather3A_644 = vector.shape_cast %broadcast_in_dim3A_643 : vector<16x1xi32> to vector<16xi32>
          %gather3A_645 = tpu.dynamic_gather %bitcast_convert_type3A_109[%gather3A_644] in [0] : vector<16xf32>, vector<16xi32> -> vector<16xf32>
          %bitcast_convert_type3A_646 = tpu.bitcast %get3A_640 : vector<16xf32> -> vector<16xi32>
          %add3A_647 = arith.constant 32767 : i32
          %add3A_648 = vector.broadcast %add3A_647 : i32 to vector<16xi32>
          %add3A_649 = arith.addi %bitcast_convert_type3A_646, %add3A_648 : vector<16xi32>
          %shift_right_logical3A_650 = arith.constant 16 : i32
          %shift_right_logical3A_651 = vector.broadcast %shift_right_logical3A_650 : i32 to vector<16xi32>
          %shift_right_logical3A_652 = arith.shrui %bitcast_convert_type3A_646, %shift_right_logical3A_651 : vector<16xi32>
          %and3A_653 = arith.constant 1 : i32
          %and3A_654 = vector.broadcast %and3A_653 : i32 to vector<16xi32>
          %and3A_655 = arith.andi %shift_right_logical3A_652, %and3A_654 : vector<16xi32>
          %add3A_656 = arith.addi %add3A_649, %and3A_655 : vector<16xi32>
          %and3A_657 = arith.constant -65536 : i32
          %and3A_658 = vector.broadcast %and3A_657 : i32 to vector<16xi32>
          %and3A_659 = arith.andi %add3A_656, %and3A_658 : vector<16xi32>
          %bitcast_convert_type3A_660 = tpu.bitcast %and3A_659 : vector<16xi32> -> vector<16xf32>
          %mul3A_661 = arith.mulf %gather3A_645, %bitcast_convert_type3A_660 : vector<16xf32>
          %add3A_662 = arith.addf %add3A_526, %mul3A_661 : vector<16xf32>
          %broadcast_in_dim3A_663 = arith.constant 15 : i32
          %broadcast_in_dim3A_664 = vector.broadcast %broadcast_in_dim3A_663 : i32 to vector<16xi32>
          %broadcast_in_dim3A_665 = vector.shape_cast %broadcast_in_dim3A_664 : vector<16xi32> to vector<16x1xi32>
          %gather3A_666 = vector.shape_cast %broadcast_in_dim3A_665 : vector<16x1xi32> to vector<16xi32>
          %gather3A_667 = tpu.dynamic_gather %get3A_111[%gather3A_666] in [0] : vector<16xf32>, vector<16xi32> -> vector<16xf32>
          %mul3A_668 = arith.mulf %gather3A_667, %get3A_640 : vector<16xf32>
          %add3A_669 = arith.addf %add3A_533, %mul3A_668 : vector<16xf32>
          %add3A_670 = arith.addf %add3A_560, %add3A_594 : vector<16xf32>
          %add3A_671 = arith.addf %add3A_628, %add3A_662 : vector<16xf32>
          %add3A_672 = arith.addf %add3A_670, %add3A_671 : vector<16xf32>
          %swap3A = arith.index_cast %mul3A_95 : i32 to index
          %swap3A_673 = tpu.vector_load %arg9[%swap3A] {strides = array<i32>} : memref<1280xf32, #tpu.memory_space<vmem>>, vector<16xf32>,
          tpu.vector_store %arg9[%swap3A], %add3A_672 {strides = array<i32>} : memref<1280xf32, #tpu.memory_space<vmem>>, vector<16xf32>,
          %add3A_674 = arith.addf %add3A_567, %add3A_601 : vector<16xf32>
          %add3A_675 = arith.addf %add3A_635, %add3A_669 : vector<16xf32>
          %add3A_676 = arith.addf %add3A_674, %add3A_675 : vector<16xf32>
          %swap3A_677 = arith.index_cast %mul3A_95 : i32 to index
          %swap3A_678 = tpu.vector_load %arg10[%swap3A_677] {strides = array<i32>} : memref<1280xf32, #tpu.memory_space<vmem>>, vector<16xf32>,
          tpu.vector_store %arg10[%swap3A_677], %add3A_676 {strides = array<i32>} : memref<1280xf32, #tpu.memory_space<vmem>>, vector<16xf32>,
        }
        %scan3A_86 = arith.constant 80 : i32
        %scan3A_87 = arith.constant 0 : i32
        %scan3A_88 = arith.constant 0 : i32
        %scan3A_89 = arith.constant 8 : i32
        %scan3A_90 = arith.addi %scan3A_88, %scan3A_89 : i32
        %scan3A_91 = arith.constant 1 : i32
        scf.for %scan3A_93 = %scan3A_88 to %scan3A_90 step %scan3A_91  : i32 {
          %mul3A_94 = arith.constant 16 : i32
          %mul3A_95 = arith.muli %scan3A_93, %mul3A_94 : i32
          %add3A_96 = arith.addi %mul3A_51, %mul3A_95 : i32
          %broadcast_in_dim3A = arith.constant 65 : i32
          %broadcast_in_dim3A_97 = vector.broadcast %broadcast_in_dim3A : i32 to vector<16xi32>
          %gather3A = tpu.vector_load_idx %arg13[%broadcast_in_dim3A_97] : memref<80xf32, #tpu.memory_space<vmem>>[vector<16xi32>], vector<16xf32>,
          %get3A = arith.index_cast %add3A_96 : i32 to index
          %get3A_98 = tpu.vector_load %arg11[%get3A] {strides = array<i32>} : memref<2048xf32, #tpu.memory_space<vmem>>, vector<16xf32>,
          %get3A_99 = arith.index_cast %add3A_96 : i32 to index
          %get3A_100 = tpu.vector_load %arg12[%get3A_99] {strides = array<i32>} : memref<2048xf32, #tpu.memory_space<vmem>>, vector<16xf32>,
          %iota3A = tpu.iota {dimensions = array<i32: 0>} : vector<16xi32>
          %add3A_101 = vector.broadcast %mul3A_95 : i32 to vector<16xi32>
          %add3A_102 = arith.addi %iota3A, %add3A_101 : vector<16xi32>
          %mul3A_103 = arith.constant 10 : i32
          %mul3A_104 = vector.broadcast %mul3A_103 : i32 to vector<16xi32>
          %mul3A_105 = arith.muli %add3A_102, %mul3A_104 : vector<16xi32>
          %add3A_106 = arith.constant 0 : i32
          %add3A_107 = vector.broadcast %add3A_106 : i32 to vector<16xi32>
          %add3A_108 = arith.addi %mul3A_105, %add3A_107 : vector<16xi32>
          %gather3A_109 = tpu.vector_load_idx %arg9[%add3A_108] : memref<1280xf32, #tpu.memory_space<vmem>>[vector<16xi32>], vector<16xf32>,
          %add3A_110 = arith.constant 0 : i32
          %add3A_111 = vector.broadcast %add3A_110 : i32 to vector<16xi32>
          %add3A_112 = arith.addi %mul3A_105, %add3A_111 : vector<16xi32>
          %gather3A_113 = tpu.vector_load_idx %arg10[%add3A_112] : memref<1280xf32, #tpu.memory_space<vmem>>[vector<16xi32>], vector<16xf32>,
          %add3A_114 = arith.addf %gather3A_109, %get3A_98 : vector<16xf32>
          %add3A_115 = arith.addf %gather3A_113, %get3A_100 : vector<16xf32>
          %add3A_116 = arith.addf %add3A_115, %gather3A : vector<16xf32>
          %neg3A = arith.constant 0.000000e+00 : f32
          %neg3A_117 = vector.broadcast %neg3A : f32 to vector<16xf32>
          %neg3A_118 = arith.subf %neg3A_117, %add3A_116 : vector<16xf32>
          %exp3A = math.exp %neg3A_118 : vector<16xf32>
          %add3A_119 = arith.constant 1.000000e+00 : f32
          %add3A_120 = vector.broadcast %add3A_119 : f32 to vector<16xf32>
          %add3A_121 = arith.addf %add3A_120, %exp3A : vector<16xf32>
          %div3A = arith.constant 1.000000e+00 : f32
          %div3A_122 = vector.broadcast %div3A : f32 to vector<16xf32>
          %div3A_123 = arith.divf %div3A_122, %add3A_121 : vector<16xf32>
          %add3A_124 = arith.constant 1 : i32
          %add3A_125 = vector.broadcast %add3A_124 : i32 to vector<16xi32>
          %add3A_126 = arith.addi %mul3A_105, %add3A_125 : vector<16xi32>
          %gather3A_127 = tpu.vector_load_idx %arg9[%add3A_126] : memref<1280xf32, #tpu.memory_space<vmem>>[vector<16xi32>], vector<16xf32>,
          %add3A_128 = arith.constant 1 : i32
          %add3A_129 = vector.broadcast %add3A_128 : i32 to vector<16xi32>
          %add3A_130 = arith.addi %mul3A_105, %add3A_129 : vector<16xi32>
          %gather3A_131 = tpu.vector_load_idx %arg10[%add3A_130] : memref<1280xf32, #tpu.memory_space<vmem>>[vector<16xi32>], vector<16xf32>,
          %add3A_132 = arith.addf %gather3A_127, %get3A_98 : vector<16xf32>
          %add3A_133 = arith.addf %gather3A_131, %get3A_100 : vector<16xf32>
          %add3A_134 = arith.addf %add3A_133, %gather3A : vector<16xf32>
          %neg3A_135 = arith.constant 0.000000e+00 : f32
          %neg3A_136 = vector.broadcast %neg3A_135 : f32 to vector<16xf32>
          %neg3A_137 = arith.subf %neg3A_136, %add3A_134 : vector<16xf32>
          %exp3A_138 = math.exp %neg3A_137 : vector<16xf32>
          %add3A_139 = arith.constant 1.000000e+00 : f32
          %add3A_140 = vector.broadcast %add3A_139 : f32 to vector<16xf32>
          %add3A_141 = arith.addf %add3A_140, %exp3A_138 : vector<16xf32>
          %div3A_142 = arith.constant 1.000000e+00 : f32
          %div3A_143 = vector.broadcast %div3A_142 : f32 to vector<16xf32>
          %div3A_144 = arith.divf %div3A_143, %add3A_141 : vector<16xf32>
          %add3A_145 = arith.constant 2 : i32
          %add3A_146 = vector.broadcast %add3A_145 : i32 to vector<16xi32>
          %add3A_147 = arith.addi %mul3A_105, %add3A_146 : vector<16xi32>
          %gather3A_148 = tpu.vector_load_idx %arg9[%add3A_147] : memref<1280xf32, #tpu.memory_space<vmem>>[vector<16xi32>], vector<16xf32>,
          %add3A_149 = arith.constant 2 : i32
          %add3A_150 = vector.broadcast %add3A_149 : i32 to vector<16xi32>
          %add3A_151 = arith.addi %mul3A_105, %add3A_150 : vector<16xi32>
          %gather3A_152 = tpu.vector_load_idx %arg10[%add3A_151] : memref<1280xf32, #tpu.memory_space<vmem>>[vector<16xi32>], vector<16xf32>,
          %add3A_153 = arith.addf %gather3A_148, %get3A_98 : vector<16xf32>
          %add3A_154 = arith.addf %gather3A_152, %get3A_100 : vector<16xf32>
          %add3A_155 = arith.addf %add3A_154, %gather3A : vector<16xf32>
          %neg3A_156 = arith.constant 0.000000e+00 : f32
          %neg3A_157 = vector.broadcast %neg3A_156 : f32 to vector<16xf32>
          %neg3A_158 = arith.subf %neg3A_157, %add3A_155 : vector<16xf32>
          %exp3A_159 = math.exp %neg3A_158 : vector<16xf32>
          %add3A_160 = arith.constant 1.000000e+00 : f32
          %add3A_161 = vector.broadcast %add3A_160 : f32 to vector<16xf32>
          %add3A_162 = arith.addf %add3A_161, %exp3A_159 : vector<16xf32>
          %div3A_163 = arith.constant 1.000000e+00 : f32
          %div3A_164 = vector.broadcast %div3A_163 : f32 to vector<16xf32>
          %div3A_165 = arith.divf %div3A_164, %add3A_162 : vector<16xf32>
          %add3A_166 = arith.constant 3 : i32
          %add3A_167 = vector.broadcast %add3A_166 : i32 to vector<16xi32>
          %add3A_168 = arith.addi %mul3A_105, %add3A_167 : vector<16xi32>
          %gather3A_169 = tpu.vector_load_idx %arg9[%add3A_168] : memref<1280xf32, #tpu.memory_space<vmem>>[vector<16xi32>], vector<16xf32>,
          %add3A_170 = arith.constant 3 : i32
          %add3A_171 = vector.broadcast %add3A_170 : i32 to vector<16xi32>
          %add3A_172 = arith.addi %mul3A_105, %add3A_171 : vector<16xi32>
          %gather3A_173 = tpu.vector_load_idx %arg10[%add3A_172] : memref<1280xf32, #tpu.memory_space<vmem>>[vector<16xi32>], vector<16xf32>,
          %add3A_174 = arith.addf %gather3A_169, %get3A_98 : vector<16xf32>
          %add3A_175 = arith.addf %gather3A_173, %get3A_100 : vector<16xf32>
          %add3A_176 = arith.addf %add3A_175, %gather3A : vector<16xf32>
          %neg3A_177 = arith.constant 0.000000e+00 : f32
          %neg3A_178 = vector.broadcast %neg3A_177 : f32 to vector<16xf32>
          %neg3A_179 = arith.subf %neg3A_178, %add3A_176 : vector<16xf32>
          %exp3A_180 = math.exp %neg3A_179 : vector<16xf32>
          %add3A_181 = arith.constant 1.000000e+00 : f32
          %add3A_182 = vector.broadcast %add3A_181 : f32 to vector<16xf32>
          %add3A_183 = arith.addf %add3A_182, %exp3A_180 : vector<16xf32>
          %div3A_184 = arith.constant 1.000000e+00 : f32
          %div3A_185 = vector.broadcast %div3A_184 : f32 to vector<16xf32>
          %div3A_186 = arith.divf %div3A_185, %add3A_183 : vector<16xf32>
          %add3A_187 = arith.constant 4 : i32
          %add3A_188 = vector.broadcast %add3A_187 : i32 to vector<16xi32>
          %add3A_189 = arith.addi %mul3A_105, %add3A_188 : vector<16xi32>
          %gather3A_190 = tpu.vector_load_idx %arg9[%add3A_189] : memref<1280xf32, #tpu.memory_space<vmem>>[vector<16xi32>], vector<16xf32>,
          %add3A_191 = arith.constant 4 : i32
          %add3A_192 = vector.broadcast %add3A_191 : i32 to vector<16xi32>
          %add3A_193 = arith.addi %mul3A_105, %add3A_192 : vector<16xi32>
          %gather3A_194 = tpu.vector_load_idx %arg10[%add3A_193] : memref<1280xf32, #tpu.memory_space<vmem>>[vector<16xi32>], vector<16xf32>,
          %add3A_195 = arith.addf %gather3A_190, %get3A_98 : vector<16xf32>
          %add3A_196 = arith.addf %gather3A_194, %get3A_100 : vector<16xf32>
          %add3A_197 = arith.addf %add3A_196, %gather3A : vector<16xf32>
          %neg3A_198 = arith.constant 0.000000e+00 : f32
          %neg3A_199 = vector.broadcast %neg3A_198 : f32 to vector<16xf32>
          %neg3A_200 = arith.subf %neg3A_199, %add3A_197 : vector<16xf32>
          %exp3A_201 = math.exp %neg3A_200 : vector<16xf32>
          %add3A_202 = arith.constant 1.000000e+00 : f32
          %add3A_203 = vector.broadcast %add3A_202 : f32 to vector<16xf32>
          %add3A_204 = arith.addf %add3A_203, %exp3A_201 : vector<16xf32>
          %div3A_205 = arith.constant 1.000000e+00 : f32
          %div3A_206 = vector.broadcast %div3A_205 : f32 to vector<16xf32>
          %div3A_207 = arith.divf %div3A_206, %add3A_204 : vector<16xf32>
          %add3A_208 = arith.constant 5 : i32
          %add3A_209 = vector.broadcast %add3A_208 : i32 to vector<16xi32>
          %add3A_210 = arith.addi %mul3A_105, %add3A_209 : vector<16xi32>
          %gather3A_211 = tpu.vector_load_idx %arg9[%add3A_210] : memref<1280xf32, #tpu.memory_space<vmem>>[vector<16xi32>], vector<16xf32>,
          %add3A_212 = arith.constant 5 : i32
          %add3A_213 = vector.broadcast %add3A_212 : i32 to vector<16xi32>
          %add3A_214 = arith.addi %mul3A_105, %add3A_213 : vector<16xi32>
          %gather3A_215 = tpu.vector_load_idx %arg10[%add3A_214] : memref<1280xf32, #tpu.memory_space<vmem>>[vector<16xi32>], vector<16xf32>,
          %add3A_216 = arith.addf %gather3A_211, %get3A_98 : vector<16xf32>
          %add3A_217 = arith.addf %gather3A_215, %get3A_100 : vector<16xf32>
          %add3A_218 = arith.addf %add3A_217, %gather3A : vector<16xf32>
          %neg3A_219 = arith.constant 0.000000e+00 : f32
          %neg3A_220 = vector.broadcast %neg3A_219 : f32 to vector<16xf32>
          %neg3A_221 = arith.subf %neg3A_220, %add3A_218 : vector<16xf32>
          %exp3A_222 = math.exp %neg3A_221 : vector<16xf32>
          %add3A_223 = arith.constant 1.000000e+00 : f32
          %add3A_224 = vector.broadcast %add3A_223 : f32 to vector<16xf32>
          %add3A_225 = arith.addf %add3A_224, %exp3A_222 : vector<16xf32>
          %div3A_226 = arith.constant 1.000000e+00 : f32
          %div3A_227 = vector.broadcast %div3A_226 : f32 to vector<16xf32>
          %div3A_228 = arith.divf %div3A_227, %add3A_225 : vector<16xf32>
          %add3A_229 = arith.constant 6 : i32
          %add3A_230 = vector.broadcast %add3A_229 : i32 to vector<16xi32>
          %add3A_231 = arith.addi %mul3A_105, %add3A_230 : vector<16xi32>
          %gather3A_232 = tpu.vector_load_idx %arg9[%add3A_231] : memref<1280xf32, #tpu.memory_space<vmem>>[vector<16xi32>], vector<16xf32>,
          %add3A_233 = arith.constant 6 : i32
          %add3A_234 = vector.broadcast %add3A_233 : i32 to vector<16xi32>
          %add3A_235 = arith.addi %mul3A_105, %add3A_234 : vector<16xi32>
          %gather3A_236 = tpu.vector_load_idx %arg10[%add3A_235] : memref<1280xf32, #tpu.memory_space<vmem>>[vector<16xi32>], vector<16xf32>,
          %add3A_237 = arith.addf %gather3A_232, %get3A_98 : vector<16xf32>
          %add3A_238 = arith.addf %gather3A_236, %get3A_100 : vector<16xf32>
          %add3A_239 = arith.addf %add3A_238, %gather3A : vector<16xf32>
          %neg3A_240 = arith.constant 0.000000e+00 : f32
          %neg3A_241 = vector.broadcast %neg3A_240 : f32 to vector<16xf32>
          %neg3A_242 = arith.subf %neg3A_241, %add3A_239 : vector<16xf32>
          %exp3A_243 = math.exp %neg3A_242 : vector<16xf32>
          %add3A_244 = arith.constant 1.000000e+00 : f32
          %add3A_245 = vector.broadcast %add3A_244 : f32 to vector<16xf32>
          %add3A_246 = arith.addf %add3A_245, %exp3A_243 : vector<16xf32>
          %div3A_247 = arith.constant 1.000000e+00 : f32
          %div3A_248 = vector.broadcast %div3A_247 : f32 to vector<16xf32>
          %div3A_249 = arith.divf %div3A_248, %add3A_246 : vector<16xf32>
          %add3A_250 = arith.constant 7 : i32
          %add3A_251 = vector.broadcast %add3A_250 : i32 to vector<16xi32>
          %add3A_252 = arith.addi %mul3A_105, %add3A_251 : vector<16xi32>
          %gather3A_253 = tpu.vector_load_idx %arg9[%add3A_252] : memref<1280xf32, #tpu.memory_space<vmem>>[vector<16xi32>], vector<16xf32>,
          %add3A_254 = arith.constant 7 : i32
          %add3A_255 = vector.broadcast %add3A_254 : i32 to vector<16xi32>
          %add3A_256 = arith.addi %mul3A_105, %add3A_255 : vector<16xi32>
          %gather3A_257 = tpu.vector_load_idx %arg10[%add3A_256] : memref<1280xf32, #tpu.memory_space<vmem>>[vector<16xi32>], vector<16xf32>,
          %add3A_258 = arith.addf %gather3A_253, %get3A_98 : vector<16xf32>
          %add3A_259 = arith.addf %gather3A_257, %get3A_100 : vector<16xf32>
          %add3A_260 = arith.addf %add3A_259, %gather3A : vector<16xf32>
          %neg3A_261 = arith.constant 0.000000e+00 : f32
          %neg3A_262 = vector.broadcast %neg3A_261 : f32 to vector<16xf32>
          %neg3A_263 = arith.subf %neg3A_262, %add3A_260 : vector<16xf32>
          %exp3A_264 = math.exp %neg3A_263 : vector<16xf32>
          %add3A_265 = arith.constant 1.000000e+00 : f32
          %add3A_266 = vector.broadcast %add3A_265 : f32 to vector<16xf32>
          %add3A_267 = arith.addf %add3A_266, %exp3A_264 : vector<16xf32>
          %div3A_268 = arith.constant 1.000000e+00 : f32
          %div3A_269 = vector.broadcast %div3A_268 : f32 to vector<16xf32>
          %div3A_270 = arith.divf %div3A_269, %add3A_267 : vector<16xf32>
          %add3A_271 = arith.constant 8 : i32
          %add3A_272 = vector.broadcast %add3A_271 : i32 to vector<16xi32>
          %add3A_273 = arith.addi %mul3A_105, %add3A_272 : vector<16xi32>
          %gather3A_274 = tpu.vector_load_idx %arg9[%add3A_273] : memref<1280xf32, #tpu.memory_space<vmem>>[vector<16xi32>], vector<16xf32>,
          %add3A_275 = arith.constant 8 : i32
          %add3A_276 = vector.broadcast %add3A_275 : i32 to vector<16xi32>
          %add3A_277 = arith.addi %mul3A_105, %add3A_276 : vector<16xi32>
          %gather3A_278 = tpu.vector_load_idx %arg10[%add3A_277] : memref<1280xf32, #tpu.memory_space<vmem>>[vector<16xi32>], vector<16xf32>,
          %add3A_279 = arith.addf %gather3A_274, %get3A_98 : vector<16xf32>
          %add3A_280 = arith.addf %gather3A_278, %get3A_100 : vector<16xf32>
          %add3A_281 = arith.addf %add3A_280, %gather3A : vector<16xf32>
          %neg3A_282 = arith.constant 0.000000e+00 : f32
          %neg3A_283 = vector.broadcast %neg3A_282 : f32 to vector<16xf32>
          %neg3A_284 = arith.subf %neg3A_283, %add3A_281 : vector<16xf32>
          %exp3A_285 = math.exp %neg3A_284 : vector<16xf32>
          %add3A_286 = arith.constant 1.000000e+00 : f32
          %add3A_287 = vector.broadcast %add3A_286 : f32 to vector<16xf32>
          %add3A_288 = arith.addf %add3A_287, %exp3A_285 : vector<16xf32>
          %div3A_289 = arith.constant 1.000000e+00 : f32
          %div3A_290 = vector.broadcast %div3A_289 : f32 to vector<16xf32>
          %div3A_291 = arith.divf %div3A_290, %add3A_288 : vector<16xf32>
          %add3A_292 = arith.constant 9 : i32
          %add3A_293 = vector.broadcast %add3A_292 : i32 to vector<16xi32>
          %add3A_294 = arith.addi %mul3A_105, %add3A_293 : vector<16xi32>
          %gather3A_295 = tpu.vector_load_idx %arg9[%add3A_294] : memref<1280xf32, #tpu.memory_space<vmem>>[vector<16xi32>], vector<16xf32>,
          %add3A_296 = arith.constant 9 : i32
          %add3A_297 = vector.broadcast %add3A_296 : i32 to vector<16xi32>
          %add3A_298 = arith.addi %mul3A_105, %add3A_297 : vector<16xi32>
          %gather3A_299 = tpu.vector_load_idx %arg10[%add3A_298] : memref<1280xf32, #tpu.memory_space<vmem>>[vector<16xi32>], vector<16xf32>,
          %add3A_300 = arith.addf %gather3A_295, %get3A_98 : vector<16xf32>
          %add3A_301 = arith.addf %gather3A_299, %get3A_100 : vector<16xf32>
          %add3A_302 = arith.addf %add3A_301, %gather3A : vector<16xf32>
          %neg3A_303 = arith.constant 0.000000e+00 : f32
          %neg3A_304 = vector.broadcast %neg3A_303 : f32 to vector<16xf32>
          %neg3A_305 = arith.subf %neg3A_304, %add3A_302 : vector<16xf32>
          %exp3A_306 = math.exp %neg3A_305 : vector<16xf32>
          %add3A_307 = arith.constant 1.000000e+00 : f32
          %add3A_308 = vector.broadcast %add3A_307 : f32 to vector<16xf32>
          %add3A_309 = arith.addf %add3A_308, %exp3A_306 : vector<16xf32>
          %div3A_310 = arith.constant 1.000000e+00 : f32
          %div3A_311 = vector.broadcast %div3A_310 : f32 to vector<16xf32>
          %div3A_312 = arith.divf %div3A_311, %add3A_309 : vector<16xf32>
          %broadcast_in_dim3A_313 = arith.constant 0.000000e+00 : f32
          %broadcast_in_dim3A_314 = vector.broadcast %broadcast_in_dim3A_313 : f32 to vector<16xf32>
          %broadcast_in_dim3A_315 = arith.constant 0.000000e+00 : f32
          %broadcast_in_dim3A_316 = vector.broadcast %broadcast_in_dim3A_315 : f32 to vector<16xf32>
          %broadcast_in_dim3A_317 = arith.constant 0.000000e+00 : f32
          %broadcast_in_dim3A_318 = vector.broadcast %broadcast_in_dim3A_317 : f32 to vector<16xf32>
          %broadcast_in_dim3A_319 = arith.constant 0.000000e+00 : f32
          %broadcast_in_dim3A_320 = vector.broadcast %broadcast_in_dim3A_319 : f32 to vector<16xf32>
          %broadcast_in_dim3A_321 = arith.constant 0.000000e+00 : f32
          %broadcast_in_dim3A_322 = vector.broadcast %broadcast_in_dim3A_321 : f32 to vector<16xf32>
          %broadcast_in_dim3A_323 = arith.constant 0.000000e+00 : f32
          %broadcast_in_dim3A_324 = vector.broadcast %broadcast_in_dim3A_323 : f32 to vector<16xf32>
          %broadcast_in_dim3A_325 = arith.constant 0.000000e+00 : f32
          %broadcast_in_dim3A_326 = vector.broadcast %broadcast_in_dim3A_325 : f32 to vector<16xf32>
          %broadcast_in_dim3A_327 = arith.constant 0.000000e+00 : f32
          %broadcast_in_dim3A_328 = vector.broadcast %broadcast_in_dim3A_327 : f32 to vector<16xf32>
          %broadcast_in_dim3A_329 = arith.constant 0.000000e+00 : f32
          %broadcast_in_dim3A_330 = vector.broadcast %broadcast_in_dim3A_329 : f32 to vector<16xf32>
          %broadcast_in_dim3A_331 = arith.constant 0.000000e+00 : f32
          %broadcast_in_dim3A_332 = vector.broadcast %broadcast_in_dim3A_331 : f32 to vector<16xf32>
          %broadcast_in_dim3A_333 = arith.constant 1.000000e+00 : f32
          %broadcast_in_dim3A_334 = vector.broadcast %broadcast_in_dim3A_333 : f32 to vector<16xf32>
          %ge3A = arith.cmpf oge, %add3A_114, %add3A_132 : vector<16xf32>
          %jit3A = arith.constant 1.000000e+00 : f32
          %jit3A_335 = arith.constant 0.000000e+00 : f32
          %broadcast_in_dim3A_336 = vector.broadcast %jit3A : f32 to vector<16xf32>
          %broadcast_in_dim3A_337 = vector.broadcast %jit3A_335 : f32 to vector<16xf32>
          %select_n3A = arith.select %ge3A, %broadcast_in_dim3A_336, %broadcast_in_dim3A_337 : vector<16xi1>, vector<16xf32>
          %add3A_338 = arith.addf %broadcast_in_dim3A_316, %select_n3A : vector<16xf32>
          %sub3A = arith.subf %broadcast_in_dim3A_334, %select_n3A : vector<16xf32>
          %add3A_339 = arith.addf %broadcast_in_dim3A_314, %sub3A : vector<16xf32>
          %ge3A_340 = arith.cmpf oge, %add3A_114, %add3A_153 : vector<16xf32>
          %jit3A_341 = arith.constant 1.000000e+00 : f32
          %jit3A_342 = arith.constant 0.000000e+00 : f32
          %broadcast_in_dim3A_343 = vector.broadcast %jit3A_341 : f32 to vector<16xf32>
          %broadcast_in_dim3A_344 = vector.broadcast %jit3A_342 : f32 to vector<16xf32>
          %select_n3A_345 = arith.select %ge3A_340, %broadcast_in_dim3A_343, %broadcast_in_dim3A_344 : vector<16xi1>, vector<16xf32>
          %add3A_346 = arith.addf %broadcast_in_dim3A_318, %select_n3A_345 : vector<16xf32>
          %sub3A_347 = arith.subf %broadcast_in_dim3A_334, %select_n3A_345 : vector<16xf32>
          %add3A_348 = arith.addf %add3A_339, %sub3A_347 : vector<16xf32>
          %ge3A_349 = arith.cmpf oge, %add3A_132, %add3A_153 : vector<16xf32>
          %jit3A_350 = arith.constant 1.000000e+00 : f32
          %jit3A_351 = arith.constant 0.000000e+00 : f32
          %broadcast_in_dim3A_352 = vector.broadcast %jit3A_350 : f32 to vector<16xf32>
          %broadcast_in_dim3A_353 = vector.broadcast %jit3A_351 : f32 to vector<16xf32>
          %select_n3A_354 = arith.select %ge3A_349, %broadcast_in_dim3A_352, %broadcast_in_dim3A_353 : vector<16xi1>, vector<16xf32>
          %add3A_355 = arith.addf %add3A_346, %select_n3A_354 : vector<16xf32>
          %sub3A_356 = arith.subf %broadcast_in_dim3A_334, %select_n3A_354 : vector<16xf32>
          %add3A_357 = arith.addf %add3A_338, %sub3A_356 : vector<16xf32>
          %ge3A_358 = arith.cmpf oge, %add3A_114, %add3A_174 : vector<16xf32>
          %jit3A_359 = arith.constant 1.000000e+00 : f32
          %jit3A_360 = arith.constant 0.000000e+00 : f32
          %broadcast_in_dim3A_361 = vector.broadcast %jit3A_359 : f32 to vector<16xf32>
          %broadcast_in_dim3A_362 = vector.broadcast %jit3A_360 : f32 to vector<16xf32>
          %select_n3A_363 = arith.select %ge3A_358, %broadcast_in_dim3A_361, %broadcast_in_dim3A_362 : vector<16xi1>, vector<16xf32>
          %add3A_364 = arith.addf %broadcast_in_dim3A_320, %select_n3A_363 : vector<16xf32>
          %sub3A_365 = arith.subf %broadcast_in_dim3A_334, %select_n3A_363 : vector<16xf32>
          %add3A_366 = arith.addf %add3A_348, %sub3A_365 : vector<16xf32>
          %ge3A_367 = arith.cmpf oge, %add3A_132, %add3A_174 : vector<16xf32>
          %jit3A_368 = arith.constant 1.000000e+00 : f32
          %jit3A_369 = arith.constant 0.000000e+00 : f32
          %broadcast_in_dim3A_370 = vector.broadcast %jit3A_368 : f32 to vector<16xf32>
          %broadcast_in_dim3A_371 = vector.broadcast %jit3A_369 : f32 to vector<16xf32>
          %select_n3A_372 = arith.select %ge3A_367, %broadcast_in_dim3A_370, %broadcast_in_dim3A_371 : vector<16xi1>, vector<16xf32>
          %add3A_373 = arith.addf %add3A_364, %select_n3A_372 : vector<16xf32>
          %sub3A_374 = arith.subf %broadcast_in_dim3A_334, %select_n3A_372 : vector<16xf32>
          %add3A_375 = arith.addf %add3A_357, %sub3A_374 : vector<16xf32>
          %ge3A_376 = arith.cmpf oge, %add3A_153, %add3A_174 : vector<16xf32>
          %jit3A_377 = arith.constant 1.000000e+00 : f32
          %jit3A_378 = arith.constant 0.000000e+00 : f32
          %broadcast_in_dim3A_379 = vector.broadcast %jit3A_377 : f32 to vector<16xf32>
          %broadcast_in_dim3A_380 = vector.broadcast %jit3A_378 : f32 to vector<16xf32>
          %select_n3A_381 = arith.select %ge3A_376, %broadcast_in_dim3A_379, %broadcast_in_dim3A_380 : vector<16xi1>, vector<16xf32>
          %add3A_382 = arith.addf %add3A_373, %select_n3A_381 : vector<16xf32>
          %sub3A_383 = arith.subf %broadcast_in_dim3A_334, %select_n3A_381 : vector<16xf32>
          %add3A_384 = arith.addf %add3A_355, %sub3A_383 : vector<16xf32>
          %ge3A_385 = arith.cmpf oge, %add3A_114, %add3A_195 : vector<16xf32>
          %jit3A_386 = arith.constant 1.000000e+00 : f32
          %jit3A_387 = arith.constant 0.000000e+00 : f32
          %broadcast_in_dim3A_388 = vector.broadcast %jit3A_386 : f32 to vector<16xf32>
          %broadcast_in_dim3A_389 = vector.broadcast %jit3A_387 : f32 to vector<16xf32>
          %select_n3A_390 = arith.select %ge3A_385, %broadcast_in_dim3A_388, %broadcast_in_dim3A_389 : vector<16xi1>, vector<16xf32>
          %add3A_391 = arith.addf %broadcast_in_dim3A_322, %select_n3A_390 : vector<16xf32>
          %sub3A_392 = arith.subf %broadcast_in_dim3A_334, %select_n3A_390 : vector<16xf32>
          %add3A_393 = arith.addf %add3A_366, %sub3A_392 : vector<16xf32>
          %ge3A_394 = arith.cmpf oge, %add3A_132, %add3A_195 : vector<16xf32>
          %jit3A_395 = arith.constant 1.000000e+00 : f32
          %jit3A_396 = arith.constant 0.000000e+00 : f32
          %broadcast_in_dim3A_397 = vector.broadcast %jit3A_395 : f32 to vector<16xf32>
          %broadcast_in_dim3A_398 = vector.broadcast %jit3A_396 : f32 to vector<16xf32>
          %select_n3A_399 = arith.select %ge3A_394, %broadcast_in_dim3A_397, %broadcast_in_dim3A_398 : vector<16xi1>, vector<16xf32>
          %add3A_400 = arith.addf %add3A_391, %select_n3A_399 : vector<16xf32>
          %sub3A_401 = arith.subf %broadcast_in_dim3A_334, %select_n3A_399 : vector<16xf32>
          %add3A_402 = arith.addf %add3A_375, %sub3A_401 : vector<16xf32>
          %ge3A_403 = arith.cmpf oge, %add3A_153, %add3A_195 : vector<16xf32>
          %jit3A_404 = arith.constant 1.000000e+00 : f32
          %jit3A_405 = arith.constant 0.000000e+00 : f32
          %broadcast_in_dim3A_406 = vector.broadcast %jit3A_404 : f32 to vector<16xf32>
          %broadcast_in_dim3A_407 = vector.broadcast %jit3A_405 : f32 to vector<16xf32>
          %select_n3A_408 = arith.select %ge3A_403, %broadcast_in_dim3A_406, %broadcast_in_dim3A_407 : vector<16xi1>, vector<16xf32>
          %add3A_409 = arith.addf %add3A_400, %select_n3A_408 : vector<16xf32>
          %sub3A_410 = arith.subf %broadcast_in_dim3A_334, %select_n3A_408 : vector<16xf32>
          %add3A_411 = arith.addf %add3A_384, %sub3A_410 : vector<16xf32>
          %ge3A_412 = arith.cmpf oge, %add3A_174, %add3A_195 : vector<16xf32>
          %jit3A_413 = arith.constant 1.000000e+00 : f32
          %jit3A_414 = arith.constant 0.000000e+00 : f32
          %broadcast_in_dim3A_415 = vector.broadcast %jit3A_413 : f32 to vector<16xf32>
          %broadcast_in_dim3A_416 = vector.broadcast %jit3A_414 : f32 to vector<16xf32>
          %select_n3A_417 = arith.select %ge3A_412, %broadcast_in_dim3A_415, %broadcast_in_dim3A_416 : vector<16xi1>, vector<16xf32>
          %add3A_418 = arith.addf %add3A_409, %select_n3A_417 : vector<16xf32>
          %sub3A_419 = arith.subf %broadcast_in_dim3A_334, %select_n3A_417 : vector<16xf32>
          %add3A_420 = arith.addf %add3A_382, %sub3A_419 : vector<16xf32>
          %ge3A_421 = arith.cmpf oge, %add3A_114, %add3A_216 : vector<16xf32>
          %jit3A_422 = arith.constant 1.000000e+00 : f32
          %jit3A_423 = arith.constant 0.000000e+00 : f32
          %broadcast_in_dim3A_424 = vector.broadcast %jit3A_422 : f32 to vector<16xf32>
          %broadcast_in_dim3A_425 = vector.broadcast %jit3A_423 : f32 to vector<16xf32>
          %select_n3A_426 = arith.select %ge3A_421, %broadcast_in_dim3A_424, %broadcast_in_dim3A_425 : vector<16xi1>, vector<16xf32>
          %add3A_427 = arith.addf %broadcast_in_dim3A_324, %select_n3A_426 : vector<16xf32>
          %sub3A_428 = arith.subf %broadcast_in_dim3A_334, %select_n3A_426 : vector<16xf32>
          %add3A_429 = arith.addf %add3A_393, %sub3A_428 : vector<16xf32>
          %ge3A_430 = arith.cmpf oge, %add3A_132, %add3A_216 : vector<16xf32>
          %jit3A_431 = arith.constant 1.000000e+00 : f32
          %jit3A_432 = arith.constant 0.000000e+00 : f32
          %broadcast_in_dim3A_433 = vector.broadcast %jit3A_431 : f32 to vector<16xf32>
          %broadcast_in_dim3A_434 = vector.broadcast %jit3A_432 : f32 to vector<16xf32>
          %select_n3A_435 = arith.select %ge3A_430, %broadcast_in_dim3A_433, %broadcast_in_dim3A_434 : vector<16xi1>, vector<16xf32>
          %add3A_436 = arith.addf %add3A_427, %select_n3A_435 : vector<16xf32>
          %sub3A_437 = arith.subf %broadcast_in_dim3A_334, %select_n3A_435 : vector<16xf32>
          %add3A_438 = arith.addf %add3A_402, %sub3A_437 : vector<16xf32>
          %ge3A_439 = arith.cmpf oge, %add3A_153, %add3A_216 : vector<16xf32>
          %jit3A_440 = arith.constant 1.000000e+00 : f32
          %jit3A_441 = arith.constant 0.000000e+00 : f32
          %broadcast_in_dim3A_442 = vector.broadcast %jit3A_440 : f32 to vector<16xf32>
          %broadcast_in_dim3A_443 = vector.broadcast %jit3A_441 : f32 to vector<16xf32>
          %select_n3A_444 = arith.select %ge3A_439, %broadcast_in_dim3A_442, %broadcast_in_dim3A_443 : vector<16xi1>, vector<16xf32>
          %add3A_445 = arith.addf %add3A_436, %select_n3A_444 : vector<16xf32>
          %sub3A_446 = arith.subf %broadcast_in_dim3A_334, %select_n3A_444 : vector<16xf32>
          %add3A_447 = arith.addf %add3A_411, %sub3A_446 : vector<16xf32>
          %ge3A_448 = arith.cmpf oge, %add3A_174, %add3A_216 : vector<16xf32>
          %jit3A_449 = arith.constant 1.000000e+00 : f32
          %jit3A_450 = arith.constant 0.000000e+00 : f32
          %broadcast_in_dim3A_451 = vector.broadcast %jit3A_449 : f32 to vector<16xf32>
          %broadcast_in_dim3A_452 = vector.broadcast %jit3A_450 : f32 to vector<16xf32>
          %select_n3A_453 = arith.select %ge3A_448, %broadcast_in_dim3A_451, %broadcast_in_dim3A_452 : vector<16xi1>, vector<16xf32>
          %add3A_454 = arith.addf %add3A_445, %select_n3A_453 : vector<16xf32>
          %sub3A_455 = arith.subf %broadcast_in_dim3A_334, %select_n3A_453 : vector<16xf32>
          %add3A_456 = arith.addf %add3A_420, %sub3A_455 : vector<16xf32>
          %ge3A_457 = arith.cmpf oge, %add3A_195, %add3A_216 : vector<16xf32>
          %jit3A_458 = arith.constant 1.000000e+00 : f32
          %jit3A_459 = arith.constant 0.000000e+00 : f32
          %broadcast_in_dim3A_460 = vector.broadcast %jit3A_458 : f32 to vector<16xf32>
          %broadcast_in_dim3A_461 = vector.broadcast %jit3A_459 : f32 to vector<16xf32>
          %select_n3A_462 = arith.select %ge3A_457, %broadcast_in_dim3A_460, %broadcast_in_dim3A_461 : vector<16xi1>, vector<16xf32>
          %add3A_463 = arith.addf %add3A_454, %select_n3A_462 : vector<16xf32>
          %sub3A_464 = arith.subf %broadcast_in_dim3A_334, %select_n3A_462 : vector<16xf32>
          %add3A_465 = arith.addf %add3A_418, %sub3A_464 : vector<16xf32>
          %ge3A_466 = arith.cmpf oge, %add3A_114, %add3A_237 : vector<16xf32>
          %jit3A_467 = arith.constant 1.000000e+00 : f32
          %jit3A_468 = arith.constant 0.000000e+00 : f32
          %broadcast_in_dim3A_469 = vector.broadcast %jit3A_467 : f32 to vector<16xf32>
          %broadcast_in_dim3A_470 = vector.broadcast %jit3A_468 : f32 to vector<16xf32>
          %select_n3A_471 = arith.select %ge3A_466, %broadcast_in_dim3A_469, %broadcast_in_dim3A_470 : vector<16xi1>, vector<16xf32>
          %add3A_472 = arith.addf %broadcast_in_dim3A_326, %select_n3A_471 : vector<16xf32>
          %sub3A_473 = arith.subf %broadcast_in_dim3A_334, %select_n3A_471 : vector<16xf32>
          %add3A_474 = arith.addf %add3A_429, %sub3A_473 : vector<16xf32>
          %ge3A_475 = arith.cmpf oge, %add3A_132, %add3A_237 : vector<16xf32>
          %jit3A_476 = arith.constant 1.000000e+00 : f32
          %jit3A_477 = arith.constant 0.000000e+00 : f32
          %broadcast_in_dim3A_478 = vector.broadcast %jit3A_476 : f32 to vector<16xf32>
          %broadcast_in_dim3A_479 = vector.broadcast %jit3A_477 : f32 to vector<16xf32>
          %select_n3A_480 = arith.select %ge3A_475, %broadcast_in_dim3A_478, %broadcast_in_dim3A_479 : vector<16xi1>, vector<16xf32>
          %add3A_481 = arith.addf %add3A_472, %select_n3A_480 : vector<16xf32>
          %sub3A_482 = arith.subf %broadcast_in_dim3A_334, %select_n3A_480 : vector<16xf32>
          %add3A_483 = arith.addf %add3A_438, %sub3A_482 : vector<16xf32>
          %ge3A_484 = arith.cmpf oge, %add3A_153, %add3A_237 : vector<16xf32>
          %jit3A_485 = arith.constant 1.000000e+00 : f32
          %jit3A_486 = arith.constant 0.000000e+00 : f32
          %broadcast_in_dim3A_487 = vector.broadcast %jit3A_485 : f32 to vector<16xf32>
          %broadcast_in_dim3A_488 = vector.broadcast %jit3A_486 : f32 to vector<16xf32>
          %select_n3A_489 = arith.select %ge3A_484, %broadcast_in_dim3A_487, %broadcast_in_dim3A_488 : vector<16xi1>, vector<16xf32>
          %add3A_490 = arith.addf %add3A_481, %select_n3A_489 : vector<16xf32>
          %sub3A_491 = arith.subf %broadcast_in_dim3A_334, %select_n3A_489 : vector<16xf32>
          %add3A_492 = arith.addf %add3A_447, %sub3A_491 : vector<16xf32>
          %ge3A_493 = arith.cmpf oge, %add3A_174, %add3A_237 : vector<16xf32>
          %jit3A_494 = arith.constant 1.000000e+00 : f32
          %jit3A_495 = arith.constant 0.000000e+00 : f32
          %broadcast_in_dim3A_496 = vector.broadcast %jit3A_494 : f32 to vector<16xf32>
          %broadcast_in_dim3A_497 = vector.broadcast %jit3A_495 : f32 to vector<16xf32>
          %select_n3A_498 = arith.select %ge3A_493, %broadcast_in_dim3A_496, %broadcast_in_dim3A_497 : vector<16xi1>, vector<16xf32>
          %add3A_499 = arith.addf %add3A_490, %select_n3A_498 : vector<16xf32>
          %sub3A_500 = arith.subf %broadcast_in_dim3A_334, %select_n3A_498 : vector<16xf32>
          %add3A_501 = arith.addf %add3A_456, %sub3A_500 : vector<16xf32>
          %ge3A_502 = arith.cmpf oge, %add3A_195, %add3A_237 : vector<16xf32>
          %jit3A_503 = arith.constant 1.000000e+00 : f32
          %jit3A_504 = arith.constant 0.000000e+00 : f32
          %broadcast_in_dim3A_505 = vector.broadcast %jit3A_503 : f32 to vector<16xf32>
          %broadcast_in_dim3A_506 = vector.broadcast %jit3A_504 : f32 to vector<16xf32>
          %select_n3A_507 = arith.select %ge3A_502, %broadcast_in_dim3A_505, %broadcast_in_dim3A_506 : vector<16xi1>, vector<16xf32>
          %add3A_508 = arith.addf %add3A_499, %select_n3A_507 : vector<16xf32>
          %sub3A_509 = arith.subf %broadcast_in_dim3A_334, %select_n3A_507 : vector<16xf32>
          %add3A_510 = arith.addf %add3A_465, %sub3A_509 : vector<16xf32>
          %ge3A_511 = arith.cmpf oge, %add3A_216, %add3A_237 : vector<16xf32>
          %jit3A_512 = arith.constant 1.000000e+00 : f32
          %jit3A_513 = arith.constant 0.000000e+00 : f32
          %broadcast_in_dim3A_514 = vector.broadcast %jit3A_512 : f32 to vector<16xf32>
          %broadcast_in_dim3A_515 = vector.broadcast %jit3A_513 : f32 to vector<16xf32>
          %select_n3A_516 = arith.select %ge3A_511, %broadcast_in_dim3A_514, %broadcast_in_dim3A_515 : vector<16xi1>, vector<16xf32>
          %add3A_517 = arith.addf %add3A_508, %select_n3A_516 : vector<16xf32>
          %sub3A_518 = arith.subf %broadcast_in_dim3A_334, %select_n3A_516 : vector<16xf32>
          %add3A_519 = arith.addf %add3A_463, %sub3A_518 : vector<16xf32>
          %ge3A_520 = arith.cmpf oge, %add3A_114, %add3A_258 : vector<16xf32>
          %jit3A_521 = arith.constant 1.000000e+00 : f32
          %jit3A_522 = arith.constant 0.000000e+00 : f32
          %broadcast_in_dim3A_523 = vector.broadcast %jit3A_521 : f32 to vector<16xf32>
          %broadcast_in_dim3A_524 = vector.broadcast %jit3A_522 : f32 to vector<16xf32>
          %select_n3A_525 = arith.select %ge3A_520, %broadcast_in_dim3A_523, %broadcast_in_dim3A_524 : vector<16xi1>, vector<16xf32>
          %add3A_526 = arith.addf %broadcast_in_dim3A_328, %select_n3A_525 : vector<16xf32>
          %sub3A_527 = arith.subf %broadcast_in_dim3A_334, %select_n3A_525 : vector<16xf32>
          %add3A_528 = arith.addf %add3A_474, %sub3A_527 : vector<16xf32>
          %ge3A_529 = arith.cmpf oge, %add3A_132, %add3A_258 : vector<16xf32>
          %jit3A_530 = arith.constant 1.000000e+00 : f32
          %jit3A_531 = arith.constant 0.000000e+00 : f32
          %broadcast_in_dim3A_532 = vector.broadcast %jit3A_530 : f32 to vector<16xf32>
          %broadcast_in_dim3A_533 = vector.broadcast %jit3A_531 : f32 to vector<16xf32>
          %select_n3A_534 = arith.select %ge3A_529, %broadcast_in_dim3A_532, %broadcast_in_dim3A_533 : vector<16xi1>, vector<16xf32>
          %add3A_535 = arith.addf %add3A_526, %select_n3A_534 : vector<16xf32>
          %sub3A_536 = arith.subf %broadcast_in_dim3A_334, %select_n3A_534 : vector<16xf32>
          %add3A_537 = arith.addf %add3A_483, %sub3A_536 : vector<16xf32>
          %ge3A_538 = arith.cmpf oge, %add3A_153, %add3A_258 : vector<16xf32>
          %jit3A_539 = arith.constant 1.000000e+00 : f32
          %jit3A_540 = arith.constant 0.000000e+00 : f32
          %broadcast_in_dim3A_541 = vector.broadcast %jit3A_539 : f32 to vector<16xf32>
          %broadcast_in_dim3A_542 = vector.broadcast %jit3A_540 : f32 to vector<16xf32>
          %select_n3A_543 = arith.select %ge3A_538, %broadcast_in_dim3A_541, %broadcast_in_dim3A_542 : vector<16xi1>, vector<16xf32>
          %add3A_544 = arith.addf %add3A_535, %select_n3A_543 : vector<16xf32>
          %sub3A_545 = arith.subf %broadcast_in_dim3A_334, %select_n3A_543 : vector<16xf32>
          %add3A_546 = arith.addf %add3A_492, %sub3A_545 : vector<16xf32>
          %ge3A_547 = arith.cmpf oge, %add3A_174, %add3A_258 : vector<16xf32>
          %jit3A_548 = arith.constant 1.000000e+00 : f32
          %jit3A_549 = arith.constant 0.000000e+00 : f32
          %broadcast_in_dim3A_550 = vector.broadcast %jit3A_548 : f32 to vector<16xf32>
          %broadcast_in_dim3A_551 = vector.broadcast %jit3A_549 : f32 to vector<16xf32>
          %select_n3A_552 = arith.select %ge3A_547, %broadcast_in_dim3A_550, %broadcast_in_dim3A_551 : vector<16xi1>, vector<16xf32>
          %add3A_553 = arith.addf %add3A_544, %select_n3A_552 : vector<16xf32>
          %sub3A_554 = arith.subf %broadcast_in_dim3A_334, %select_n3A_552 : vector<16xf32>
          %add3A_555 = arith.addf %add3A_501, %sub3A_554 : vector<16xf32>
          %ge3A_556 = arith.cmpf oge, %add3A_195, %add3A_258 : vector<16xf32>
          %jit3A_557 = arith.constant 1.000000e+00 : f32
          %jit3A_558 = arith.constant 0.000000e+00 : f32
          %broadcast_in_dim3A_559 = vector.broadcast %jit3A_557 : f32 to vector<16xf32>
          %broadcast_in_dim3A_560 = vector.broadcast %jit3A_558 : f32 to vector<16xf32>
          %select_n3A_561 = arith.select %ge3A_556, %broadcast_in_dim3A_559, %broadcast_in_dim3A_560 : vector<16xi1>, vector<16xf32>
          %add3A_562 = arith.addf %add3A_553, %select_n3A_561 : vector<16xf32>
          %sub3A_563 = arith.subf %broadcast_in_dim3A_334, %select_n3A_561 : vector<16xf32>
          %add3A_564 = arith.addf %add3A_510, %sub3A_563 : vector<16xf32>
          %ge3A_565 = arith.cmpf oge, %add3A_216, %add3A_258 : vector<16xf32>
          %jit3A_566 = arith.constant 1.000000e+00 : f32
          %jit3A_567 = arith.constant 0.000000e+00 : f32
          %broadcast_in_dim3A_568 = vector.broadcast %jit3A_566 : f32 to vector<16xf32>
          %broadcast_in_dim3A_569 = vector.broadcast %jit3A_567 : f32 to vector<16xf32>
          %select_n3A_570 = arith.select %ge3A_565, %broadcast_in_dim3A_568, %broadcast_in_dim3A_569 : vector<16xi1>, vector<16xf32>
          %add3A_571 = arith.addf %add3A_562, %select_n3A_570 : vector<16xf32>
          %sub3A_572 = arith.subf %broadcast_in_dim3A_334, %select_n3A_570 : vector<16xf32>
          %add3A_573 = arith.addf %add3A_519, %sub3A_572 : vector<16xf32>
          %ge3A_574 = arith.cmpf oge, %add3A_237, %add3A_258 : vector<16xf32>
          %jit3A_575 = arith.constant 1.000000e+00 : f32
          %jit3A_576 = arith.constant 0.000000e+00 : f32
          %broadcast_in_dim3A_577 = vector.broadcast %jit3A_575 : f32 to vector<16xf32>
          %broadcast_in_dim3A_578 = vector.broadcast %jit3A_576 : f32 to vector<16xf32>
          %select_n3A_579 = arith.select %ge3A_574, %broadcast_in_dim3A_577, %broadcast_in_dim3A_578 : vector<16xi1>, vector<16xf32>
          %add3A_580 = arith.addf %add3A_571, %select_n3A_579 : vector<16xf32>
          %sub3A_581 = arith.subf %broadcast_in_dim3A_334, %select_n3A_579 : vector<16xf32>
          %add3A_582 = arith.addf %add3A_517, %sub3A_581 : vector<16xf32>
          %ge3A_583 = arith.cmpf oge, %add3A_114, %add3A_279 : vector<16xf32>
          %jit3A_584 = arith.constant 1.000000e+00 : f32
          %jit3A_585 = arith.constant 0.000000e+00 : f32
          %broadcast_in_dim3A_586 = vector.broadcast %jit3A_584 : f32 to vector<16xf32>
          %broadcast_in_dim3A_587 = vector.broadcast %jit3A_585 : f32 to vector<16xf32>
          %select_n3A_588 = arith.select %ge3A_583, %broadcast_in_dim3A_586, %broadcast_in_dim3A_587 : vector<16xi1>, vector<16xf32>
          %add3A_589 = arith.addf %broadcast_in_dim3A_330, %select_n3A_588 : vector<16xf32>
          %sub3A_590 = arith.subf %broadcast_in_dim3A_334, %select_n3A_588 : vector<16xf32>
          %add3A_591 = arith.addf %add3A_528, %sub3A_590 : vector<16xf32>
          %ge3A_592 = arith.cmpf oge, %add3A_132, %add3A_279 : vector<16xf32>
          %jit3A_593 = arith.constant 1.000000e+00 : f32
          %jit3A_594 = arith.constant 0.000000e+00 : f32
          %broadcast_in_dim3A_595 = vector.broadcast %jit3A_593 : f32 to vector<16xf32>
          %broadcast_in_dim3A_596 = vector.broadcast %jit3A_594 : f32 to vector<16xf32>
          %select_n3A_597 = arith.select %ge3A_592, %broadcast_in_dim3A_595, %broadcast_in_dim3A_596 : vector<16xi1>, vector<16xf32>
          %add3A_598 = arith.addf %add3A_589, %select_n3A_597 : vector<16xf32>
          %sub3A_599 = arith.subf %broadcast_in_dim3A_334, %select_n3A_597 : vector<16xf32>
          %add3A_600 = arith.addf %add3A_537, %sub3A_599 : vector<16xf32>
          %ge3A_601 = arith.cmpf oge, %add3A_153, %add3A_279 : vector<16xf32>
          %jit3A_602 = arith.constant 1.000000e+00 : f32
          %jit3A_603 = arith.constant 0.000000e+00 : f32
          %broadcast_in_dim3A_604 = vector.broadcast %jit3A_602 : f32 to vector<16xf32>
          %broadcast_in_dim3A_605 = vector.broadcast %jit3A_603 : f32 to vector<16xf32>
          %select_n3A_606 = arith.select %ge3A_601, %broadcast_in_dim3A_604, %broadcast_in_dim3A_605 : vector<16xi1>, vector<16xf32>
          %add3A_607 = arith.addf %add3A_598, %select_n3A_606 : vector<16xf32>
          %sub3A_608 = arith.subf %broadcast_in_dim3A_334, %select_n3A_606 : vector<16xf32>
          %add3A_609 = arith.addf %add3A_546, %sub3A_608 : vector<16xf32>
          %ge3A_610 = arith.cmpf oge, %add3A_174, %add3A_279 : vector<16xf32>
          %jit3A_611 = arith.constant 1.000000e+00 : f32
          %jit3A_612 = arith.constant 0.000000e+00 : f32
          %broadcast_in_dim3A_613 = vector.broadcast %jit3A_611 : f32 to vector<16xf32>
          %broadcast_in_dim3A_614 = vector.broadcast %jit3A_612 : f32 to vector<16xf32>
          %select_n3A_615 = arith.select %ge3A_610, %broadcast_in_dim3A_613, %broadcast_in_dim3A_614 : vector<16xi1>, vector<16xf32>
          %add3A_616 = arith.addf %add3A_607, %select_n3A_615 : vector<16xf32>
          %sub3A_617 = arith.subf %broadcast_in_dim3A_334, %select_n3A_615 : vector<16xf32>
          %add3A_618 = arith.addf %add3A_555, %sub3A_617 : vector<16xf32>
          %ge3A_619 = arith.cmpf oge, %add3A_195, %add3A_279 : vector<16xf32>
          %jit3A_620 = arith.constant 1.000000e+00 : f32
          %jit3A_621 = arith.constant 0.000000e+00 : f32
          %broadcast_in_dim3A_622 = vector.broadcast %jit3A_620 : f32 to vector<16xf32>
          %broadcast_in_dim3A_623 = vector.broadcast %jit3A_621 : f32 to vector<16xf32>
          %select_n3A_624 = arith.select %ge3A_619, %broadcast_in_dim3A_622, %broadcast_in_dim3A_623 : vector<16xi1>, vector<16xf32>
          %add3A_625 = arith.addf %add3A_616, %select_n3A_624 : vector<16xf32>
          %sub3A_626 = arith.subf %broadcast_in_dim3A_334, %select_n3A_624 : vector<16xf32>
          %add3A_627 = arith.addf %add3A_564, %sub3A_626 : vector<16xf32>
          %ge3A_628 = arith.cmpf oge, %add3A_216, %add3A_279 : vector<16xf32>
          %jit3A_629 = arith.constant 1.000000e+00 : f32
          %jit3A_630 = arith.constant 0.000000e+00 : f32
          %broadcast_in_dim3A_631 = vector.broadcast %jit3A_629 : f32 to vector<16xf32>
          %broadcast_in_dim3A_632 = vector.broadcast %jit3A_630 : f32 to vector<16xf32>
          %select_n3A_633 = arith.select %ge3A_628, %broadcast_in_dim3A_631, %broadcast_in_dim3A_632 : vector<16xi1>, vector<16xf32>
          %add3A_634 = arith.addf %add3A_625, %select_n3A_633 : vector<16xf32>
          %sub3A_635 = arith.subf %broadcast_in_dim3A_334, %select_n3A_633 : vector<16xf32>
          %add3A_636 = arith.addf %add3A_573, %sub3A_635 : vector<16xf32>
          %ge3A_637 = arith.cmpf oge, %add3A_237, %add3A_279 : vector<16xf32>
          %jit3A_638 = arith.constant 1.000000e+00 : f32
          %jit3A_639 = arith.constant 0.000000e+00 : f32
          %broadcast_in_dim3A_640 = vector.broadcast %jit3A_638 : f32 to vector<16xf32>
          %broadcast_in_dim3A_641 = vector.broadcast %jit3A_639 : f32 to vector<16xf32>
          %select_n3A_642 = arith.select %ge3A_637, %broadcast_in_dim3A_640, %broadcast_in_dim3A_641 : vector<16xi1>, vector<16xf32>
          %add3A_643 = arith.addf %add3A_634, %select_n3A_642 : vector<16xf32>
          %sub3A_644 = arith.subf %broadcast_in_dim3A_334, %select_n3A_642 : vector<16xf32>
          %add3A_645 = arith.addf %add3A_582, %sub3A_644 : vector<16xf32>
          %ge3A_646 = arith.cmpf oge, %add3A_258, %add3A_279 : vector<16xf32>
          %jit3A_647 = arith.constant 1.000000e+00 : f32
          %jit3A_648 = arith.constant 0.000000e+00 : f32
          %broadcast_in_dim3A_649 = vector.broadcast %jit3A_647 : f32 to vector<16xf32>
          %broadcast_in_dim3A_650 = vector.broadcast %jit3A_648 : f32 to vector<16xf32>
          %select_n3A_651 = arith.select %ge3A_646, %broadcast_in_dim3A_649, %broadcast_in_dim3A_650 : vector<16xi1>, vector<16xf32>
          %add3A_652 = arith.addf %add3A_643, %select_n3A_651 : vector<16xf32>
          %sub3A_653 = arith.subf %broadcast_in_dim3A_334, %select_n3A_651 : vector<16xf32>
          %add3A_654 = arith.addf %add3A_580, %sub3A_653 : vector<16xf32>
          %ge3A_655 = arith.cmpf oge, %add3A_114, %add3A_300 : vector<16xf32>
          %jit3A_656 = arith.constant 1.000000e+00 : f32
          %jit3A_657 = arith.constant 0.000000e+00 : f32
          %broadcast_in_dim3A_658 = vector.broadcast %jit3A_656 : f32 to vector<16xf32>
          %broadcast_in_dim3A_659 = vector.broadcast %jit3A_657 : f32 to vector<16xf32>
          %select_n3A_660 = arith.select %ge3A_655, %broadcast_in_dim3A_658, %broadcast_in_dim3A_659 : vector<16xi1>, vector<16xf32>
          %add3A_661 = arith.addf %broadcast_in_dim3A_332, %select_n3A_660 : vector<16xf32>
          %sub3A_662 = arith.subf %broadcast_in_dim3A_334, %select_n3A_660 : vector<16xf32>
          %add3A_663 = arith.addf %add3A_591, %sub3A_662 : vector<16xf32>
          %ge3A_664 = arith.cmpf oge, %add3A_132, %add3A_300 : vector<16xf32>
          %jit3A_665 = arith.constant 1.000000e+00 : f32
          %jit3A_666 = arith.constant 0.000000e+00 : f32
          %broadcast_in_dim3A_667 = vector.broadcast %jit3A_665 : f32 to vector<16xf32>
          %broadcast_in_dim3A_668 = vector.broadcast %jit3A_666 : f32 to vector<16xf32>
          %select_n3A_669 = arith.select %ge3A_664, %broadcast_in_dim3A_667, %broadcast_in_dim3A_668 : vector<16xi1>, vector<16xf32>
          %add3A_670 = arith.addf %add3A_661, %select_n3A_669 : vector<16xf32>
          %sub3A_671 = arith.subf %broadcast_in_dim3A_334, %select_n3A_669 : vector<16xf32>
          %add3A_672 = arith.addf %add3A_600, %sub3A_671 : vector<16xf32>
          %ge3A_673 = arith.cmpf oge, %add3A_153, %add3A_300 : vector<16xf32>
          %jit3A_674 = arith.constant 1.000000e+00 : f32
          %jit3A_675 = arith.constant 0.000000e+00 : f32
          %broadcast_in_dim3A_676 = vector.broadcast %jit3A_674 : f32 to vector<16xf32>
          %broadcast_in_dim3A_677 = vector.broadcast %jit3A_675 : f32 to vector<16xf32>
          %select_n3A_678 = arith.select %ge3A_673, %broadcast_in_dim3A_676, %broadcast_in_dim3A_677 : vector<16xi1>, vector<16xf32>
          %add3A_679 = arith.addf %add3A_670, %select_n3A_678 : vector<16xf32>
          %sub3A_680 = arith.subf %broadcast_in_dim3A_334, %select_n3A_678 : vector<16xf32>
          %add3A_681 = arith.addf %add3A_609, %sub3A_680 : vector<16xf32>
          %ge3A_682 = arith.cmpf oge, %add3A_174, %add3A_300 : vector<16xf32>
          %jit3A_683 = arith.constant 1.000000e+00 : f32
          %jit3A_684 = arith.constant 0.000000e+00 : f32
          %broadcast_in_dim3A_685 = vector.broadcast %jit3A_683 : f32 to vector<16xf32>
          %broadcast_in_dim3A_686 = vector.broadcast %jit3A_684 : f32 to vector<16xf32>
          %select_n3A_687 = arith.select %ge3A_682, %broadcast_in_dim3A_685, %broadcast_in_dim3A_686 : vector<16xi1>, vector<16xf32>
          %add3A_688 = arith.addf %add3A_679, %select_n3A_687 : vector<16xf32>
          %sub3A_689 = arith.subf %broadcast_in_dim3A_334, %select_n3A_687 : vector<16xf32>
          %add3A_690 = arith.addf %add3A_618, %sub3A_689 : vector<16xf32>
          %ge3A_691 = arith.cmpf oge, %add3A_195, %add3A_300 : vector<16xf32>
          %jit3A_692 = arith.constant 1.000000e+00 : f32
          %jit3A_693 = arith.constant 0.000000e+00 : f32
          %broadcast_in_dim3A_694 = vector.broadcast %jit3A_692 : f32 to vector<16xf32>
          %broadcast_in_dim3A_695 = vector.broadcast %jit3A_693 : f32 to vector<16xf32>
          %select_n3A_696 = arith.select %ge3A_691, %broadcast_in_dim3A_694, %broadcast_in_dim3A_695 : vector<16xi1>, vector<16xf32>
          %add3A_697 = arith.addf %add3A_688, %select_n3A_696 : vector<16xf32>
          %sub3A_698 = arith.subf %broadcast_in_dim3A_334, %select_n3A_696 : vector<16xf32>
          %add3A_699 = arith.addf %add3A_627, %sub3A_698 : vector<16xf32>
          %ge3A_700 = arith.cmpf oge, %add3A_216, %add3A_300 : vector<16xf32>
          %jit3A_701 = arith.constant 1.000000e+00 : f32
          %jit3A_702 = arith.constant 0.000000e+00 : f32
          %broadcast_in_dim3A_703 = vector.broadcast %jit3A_701 : f32 to vector<16xf32>
          %broadcast_in_dim3A_704 = vector.broadcast %jit3A_702 : f32 to vector<16xf32>
          %select_n3A_705 = arith.select %ge3A_700, %broadcast_in_dim3A_703, %broadcast_in_dim3A_704 : vector<16xi1>, vector<16xf32>
          %add3A_706 = arith.addf %add3A_697, %select_n3A_705 : vector<16xf32>
          %sub3A_707 = arith.subf %broadcast_in_dim3A_334, %select_n3A_705 : vector<16xf32>
          %add3A_708 = arith.addf %add3A_636, %sub3A_707 : vector<16xf32>
          %ge3A_709 = arith.cmpf oge, %add3A_237, %add3A_300 : vector<16xf32>
          %jit3A_710 = arith.constant 1.000000e+00 : f32
          %jit3A_711 = arith.constant 0.000000e+00 : f32
          %broadcast_in_dim3A_712 = vector.broadcast %jit3A_710 : f32 to vector<16xf32>
          %broadcast_in_dim3A_713 = vector.broadcast %jit3A_711 : f32 to vector<16xf32>
          %select_n3A_714 = arith.select %ge3A_709, %broadcast_in_dim3A_712, %broadcast_in_dim3A_713 : vector<16xi1>, vector<16xf32>
          %add3A_715 = arith.addf %add3A_706, %select_n3A_714 : vector<16xf32>
          %sub3A_716 = arith.subf %broadcast_in_dim3A_334, %select_n3A_714 : vector<16xf32>
          %add3A_717 = arith.addf %add3A_645, %sub3A_716 : vector<16xf32>
          %ge3A_718 = arith.cmpf oge, %add3A_258, %add3A_300 : vector<16xf32>
          %jit3A_719 = arith.constant 1.000000e+00 : f32
          %jit3A_720 = arith.constant 0.000000e+00 : f32
          %broadcast_in_dim3A_721 = vector.broadcast %jit3A_719 : f32 to vector<16xf32>
          %broadcast_in_dim3A_722 = vector.broadcast %jit3A_720 : f32 to vector<16xf32>
          %select_n3A_723 = arith.select %ge3A_718, %broadcast_in_dim3A_721, %broadcast_in_dim3A_722 : vector<16xi1>, vector<16xf32>
          %add3A_724 = arith.addf %add3A_715, %select_n3A_723 : vector<16xf32>
          %sub3A_725 = arith.subf %broadcast_in_dim3A_334, %select_n3A_723 : vector<16xf32>
          %add3A_726 = arith.addf %add3A_654, %sub3A_725 : vector<16xf32>
          %ge3A_727 = arith.cmpf oge, %add3A_279, %add3A_300 : vector<16xf32>
          %jit3A_728 = arith.constant 1.000000e+00 : f32
          %jit3A_729 = arith.constant 0.000000e+00 : f32
          %broadcast_in_dim3A_730 = vector.broadcast %jit3A_728 : f32 to vector<16xf32>
          %broadcast_in_dim3A_731 = vector.broadcast %jit3A_729 : f32 to vector<16xf32>
          %select_n3A_732 = arith.select %ge3A_727, %broadcast_in_dim3A_730, %broadcast_in_dim3A_731 : vector<16xi1>, vector<16xf32>
          %add3A_733 = arith.addf %add3A_724, %select_n3A_732 : vector<16xf32>
          %sub3A_734 = arith.subf %broadcast_in_dim3A_334, %select_n3A_732 : vector<16xf32>
          %add3A_735 = arith.addf %add3A_652, %sub3A_734 : vector<16xf32>
          %broadcast_in_dim3A_736 = arith.constant 0.000000e+00 : f32
          %broadcast_in_dim3A_737 = vector.broadcast %broadcast_in_dim3A_736 : f32 to vector<16xf32>
          %broadcast_in_dim3A_738 = arith.constant 0.000000e+00 : f32
          %broadcast_in_dim3A_739 = vector.broadcast %broadcast_in_dim3A_738 : f32 to vector<16xf32>
          %eq3A = arith.constant 0.000000e+00 : f32
          %eq3A_740 = vector.broadcast %eq3A : f32 to vector<16xf32>
          %eq3A_741 = arith.cmpf oeq, %add3A_663, %eq3A_740 : vector<16xf32>
          %jit3A_742 = arith.constant 0.000000e+00 : f32
          %jit3A_743 = arith.constant 0.000000e+00 : f32
          %broadcast_in_dim3A_744 = vector.broadcast %jit3A_742 : f32 to vector<16xf32>
          %broadcast_in_dim3A_745 = vector.broadcast %jit3A_743 : f32 to vector<16xf32>
          %select_n3A_746 = arith.select %eq3A_741, %broadcast_in_dim3A_744, %broadcast_in_dim3A_745 : vector<16xi1>, vector<16xf32>
          %add3A_747 = arith.addf %broadcast_in_dim3A_737, %select_n3A_746 : vector<16xf32>
          %jit3A_748 = arith.constant 0.000000e+00 : f32
          %broadcast_in_dim3A_749 = vector.broadcast %jit3A_748 : f32 to vector<16xf32>
          %select_n3A_750 = arith.select %eq3A_741, %div3A_123, %broadcast_in_dim3A_749 : vector<16xi1>, vector<16xf32>
          %add3A_751 = arith.addf %broadcast_in_dim3A_739, %select_n3A_750 : vector<16xf32>
          %eq3A_752 = arith.constant 0.000000e+00 : f32
          %eq3A_753 = vector.broadcast %eq3A_752 : f32 to vector<16xf32>
          %eq3A_754 = arith.cmpf oeq, %add3A_672, %eq3A_753 : vector<16xf32>
          %jit3A_755 = arith.constant 1.000000e+00 : f32
          %jit3A_756 = arith.constant 0.000000e+00 : f32
          %broadcast_in_dim3A_757 = vector.broadcast %jit3A_755 : f32 to vector<16xf32>
          %broadcast_in_dim3A_758 = vector.broadcast %jit3A_756 : f32 to vector<16xf32>
          %select_n3A_759 = arith.select %eq3A_754, %broadcast_in_dim3A_757, %broadcast_in_dim3A_758 : vector<16xi1>, vector<16xf32>
          %add3A_760 = arith.addf %add3A_747, %select_n3A_759 : vector<16xf32>
          %jit3A_761 = arith.constant 0.000000e+00 : f32
          %broadcast_in_dim3A_762 = vector.broadcast %jit3A_761 : f32 to vector<16xf32>
          %select_n3A_763 = arith.select %eq3A_754, %div3A_144, %broadcast_in_dim3A_762 : vector<16xi1>, vector<16xf32>
          %add3A_764 = arith.addf %add3A_751, %select_n3A_763 : vector<16xf32>
          %eq3A_765 = arith.constant 0.000000e+00 : f32
          %eq3A_766 = vector.broadcast %eq3A_765 : f32 to vector<16xf32>
          %eq3A_767 = arith.cmpf oeq, %add3A_681, %eq3A_766 : vector<16xf32>
          %jit3A_768 = arith.constant 2.000000e+00 : f32
          %jit3A_769 = arith.constant 0.000000e+00 : f32
          %broadcast_in_dim3A_770 = vector.broadcast %jit3A_768 : f32 to vector<16xf32>
          %broadcast_in_dim3A_771 = vector.broadcast %jit3A_769 : f32 to vector<16xf32>
          %select_n3A_772 = arith.select %eq3A_767, %broadcast_in_dim3A_770, %broadcast_in_dim3A_771 : vector<16xi1>, vector<16xf32>
          %add3A_773 = arith.addf %add3A_760, %select_n3A_772 : vector<16xf32>
          %jit3A_774 = arith.constant 0.000000e+00 : f32
          %broadcast_in_dim3A_775 = vector.broadcast %jit3A_774 : f32 to vector<16xf32>
          %select_n3A_776 = arith.select %eq3A_767, %div3A_165, %broadcast_in_dim3A_775 : vector<16xi1>, vector<16xf32>
          %add3A_777 = arith.addf %add3A_764, %select_n3A_776 : vector<16xf32>
          %eq3A_778 = arith.constant 0.000000e+00 : f32
          %eq3A_779 = vector.broadcast %eq3A_778 : f32 to vector<16xf32>
          %eq3A_780 = arith.cmpf oeq, %add3A_690, %eq3A_779 : vector<16xf32>
          %jit3A_781 = arith.constant 3.000000e+00 : f32
          %jit3A_782 = arith.constant 0.000000e+00 : f32
          %broadcast_in_dim3A_783 = vector.broadcast %jit3A_781 : f32 to vector<16xf32>
          %broadcast_in_dim3A_784 = vector.broadcast %jit3A_782 : f32 to vector<16xf32>
          %select_n3A_785 = arith.select %eq3A_780, %broadcast_in_dim3A_783, %broadcast_in_dim3A_784 : vector<16xi1>, vector<16xf32>
          %add3A_786 = arith.addf %add3A_773, %select_n3A_785 : vector<16xf32>
          %jit3A_787 = arith.constant 0.000000e+00 : f32
          %broadcast_in_dim3A_788 = vector.broadcast %jit3A_787 : f32 to vector<16xf32>
          %select_n3A_789 = arith.select %eq3A_780, %div3A_186, %broadcast_in_dim3A_788 : vector<16xi1>, vector<16xf32>
          %add3A_790 = arith.addf %add3A_777, %select_n3A_789 : vector<16xf32>
          %eq3A_791 = arith.constant 0.000000e+00 : f32
          %eq3A_792 = vector.broadcast %eq3A_791 : f32 to vector<16xf32>
          %eq3A_793 = arith.cmpf oeq, %add3A_699, %eq3A_792 : vector<16xf32>
          %jit3A_794 = arith.constant 4.000000e+00 : f32
          %jit3A_795 = arith.constant 0.000000e+00 : f32
          %broadcast_in_dim3A_796 = vector.broadcast %jit3A_794 : f32 to vector<16xf32>
          %broadcast_in_dim3A_797 = vector.broadcast %jit3A_795 : f32 to vector<16xf32>
          %select_n3A_798 = arith.select %eq3A_793, %broadcast_in_dim3A_796, %broadcast_in_dim3A_797 : vector<16xi1>, vector<16xf32>
          %add3A_799 = arith.addf %add3A_786, %select_n3A_798 : vector<16xf32>
          %jit3A_800 = arith.constant 0.000000e+00 : f32
          %broadcast_in_dim3A_801 = vector.broadcast %jit3A_800 : f32 to vector<16xf32>
          %select_n3A_802 = arith.select %eq3A_793, %div3A_207, %broadcast_in_dim3A_801 : vector<16xi1>, vector<16xf32>
          %add3A_803 = arith.addf %add3A_790, %select_n3A_802 : vector<16xf32>
          %eq3A_804 = arith.constant 0.000000e+00 : f32
          %eq3A_805 = vector.broadcast %eq3A_804 : f32 to vector<16xf32>
          %eq3A_806 = arith.cmpf oeq, %add3A_708, %eq3A_805 : vector<16xf32>
          %jit3A_807 = arith.constant 5.000000e+00 : f32
          %jit3A_808 = arith.constant 0.000000e+00 : f32
          %broadcast_in_dim3A_809 = vector.broadcast %jit3A_807 : f32 to vector<16xf32>
          %broadcast_in_dim3A_810 = vector.broadcast %jit3A_808 : f32 to vector<16xf32>
          %select_n3A_811 = arith.select %eq3A_806, %broadcast_in_dim3A_809, %broadcast_in_dim3A_810 : vector<16xi1>, vector<16xf32>
          %add3A_812 = arith.addf %add3A_799, %select_n3A_811 : vector<16xf32>
          %jit3A_813 = arith.constant 0.000000e+00 : f32
          %broadcast_in_dim3A_814 = vector.broadcast %jit3A_813 : f32 to vector<16xf32>
          %select_n3A_815 = arith.select %eq3A_806, %div3A_228, %broadcast_in_dim3A_814 : vector<16xi1>, vector<16xf32>
          %add3A_816 = arith.addf %add3A_803, %select_n3A_815 : vector<16xf32>
          %eq3A_817 = arith.constant 0.000000e+00 : f32
          %eq3A_818 = vector.broadcast %eq3A_817 : f32 to vector<16xf32>
          %eq3A_819 = arith.cmpf oeq, %add3A_717, %eq3A_818 : vector<16xf32>
          %jit3A_820 = arith.constant 6.000000e+00 : f32
          %jit3A_821 = arith.constant 0.000000e+00 : f32
          %broadcast_in_dim3A_822 = vector.broadcast %jit3A_820 : f32 to vector<16xf32>
          %broadcast_in_dim3A_823 = vector.broadcast %jit3A_821 : f32 to vector<16xf32>
          %select_n3A_824 = arith.select %eq3A_819, %broadcast_in_dim3A_822, %broadcast_in_dim3A_823 : vector<16xi1>, vector<16xf32>
          %add3A_825 = arith.addf %add3A_812, %select_n3A_824 : vector<16xf32>
          %jit3A_826 = arith.constant 0.000000e+00 : f32
          %broadcast_in_dim3A_827 = vector.broadcast %jit3A_826 : f32 to vector<16xf32>
          %select_n3A_828 = arith.select %eq3A_819, %div3A_249, %broadcast_in_dim3A_827 : vector<16xi1>, vector<16xf32>
          %add3A_829 = arith.addf %add3A_816, %select_n3A_828 : vector<16xf32>
          %eq3A_830 = arith.constant 0.000000e+00 : f32
          %eq3A_831 = vector.broadcast %eq3A_830 : f32 to vector<16xf32>
          %eq3A_832 = arith.cmpf oeq, %add3A_726, %eq3A_831 : vector<16xf32>
          %jit3A_833 = arith.constant 7.000000e+00 : f32
          %jit3A_834 = arith.constant 0.000000e+00 : f32
          %broadcast_in_dim3A_835 = vector.broadcast %jit3A_833 : f32 to vector<16xf32>
          %broadcast_in_dim3A_836 = vector.broadcast %jit3A_834 : f32 to vector<16xf32>
          %select_n3A_837 = arith.select %eq3A_832, %broadcast_in_dim3A_835, %broadcast_in_dim3A_836 : vector<16xi1>, vector<16xf32>
          %add3A_838 = arith.addf %add3A_825, %select_n3A_837 : vector<16xf32>
          %jit3A_839 = arith.constant 0.000000e+00 : f32
          %broadcast_in_dim3A_840 = vector.broadcast %jit3A_839 : f32 to vector<16xf32>
          %select_n3A_841 = arith.select %eq3A_832, %div3A_270, %broadcast_in_dim3A_840 : vector<16xi1>, vector<16xf32>
          %add3A_842 = arith.addf %add3A_829, %select_n3A_841 : vector<16xf32>
          %eq3A_843 = arith.constant 0.000000e+00 : f32
          %eq3A_844 = vector.broadcast %eq3A_843 : f32 to vector<16xf32>
          %eq3A_845 = arith.cmpf oeq, %add3A_735, %eq3A_844 : vector<16xf32>
          %jit3A_846 = arith.constant 8.000000e+00 : f32
          %jit3A_847 = arith.constant 0.000000e+00 : f32
          %broadcast_in_dim3A_848 = vector.broadcast %jit3A_846 : f32 to vector<16xf32>
          %broadcast_in_dim3A_849 = vector.broadcast %jit3A_847 : f32 to vector<16xf32>
          %select_n3A_850 = arith.select %eq3A_845, %broadcast_in_dim3A_848, %broadcast_in_dim3A_849 : vector<16xi1>, vector<16xf32>
          %add3A_851 = arith.addf %add3A_838, %select_n3A_850 : vector<16xf32>
          %jit3A_852 = arith.constant 0.000000e+00 : f32
          %broadcast_in_dim3A_853 = vector.broadcast %jit3A_852 : f32 to vector<16xf32>
          %select_n3A_854 = arith.select %eq3A_845, %div3A_291, %broadcast_in_dim3A_853 : vector<16xi1>, vector<16xf32>
          %add3A_855 = arith.addf %add3A_842, %select_n3A_854 : vector<16xf32>
          %eq3A_856 = arith.constant 0.000000e+00 : f32
          %eq3A_857 = vector.broadcast %eq3A_856 : f32 to vector<16xf32>
          %eq3A_858 = arith.cmpf oeq, %add3A_733, %eq3A_857 : vector<16xf32>
          %jit3A_859 = arith.constant 9.000000e+00 : f32
          %jit3A_860 = arith.constant 0.000000e+00 : f32
          %broadcast_in_dim3A_861 = vector.broadcast %jit3A_859 : f32 to vector<16xf32>
          %broadcast_in_dim3A_862 = vector.broadcast %jit3A_860 : f32 to vector<16xf32>
          %select_n3A_863 = arith.select %eq3A_858, %broadcast_in_dim3A_861, %broadcast_in_dim3A_862 : vector<16xi1>, vector<16xf32>
          %add3A_864 = arith.addf %add3A_851, %select_n3A_863 : vector<16xf32>
          %jit3A_865 = arith.constant 0.000000e+00 : f32
          %broadcast_in_dim3A_866 = vector.broadcast %jit3A_865 : f32 to vector<16xf32>
          %select_n3A_867 = arith.select %eq3A_858, %div3A_312, %broadcast_in_dim3A_866 : vector<16xi1>, vector<16xf32>
          %add3A_868 = arith.addf %add3A_855, %select_n3A_867 : vector<16xf32>
          %convert_element_type3A_869 = arith.fptosi %add3A_864 : vector<16xf32> to vector<16xi32>
          %add3A_870 = arith.addi %mul3A_105, %convert_element_type3A_869 : vector<16xi32>
          %broadcast_in_dim3A_871 = arith.constant 0.000000e+00 : f32
          %broadcast_in_dim3A_872 = vector.broadcast %broadcast_in_dim3A_871 : f32 to vector<16xf32>
          %broadcast_in_dim3A_873 = arith.constant 0.000000e+00 : f32
          %broadcast_in_dim3A_874 = vector.broadcast %broadcast_in_dim3A_873 : f32 to vector<16xf32>
          %eq3A_875 = arith.constant 1.000000e+00 : f32
          %eq3A_876 = vector.broadcast %eq3A_875 : f32 to vector<16xf32>
          %eq3A_877 = arith.cmpf oeq, %add3A_663, %eq3A_876 : vector<16xf32>
          %jit3A_878 = arith.constant 0.000000e+00 : f32
          %jit3A_879 = arith.constant 0.000000e+00 : f32
          %broadcast_in_dim3A_880 = vector.broadcast %jit3A_878 : f32 to vector<16xf32>
          %broadcast_in_dim3A_881 = vector.broadcast %jit3A_879 : f32 to vector<16xf32>
          %select_n3A_882 = arith.select %eq3A_877, %broadcast_in_dim3A_880, %broadcast_in_dim3A_881 : vector<16xi1>, vector<16xf32>
          %add3A_883 = arith.addf %broadcast_in_dim3A_872, %select_n3A_882 : vector<16xf32>
          %jit3A_884 = arith.constant 0.000000e+00 : f32
          %broadcast_in_dim3A_885 = vector.broadcast %jit3A_884 : f32 to vector<16xf32>
          %select_n3A_886 = arith.select %eq3A_877, %div3A_123, %broadcast_in_dim3A_885 : vector<16xi1>, vector<16xf32>
          %add3A_887 = arith.addf %broadcast_in_dim3A_874, %select_n3A_886 : vector<16xf32>
          %eq3A_888 = arith.constant 1.000000e+00 : f32
          %eq3A_889 = vector.broadcast %eq3A_888 : f32 to vector<16xf32>
          %eq3A_890 = arith.cmpf oeq, %add3A_672, %eq3A_889 : vector<16xf32>
          %jit3A_891 = arith.constant 1.000000e+00 : f32
          %jit3A_892 = arith.constant 0.000000e+00 : f32
          %broadcast_in_dim3A_893 = vector.broadcast %jit3A_891 : f32 to vector<16xf32>
          %broadcast_in_dim3A_894 = vector.broadcast %jit3A_892 : f32 to vector<16xf32>
          %select_n3A_895 = arith.select %eq3A_890, %broadcast_in_dim3A_893, %broadcast_in_dim3A_894 : vector<16xi1>, vector<16xf32>
          %add3A_896 = arith.addf %add3A_883, %select_n3A_895 : vector<16xf32>
          %jit3A_897 = arith.constant 0.000000e+00 : f32
          %broadcast_in_dim3A_898 = vector.broadcast %jit3A_897 : f32 to vector<16xf32>
          %select_n3A_899 = arith.select %eq3A_890, %div3A_144, %broadcast_in_dim3A_898 : vector<16xi1>, vector<16xf32>
          %add3A_900 = arith.addf %add3A_887, %select_n3A_899 : vector<16xf32>
          %eq3A_901 = arith.constant 1.000000e+00 : f32
          %eq3A_902 = vector.broadcast %eq3A_901 : f32 to vector<16xf32>
          %eq3A_903 = arith.cmpf oeq, %add3A_681, %eq3A_902 : vector<16xf32>
          %jit3A_904 = arith.constant 2.000000e+00 : f32
          %jit3A_905 = arith.constant 0.000000e+00 : f32
          %broadcast_in_dim3A_906 = vector.broadcast %jit3A_904 : f32 to vector<16xf32>
          %broadcast_in_dim3A_907 = vector.broadcast %jit3A_905 : f32 to vector<16xf32>
          %select_n3A_908 = arith.select %eq3A_903, %broadcast_in_dim3A_906, %broadcast_in_dim3A_907 : vector<16xi1>, vector<16xf32>
          %add3A_909 = arith.addf %add3A_896, %select_n3A_908 : vector<16xf32>
          %jit3A_910 = arith.constant 0.000000e+00 : f32
          %broadcast_in_dim3A_911 = vector.broadcast %jit3A_910 : f32 to vector<16xf32>
          %select_n3A_912 = arith.select %eq3A_903, %div3A_165, %broadcast_in_dim3A_911 : vector<16xi1>, vector<16xf32>
          %add3A_913 = arith.addf %add3A_900, %select_n3A_912 : vector<16xf32>
          %eq3A_914 = arith.constant 1.000000e+00 : f32
          %eq3A_915 = vector.broadcast %eq3A_914 : f32 to vector<16xf32>
          %eq3A_916 = arith.cmpf oeq, %add3A_690, %eq3A_915 : vector<16xf32>
          %jit3A_917 = arith.constant 3.000000e+00 : f32
          %jit3A_918 = arith.constant 0.000000e+00 : f32
          %broadcast_in_dim3A_919 = vector.broadcast %jit3A_917 : f32 to vector<16xf32>
          %broadcast_in_dim3A_920 = vector.broadcast %jit3A_918 : f32 to vector<16xf32>
          %select_n3A_921 = arith.select %eq3A_916, %broadcast_in_dim3A_919, %broadcast_in_dim3A_920 : vector<16xi1>, vector<16xf32>
          %add3A_922 = arith.addf %add3A_909, %select_n3A_921 : vector<16xf32>
          %jit3A_923 = arith.constant 0.000000e+00 : f32
          %broadcast_in_dim3A_924 = vector.broadcast %jit3A_923 : f32 to vector<16xf32>
          %select_n3A_925 = arith.select %eq3A_916, %div3A_186, %broadcast_in_dim3A_924 : vector<16xi1>, vector<16xf32>
          %add3A_926 = arith.addf %add3A_913, %select_n3A_925 : vector<16xf32>
          %eq3A_927 = arith.constant 1.000000e+00 : f32
          %eq3A_928 = vector.broadcast %eq3A_927 : f32 to vector<16xf32>
          %eq3A_929 = arith.cmpf oeq, %add3A_699, %eq3A_928 : vector<16xf32>
          %jit3A_930 = arith.constant 4.000000e+00 : f32
          %jit3A_931 = arith.constant 0.000000e+00 : f32
          %broadcast_in_dim3A_932 = vector.broadcast %jit3A_930 : f32 to vector<16xf32>
          %broadcast_in_dim3A_933 = vector.broadcast %jit3A_931 : f32 to vector<16xf32>
          %select_n3A_934 = arith.select %eq3A_929, %broadcast_in_dim3A_932, %broadcast_in_dim3A_933 : vector<16xi1>, vector<16xf32>
          %add3A_935 = arith.addf %add3A_922, %select_n3A_934 : vector<16xf32>
          %jit3A_936 = arith.constant 0.000000e+00 : f32
          %broadcast_in_dim3A_937 = vector.broadcast %jit3A_936 : f32 to vector<16xf32>
          %select_n3A_938 = arith.select %eq3A_929, %div3A_207, %broadcast_in_dim3A_937 : vector<16xi1>, vector<16xf32>
          %add3A_939 = arith.addf %add3A_926, %select_n3A_938 : vector<16xf32>
          %eq3A_940 = arith.constant 1.000000e+00 : f32
          %eq3A_941 = vector.broadcast %eq3A_940 : f32 to vector<16xf32>
          %eq3A_942 = arith.cmpf oeq, %add3A_708, %eq3A_941 : vector<16xf32>
          %jit3A_943 = arith.constant 5.000000e+00 : f32
          %jit3A_944 = arith.constant 0.000000e+00 : f32
          %broadcast_in_dim3A_945 = vector.broadcast %jit3A_943 : f32 to vector<16xf32>
          %broadcast_in_dim3A_946 = vector.broadcast %jit3A_944 : f32 to vector<16xf32>
          %select_n3A_947 = arith.select %eq3A_942, %broadcast_in_dim3A_945, %broadcast_in_dim3A_946 : vector<16xi1>, vector<16xf32>
          %add3A_948 = arith.addf %add3A_935, %select_n3A_947 : vector<16xf32>
          %jit3A_949 = arith.constant 0.000000e+00 : f32
          %broadcast_in_dim3A_950 = vector.broadcast %jit3A_949 : f32 to vector<16xf32>
          %select_n3A_951 = arith.select %eq3A_942, %div3A_228, %broadcast_in_dim3A_950 : vector<16xi1>, vector<16xf32>
          %add3A_952 = arith.addf %add3A_939, %select_n3A_951 : vector<16xf32>
          %eq3A_953 = arith.constant 1.000000e+00 : f32
          %eq3A_954 = vector.broadcast %eq3A_953 : f32 to vector<16xf32>
          %eq3A_955 = arith.cmpf oeq, %add3A_717, %eq3A_954 : vector<16xf32>
          %jit3A_956 = arith.constant 6.000000e+00 : f32
          %jit3A_957 = arith.constant 0.000000e+00 : f32
          %broadcast_in_dim3A_958 = vector.broadcast %jit3A_956 : f32 to vector<16xf32>
          %broadcast_in_dim3A_959 = vector.broadcast %jit3A_957 : f32 to vector<16xf32>
          %select_n3A_960 = arith.select %eq3A_955, %broadcast_in_dim3A_958, %broadcast_in_dim3A_959 : vector<16xi1>, vector<16xf32>
          %add3A_961 = arith.addf %add3A_948, %select_n3A_960 : vector<16xf32>
          %jit3A_962 = arith.constant 0.000000e+00 : f32
          %broadcast_in_dim3A_963 = vector.broadcast %jit3A_962 : f32 to vector<16xf32>
          %select_n3A_964 = arith.select %eq3A_955, %div3A_249, %broadcast_in_dim3A_963 : vector<16xi1>, vector<16xf32>
          %add3A_965 = arith.addf %add3A_952, %select_n3A_964 : vector<16xf32>
          %eq3A_966 = arith.constant 1.000000e+00 : f32
          %eq3A_967 = vector.broadcast %eq3A_966 : f32 to vector<16xf32>
          %eq3A_968 = arith.cmpf oeq, %add3A_726, %eq3A_967 : vector<16xf32>
          %jit3A_969 = arith.constant 7.000000e+00 : f32
          %jit3A_970 = arith.constant 0.000000e+00 : f32
          %broadcast_in_dim3A_971 = vector.broadcast %jit3A_969 : f32 to vector<16xf32>
          %broadcast_in_dim3A_972 = vector.broadcast %jit3A_970 : f32 to vector<16xf32>
          %select_n3A_973 = arith.select %eq3A_968, %broadcast_in_dim3A_971, %broadcast_in_dim3A_972 : vector<16xi1>, vector<16xf32>
          %add3A_974 = arith.addf %add3A_961, %select_n3A_973 : vector<16xf32>
          %jit3A_975 = arith.constant 0.000000e+00 : f32
          %broadcast_in_dim3A_976 = vector.broadcast %jit3A_975 : f32 to vector<16xf32>
          %select_n3A_977 = arith.select %eq3A_968, %div3A_270, %broadcast_in_dim3A_976 : vector<16xi1>, vector<16xf32>
          %add3A_978 = arith.addf %add3A_965, %select_n3A_977 : vector<16xf32>
          %eq3A_979 = arith.constant 1.000000e+00 : f32
          %eq3A_980 = vector.broadcast %eq3A_979 : f32 to vector<16xf32>
          %eq3A_981 = arith.cmpf oeq, %add3A_735, %eq3A_980 : vector<16xf32>
          %jit3A_982 = arith.constant 8.000000e+00 : f32
          %jit3A_983 = arith.constant 0.000000e+00 : f32
          %broadcast_in_dim3A_984 = vector.broadcast %jit3A_982 : f32 to vector<16xf32>
          %broadcast_in_dim3A_985 = vector.broadcast %jit3A_983 : f32 to vector<16xf32>
          %select_n3A_986 = arith.select %eq3A_981, %broadcast_in_dim3A_984, %broadcast_in_dim3A_985 : vector<16xi1>, vector<16xf32>
          %add3A_987 = arith.addf %add3A_974, %select_n3A_986 : vector<16xf32>
          %jit3A_988 = arith.constant 0.000000e+00 : f32
          %broadcast_in_dim3A_989 = vector.broadcast %jit3A_988 : f32 to vector<16xf32>
          %select_n3A_990 = arith.select %eq3A_981, %div3A_291, %broadcast_in_dim3A_989 : vector<16xi1>, vector<16xf32>
          %add3A_991 = arith.addf %add3A_978, %select_n3A_990 : vector<16xf32>
          %eq3A_992 = arith.constant 1.000000e+00 : f32
          %eq3A_993 = vector.broadcast %eq3A_992 : f32 to vector<16xf32>
          %eq3A_994 = arith.cmpf oeq, %add3A_733, %eq3A_993 : vector<16xf32>
          %jit3A_995 = arith.constant 9.000000e+00 : f32
          %jit3A_996 = arith.constant 0.000000e+00 : f32
          %broadcast_in_dim3A_997 = vector.broadcast %jit3A_995 : f32 to vector<16xf32>
          %broadcast_in_dim3A_998 = vector.broadcast %jit3A_996 : f32 to vector<16xf32>
          %select_n3A_999 = arith.select %eq3A_994, %broadcast_in_dim3A_997, %broadcast_in_dim3A_998 : vector<16xi1>, vector<16xf32>
          %add3A_1000 = arith.addf %add3A_987, %select_n3A_999 : vector<16xf32>
          %jit3A_1001 = arith.constant 0.000000e+00 : f32
          %broadcast_in_dim3A_1002 = vector.broadcast %jit3A_1001 : f32 to vector<16xf32>
          %select_n3A_1003 = arith.select %eq3A_994, %div3A_312, %broadcast_in_dim3A_1002 : vector<16xi1>, vector<16xf32>
          %add3A_1004 = arith.addf %add3A_991, %select_n3A_1003 : vector<16xf32>
          %convert_element_type3A_1005 = arith.fptosi %add3A_1000 : vector<16xf32> to vector<16xi32>
          %add3A_1006 = arith.addi %mul3A_105, %convert_element_type3A_1005 : vector<16xi32>
          %broadcast_in_dim3A_1007 = arith.constant 0.000000e+00 : f32
          %broadcast_in_dim3A_1008 = vector.broadcast %broadcast_in_dim3A_1007 : f32 to vector<16xf32>
          %broadcast_in_dim3A_1009 = arith.constant 0.000000e+00 : f32
          %broadcast_in_dim3A_1010 = vector.broadcast %broadcast_in_dim3A_1009 : f32 to vector<16xf32>
          %eq3A_1011 = arith.constant 2.000000e+00 : f32
          %eq3A_1012 = vector.broadcast %eq3A_1011 : f32 to vector<16xf32>
          %eq3A_1013 = arith.cmpf oeq, %add3A_663, %eq3A_1012 : vector<16xf32>
          %jit3A_1014 = arith.constant 0.000000e+00 : f32
          %jit3A_1015 = arith.constant 0.000000e+00 : f32
          %broadcast_in_dim3A_1016 = vector.broadcast %jit3A_1014 : f32 to vector<16xf32>
          %broadcast_in_dim3A_1017 = vector.broadcast %jit3A_1015 : f32 to vector<16xf32>
          %select_n3A_1018 = arith.select %eq3A_1013, %broadcast_in_dim3A_1016, %broadcast_in_dim3A_1017 : vector<16xi1>, vector<16xf32>
          %add3A_1019 = arith.addf %broadcast_in_dim3A_1008, %select_n3A_1018 : vector<16xf32>
          %jit3A_1020 = arith.constant 0.000000e+00 : f32
          %broadcast_in_dim3A_1021 = vector.broadcast %jit3A_1020 : f32 to vector<16xf32>
          %select_n3A_1022 = arith.select %eq3A_1013, %div3A_123, %broadcast_in_dim3A_1021 : vector<16xi1>, vector<16xf32>
          %add3A_1023 = arith.addf %broadcast_in_dim3A_1010, %select_n3A_1022 : vector<16xf32>
          %eq3A_1024 = arith.constant 2.000000e+00 : f32
          %eq3A_1025 = vector.broadcast %eq3A_1024 : f32 to vector<16xf32>
          %eq3A_1026 = arith.cmpf oeq, %add3A_672, %eq3A_1025 : vector<16xf32>
          %jit3A_1027 = arith.constant 1.000000e+00 : f32
          %jit3A_1028 = arith.constant 0.000000e+00 : f32
          %broadcast_in_dim3A_1029 = vector.broadcast %jit3A_1027 : f32 to vector<16xf32>
          %broadcast_in_dim3A_1030 = vector.broadcast %jit3A_1028 : f32 to vector<16xf32>
          %select_n3A_1031 = arith.select %eq3A_1026, %broadcast_in_dim3A_1029, %broadcast_in_dim3A_1030 : vector<16xi1>, vector<16xf32>
          %add3A_1032 = arith.addf %add3A_1019, %select_n3A_1031 : vector<16xf32>
          %jit3A_1033 = arith.constant 0.000000e+00 : f32
          %broadcast_in_dim3A_1034 = vector.broadcast %jit3A_1033 : f32 to vector<16xf32>
          %select_n3A_1035 = arith.select %eq3A_1026, %div3A_144, %broadcast_in_dim3A_1034 : vector<16xi1>, vector<16xf32>
          %add3A_1036 = arith.addf %add3A_1023, %select_n3A_1035 : vector<16xf32>
          %eq3A_1037 = arith.constant 2.000000e+00 : f32
          %eq3A_1038 = vector.broadcast %eq3A_1037 : f32 to vector<16xf32>
          %eq3A_1039 = arith.cmpf oeq, %add3A_681, %eq3A_1038 : vector<16xf32>
          %jit3A_1040 = arith.constant 2.000000e+00 : f32
          %jit3A_1041 = arith.constant 0.000000e+00 : f32
          %broadcast_in_dim3A_1042 = vector.broadcast %jit3A_1040 : f32 to vector<16xf32>
          %broadcast_in_dim3A_1043 = vector.broadcast %jit3A_1041 : f32 to vector<16xf32>
          %select_n3A_1044 = arith.select %eq3A_1039, %broadcast_in_dim3A_1042, %broadcast_in_dim3A_1043 : vector<16xi1>, vector<16xf32>
          %add3A_1045 = arith.addf %add3A_1032, %select_n3A_1044 : vector<16xf32>
          %jit3A_1046 = arith.constant 0.000000e+00 : f32
          %broadcast_in_dim3A_1047 = vector.broadcast %jit3A_1046 : f32 to vector<16xf32>
          %select_n3A_1048 = arith.select %eq3A_1039, %div3A_165, %broadcast_in_dim3A_1047 : vector<16xi1>, vector<16xf32>
          %add3A_1049 = arith.addf %add3A_1036, %select_n3A_1048 : vector<16xf32>
          %eq3A_1050 = arith.constant 2.000000e+00 : f32
          %eq3A_1051 = vector.broadcast %eq3A_1050 : f32 to vector<16xf32>
          %eq3A_1052 = arith.cmpf oeq, %add3A_690, %eq3A_1051 : vector<16xf32>
          %jit3A_1053 = arith.constant 3.000000e+00 : f32
          %jit3A_1054 = arith.constant 0.000000e+00 : f32
          %broadcast_in_dim3A_1055 = vector.broadcast %jit3A_1053 : f32 to vector<16xf32>
          %broadcast_in_dim3A_1056 = vector.broadcast %jit3A_1054 : f32 to vector<16xf32>
          %select_n3A_1057 = arith.select %eq3A_1052, %broadcast_in_dim3A_1055, %broadcast_in_dim3A_1056 : vector<16xi1>, vector<16xf32>
          %add3A_1058 = arith.addf %add3A_1045, %select_n3A_1057 : vector<16xf32>
          %jit3A_1059 = arith.constant 0.000000e+00 : f32
          %broadcast_in_dim3A_1060 = vector.broadcast %jit3A_1059 : f32 to vector<16xf32>
          %select_n3A_1061 = arith.select %eq3A_1052, %div3A_186, %broadcast_in_dim3A_1060 : vector<16xi1>, vector<16xf32>
          %add3A_1062 = arith.addf %add3A_1049, %select_n3A_1061 : vector<16xf32>
          %eq3A_1063 = arith.constant 2.000000e+00 : f32
          %eq3A_1064 = vector.broadcast %eq3A_1063 : f32 to vector<16xf32>
          %eq3A_1065 = arith.cmpf oeq, %add3A_699, %eq3A_1064 : vector<16xf32>
          %jit3A_1066 = arith.constant 4.000000e+00 : f32
          %jit3A_1067 = arith.constant 0.000000e+00 : f32
          %broadcast_in_dim3A_1068 = vector.broadcast %jit3A_1066 : f32 to vector<16xf32>
          %broadcast_in_dim3A_1069 = vector.broadcast %jit3A_1067 : f32 to vector<16xf32>
          %select_n3A_1070 = arith.select %eq3A_1065, %broadcast_in_dim3A_1068, %broadcast_in_dim3A_1069 : vector<16xi1>, vector<16xf32>
          %add3A_1071 = arith.addf %add3A_1058, %select_n3A_1070 : vector<16xf32>
          %jit3A_1072 = arith.constant 0.000000e+00 : f32
          %broadcast_in_dim3A_1073 = vector.broadcast %jit3A_1072 : f32 to vector<16xf32>
          %select_n3A_1074 = arith.select %eq3A_1065, %div3A_207, %broadcast_in_dim3A_1073 : vector<16xi1>, vector<16xf32>
          %add3A_1075 = arith.addf %add3A_1062, %select_n3A_1074 : vector<16xf32>
          %eq3A_1076 = arith.constant 2.000000e+00 : f32
          %eq3A_1077 = vector.broadcast %eq3A_1076 : f32 to vector<16xf32>
          %eq3A_1078 = arith.cmpf oeq, %add3A_708, %eq3A_1077 : vector<16xf32>
          %jit3A_1079 = arith.constant 5.000000e+00 : f32
          %jit3A_1080 = arith.constant 0.000000e+00 : f32
          %broadcast_in_dim3A_1081 = vector.broadcast %jit3A_1079 : f32 to vector<16xf32>
          %broadcast_in_dim3A_1082 = vector.broadcast %jit3A_1080 : f32 to vector<16xf32>
          %select_n3A_1083 = arith.select %eq3A_1078, %broadcast_in_dim3A_1081, %broadcast_in_dim3A_1082 : vector<16xi1>, vector<16xf32>
          %add3A_1084 = arith.addf %add3A_1071, %select_n3A_1083 : vector<16xf32>
          %jit3A_1085 = arith.constant 0.000000e+00 : f32
          %broadcast_in_dim3A_1086 = vector.broadcast %jit3A_1085 : f32 to vector<16xf32>
          %select_n3A_1087 = arith.select %eq3A_1078, %div3A_228, %broadcast_in_dim3A_1086 : vector<16xi1>, vector<16xf32>
          %add3A_1088 = arith.addf %add3A_1075, %select_n3A_1087 : vector<16xf32>
          %eq3A_1089 = arith.constant 2.000000e+00 : f32
          %eq3A_1090 = vector.broadcast %eq3A_1089 : f32 to vector<16xf32>
          %eq3A_1091 = arith.cmpf oeq, %add3A_717, %eq3A_1090 : vector<16xf32>
          %jit3A_1092 = arith.constant 6.000000e+00 : f32
          %jit3A_1093 = arith.constant 0.000000e+00 : f32
          %broadcast_in_dim3A_1094 = vector.broadcast %jit3A_1092 : f32 to vector<16xf32>
          %broadcast_in_dim3A_1095 = vector.broadcast %jit3A_1093 : f32 to vector<16xf32>
          %select_n3A_1096 = arith.select %eq3A_1091, %broadcast_in_dim3A_1094, %broadcast_in_dim3A_1095 : vector<16xi1>, vector<16xf32>
          %add3A_1097 = arith.addf %add3A_1084, %select_n3A_1096 : vector<16xf32>
          %jit3A_1098 = arith.constant 0.000000e+00 : f32
          %broadcast_in_dim3A_1099 = vector.broadcast %jit3A_1098 : f32 to vector<16xf32>
          %select_n3A_1100 = arith.select %eq3A_1091, %div3A_249, %broadcast_in_dim3A_1099 : vector<16xi1>, vector<16xf32>
          %add3A_1101 = arith.addf %add3A_1088, %select_n3A_1100 : vector<16xf32>
          %eq3A_1102 = arith.constant 2.000000e+00 : f32
          %eq3A_1103 = vector.broadcast %eq3A_1102 : f32 to vector<16xf32>
          %eq3A_1104 = arith.cmpf oeq, %add3A_726, %eq3A_1103 : vector<16xf32>
          %jit3A_1105 = arith.constant 7.000000e+00 : f32
          %jit3A_1106 = arith.constant 0.000000e+00 : f32
          %broadcast_in_dim3A_1107 = vector.broadcast %jit3A_1105 : f32 to vector<16xf32>
          %broadcast_in_dim3A_1108 = vector.broadcast %jit3A_1106 : f32 to vector<16xf32>
          %select_n3A_1109 = arith.select %eq3A_1104, %broadcast_in_dim3A_1107, %broadcast_in_dim3A_1108 : vector<16xi1>, vector<16xf32>
          %add3A_1110 = arith.addf %add3A_1097, %select_n3A_1109 : vector<16xf32>
          %jit3A_1111 = arith.constant 0.000000e+00 : f32
          %broadcast_in_dim3A_1112 = vector.broadcast %jit3A_1111 : f32 to vector<16xf32>
          %select_n3A_1113 = arith.select %eq3A_1104, %div3A_270, %broadcast_in_dim3A_1112 : vector<16xi1>, vector<16xf32>
          %add3A_1114 = arith.addf %add3A_1101, %select_n3A_1113 : vector<16xf32>
          %eq3A_1115 = arith.constant 2.000000e+00 : f32
          %eq3A_1116 = vector.broadcast %eq3A_1115 : f32 to vector<16xf32>
          %eq3A_1117 = arith.cmpf oeq, %add3A_735, %eq3A_1116 : vector<16xf32>
          %jit3A_1118 = arith.constant 8.000000e+00 : f32
          %jit3A_1119 = arith.constant 0.000000e+00 : f32
          %broadcast_in_dim3A_1120 = vector.broadcast %jit3A_1118 : f32 to vector<16xf32>
          %broadcast_in_dim3A_1121 = vector.broadcast %jit3A_1119 : f32 to vector<16xf32>
          %select_n3A_1122 = arith.select %eq3A_1117, %broadcast_in_dim3A_1120, %broadcast_in_dim3A_1121 : vector<16xi1>, vector<16xf32>
          %add3A_1123 = arith.addf %add3A_1110, %select_n3A_1122 : vector<16xf32>
          %jit3A_1124 = arith.constant 0.000000e+00 : f32
          %broadcast_in_dim3A_1125 = vector.broadcast %jit3A_1124 : f32 to vector<16xf32>
          %select_n3A_1126 = arith.select %eq3A_1117, %div3A_291, %broadcast_in_dim3A_1125 : vector<16xi1>, vector<16xf32>
          %add3A_1127 = arith.addf %add3A_1114, %select_n3A_1126 : vector<16xf32>
          %eq3A_1128 = arith.constant 2.000000e+00 : f32
          %eq3A_1129 = vector.broadcast %eq3A_1128 : f32 to vector<16xf32>
          %eq3A_1130 = arith.cmpf oeq, %add3A_733, %eq3A_1129 : vector<16xf32>
          %jit3A_1131 = arith.constant 9.000000e+00 : f32
          %jit3A_1132 = arith.constant 0.000000e+00 : f32
          %broadcast_in_dim3A_1133 = vector.broadcast %jit3A_1131 : f32 to vector<16xf32>
          %broadcast_in_dim3A_1134 = vector.broadcast %jit3A_1132 : f32 to vector<16xf32>
          %select_n3A_1135 = arith.select %eq3A_1130, %broadcast_in_dim3A_1133, %broadcast_in_dim3A_1134 : vector<16xi1>, vector<16xf32>
          %add3A_1136 = arith.addf %add3A_1123, %select_n3A_1135 : vector<16xf32>
          %jit3A_1137 = arith.constant 0.000000e+00 : f32
          %broadcast_in_dim3A_1138 = vector.broadcast %jit3A_1137 : f32 to vector<16xf32>
          %select_n3A_1139 = arith.select %eq3A_1130, %div3A_312, %broadcast_in_dim3A_1138 : vector<16xi1>, vector<16xf32>
          %add3A_1140 = arith.addf %add3A_1127, %select_n3A_1139 : vector<16xf32>
          %convert_element_type3A_1141 = arith.fptosi %add3A_1136 : vector<16xf32> to vector<16xi32>
          %add3A_1142 = arith.addi %mul3A_105, %convert_element_type3A_1141 : vector<16xi32>
          %broadcast_in_dim3A_1143 = arith.constant 0.000000e+00 : f32
          %broadcast_in_dim3A_1144 = vector.broadcast %broadcast_in_dim3A_1143 : f32 to vector<16xf32>
          %broadcast_in_dim3A_1145 = arith.constant 0.000000e+00 : f32
          %broadcast_in_dim3A_1146 = vector.broadcast %broadcast_in_dim3A_1145 : f32 to vector<16xf32>
          %eq3A_1147 = arith.constant 3.000000e+00 : f32
          %eq3A_1148 = vector.broadcast %eq3A_1147 : f32 to vector<16xf32>
          %eq3A_1149 = arith.cmpf oeq, %add3A_663, %eq3A_1148 : vector<16xf32>
          %jit3A_1150 = arith.constant 0.000000e+00 : f32
          %jit3A_1151 = arith.constant 0.000000e+00 : f32
          %broadcast_in_dim3A_1152 = vector.broadcast %jit3A_1150 : f32 to vector<16xf32>
          %broadcast_in_dim3A_1153 = vector.broadcast %jit3A_1151 : f32 to vector<16xf32>
          %select_n3A_1154 = arith.select %eq3A_1149, %broadcast_in_dim3A_1152, %broadcast_in_dim3A_1153 : vector<16xi1>, vector<16xf32>
          %add3A_1155 = arith.addf %broadcast_in_dim3A_1144, %select_n3A_1154 : vector<16xf32>
          %jit3A_1156 = arith.constant 0.000000e+00 : f32
          %broadcast_in_dim3A_1157 = vector.broadcast %jit3A_1156 : f32 to vector<16xf32>
          %select_n3A_1158 = arith.select %eq3A_1149, %div3A_123, %broadcast_in_dim3A_1157 : vector<16xi1>, vector<16xf32>
          %add3A_1159 = arith.addf %broadcast_in_dim3A_1146, %select_n3A_1158 : vector<16xf32>
          %eq3A_1160 = arith.constant 3.000000e+00 : f32
          %eq3A_1161 = vector.broadcast %eq3A_1160 : f32 to vector<16xf32>
          %eq3A_1162 = arith.cmpf oeq, %add3A_672, %eq3A_1161 : vector<16xf32>
          %jit3A_1163 = arith.constant 1.000000e+00 : f32
          %jit3A_1164 = arith.constant 0.000000e+00 : f32
          %broadcast_in_dim3A_1165 = vector.broadcast %jit3A_1163 : f32 to vector<16xf32>
          %broadcast_in_dim3A_1166 = vector.broadcast %jit3A_1164 : f32 to vector<16xf32>
          %select_n3A_1167 = arith.select %eq3A_1162, %broadcast_in_dim3A_1165, %broadcast_in_dim3A_1166 : vector<16xi1>, vector<16xf32>
          %add3A_1168 = arith.addf %add3A_1155, %select_n3A_1167 : vector<16xf32>
          %jit3A_1169 = arith.constant 0.000000e+00 : f32
          %broadcast_in_dim3A_1170 = vector.broadcast %jit3A_1169 : f32 to vector<16xf32>
          %select_n3A_1171 = arith.select %eq3A_1162, %div3A_144, %broadcast_in_dim3A_1170 : vector<16xi1>, vector<16xf32>
          %add3A_1172 = arith.addf %add3A_1159, %select_n3A_1171 : vector<16xf32>
          %eq3A_1173 = arith.constant 3.000000e+00 : f32
          %eq3A_1174 = vector.broadcast %eq3A_1173 : f32 to vector<16xf32>
          %eq3A_1175 = arith.cmpf oeq, %add3A_681, %eq3A_1174 : vector<16xf32>
          %jit3A_1176 = arith.constant 2.000000e+00 : f32
          %jit3A_1177 = arith.constant 0.000000e+00 : f32
          %broadcast_in_dim3A_1178 = vector.broadcast %jit3A_1176 : f32 to vector<16xf32>
          %broadcast_in_dim3A_1179 = vector.broadcast %jit3A_1177 : f32 to vector<16xf32>
          %select_n3A_1180 = arith.select %eq3A_1175, %broadcast_in_dim3A_1178, %broadcast_in_dim3A_1179 : vector<16xi1>, vector<16xf32>
          %add3A_1181 = arith.addf %add3A_1168, %select_n3A_1180 : vector<16xf32>
          %jit3A_1182 = arith.constant 0.000000e+00 : f32
          %broadcast_in_dim3A_1183 = vector.broadcast %jit3A_1182 : f32 to vector<16xf32>
          %select_n3A_1184 = arith.select %eq3A_1175, %div3A_165, %broadcast_in_dim3A_1183 : vector<16xi1>, vector<16xf32>
          %add3A_1185 = arith.addf %add3A_1172, %select_n3A_1184 : vector<16xf32>
          %eq3A_1186 = arith.constant 3.000000e+00 : f32
          %eq3A_1187 = vector.broadcast %eq3A_1186 : f32 to vector<16xf32>
          %eq3A_1188 = arith.cmpf oeq, %add3A_690, %eq3A_1187 : vector<16xf32>
          %jit3A_1189 = arith.constant 3.000000e+00 : f32
          %jit3A_1190 = arith.constant 0.000000e+00 : f32
          %broadcast_in_dim3A_1191 = vector.broadcast %jit3A_1189 : f32 to vector<16xf32>
          %broadcast_in_dim3A_1192 = vector.broadcast %jit3A_1190 : f32 to vector<16xf32>
          %select_n3A_1193 = arith.select %eq3A_1188, %broadcast_in_dim3A_1191, %broadcast_in_dim3A_1192 : vector<16xi1>, vector<16xf32>
          %add3A_1194 = arith.addf %add3A_1181, %select_n3A_1193 : vector<16xf32>
          %jit3A_1195 = arith.constant 0.000000e+00 : f32
          %broadcast_in_dim3A_1196 = vector.broadcast %jit3A_1195 : f32 to vector<16xf32>
          %select_n3A_1197 = arith.select %eq3A_1188, %div3A_186, %broadcast_in_dim3A_1196 : vector<16xi1>, vector<16xf32>
          %add3A_1198 = arith.addf %add3A_1185, %select_n3A_1197 : vector<16xf32>
          %eq3A_1199 = arith.constant 3.000000e+00 : f32
          %eq3A_1200 = vector.broadcast %eq3A_1199 : f32 to vector<16xf32>
          %eq3A_1201 = arith.cmpf oeq, %add3A_699, %eq3A_1200 : vector<16xf32>
          %jit3A_1202 = arith.constant 4.000000e+00 : f32
          %jit3A_1203 = arith.constant 0.000000e+00 : f32
          %broadcast_in_dim3A_1204 = vector.broadcast %jit3A_1202 : f32 to vector<16xf32>
          %broadcast_in_dim3A_1205 = vector.broadcast %jit3A_1203 : f32 to vector<16xf32>
          %select_n3A_1206 = arith.select %eq3A_1201, %broadcast_in_dim3A_1204, %broadcast_in_dim3A_1205 : vector<16xi1>, vector<16xf32>
          %add3A_1207 = arith.addf %add3A_1194, %select_n3A_1206 : vector<16xf32>
          %jit3A_1208 = arith.constant 0.000000e+00 : f32
          %broadcast_in_dim3A_1209 = vector.broadcast %jit3A_1208 : f32 to vector<16xf32>
          %select_n3A_1210 = arith.select %eq3A_1201, %div3A_207, %broadcast_in_dim3A_1209 : vector<16xi1>, vector<16xf32>
          %add3A_1211 = arith.addf %add3A_1198, %select_n3A_1210 : vector<16xf32>
          %eq3A_1212 = arith.constant 3.000000e+00 : f32
          %eq3A_1213 = vector.broadcast %eq3A_1212 : f32 to vector<16xf32>
          %eq3A_1214 = arith.cmpf oeq, %add3A_708, %eq3A_1213 : vector<16xf32>
          %jit3A_1215 = arith.constant 5.000000e+00 : f32
          %jit3A_1216 = arith.constant 0.000000e+00 : f32
          %broadcast_in_dim3A_1217 = vector.broadcast %jit3A_1215 : f32 to vector<16xf32>
          %broadcast_in_dim3A_1218 = vector.broadcast %jit3A_1216 : f32 to vector<16xf32>
          %select_n3A_1219 = arith.select %eq3A_1214, %broadcast_in_dim3A_1217, %broadcast_in_dim3A_1218 : vector<16xi1>, vector<16xf32>
          %add3A_1220 = arith.addf %add3A_1207, %select_n3A_1219 : vector<16xf32>
          %jit3A_1221 = arith.constant 0.000000e+00 : f32
          %broadcast_in_dim3A_1222 = vector.broadcast %jit3A_1221 : f32 to vector<16xf32>
          %select_n3A_1223 = arith.select %eq3A_1214, %div3A_228, %broadcast_in_dim3A_1222 : vector<16xi1>, vector<16xf32>
          %add3A_1224 = arith.addf %add3A_1211, %select_n3A_1223 : vector<16xf32>
          %eq3A_1225 = arith.constant 3.000000e+00 : f32
          %eq3A_1226 = vector.broadcast %eq3A_1225 : f32 to vector<16xf32>
          %eq3A_1227 = arith.cmpf oeq, %add3A_717, %eq3A_1226 : vector<16xf32>
          %jit3A_1228 = arith.constant 6.000000e+00 : f32
          %jit3A_1229 = arith.constant 0.000000e+00 : f32
          %broadcast_in_dim3A_1230 = vector.broadcast %jit3A_1228 : f32 to vector<16xf32>
          %broadcast_in_dim3A_1231 = vector.broadcast %jit3A_1229 : f32 to vector<16xf32>
          %select_n3A_1232 = arith.select %eq3A_1227, %broadcast_in_dim3A_1230, %broadcast_in_dim3A_1231 : vector<16xi1>, vector<16xf32>
          %add3A_1233 = arith.addf %add3A_1220, %select_n3A_1232 : vector<16xf32>
          %jit3A_1234 = arith.constant 0.000000e+00 : f32
          %broadcast_in_dim3A_1235 = vector.broadcast %jit3A_1234 : f32 to vector<16xf32>
          %select_n3A_1236 = arith.select %eq3A_1227, %div3A_249, %broadcast_in_dim3A_1235 : vector<16xi1>, vector<16xf32>
          %add3A_1237 = arith.addf %add3A_1224, %select_n3A_1236 : vector<16xf32>
          %eq3A_1238 = arith.constant 3.000000e+00 : f32
          %eq3A_1239 = vector.broadcast %eq3A_1238 : f32 to vector<16xf32>
          %eq3A_1240 = arith.cmpf oeq, %add3A_726, %eq3A_1239 : vector<16xf32>
          %jit3A_1241 = arith.constant 7.000000e+00 : f32
          %jit3A_1242 = arith.constant 0.000000e+00 : f32
          %broadcast_in_dim3A_1243 = vector.broadcast %jit3A_1241 : f32 to vector<16xf32>
          %broadcast_in_dim3A_1244 = vector.broadcast %jit3A_1242 : f32 to vector<16xf32>
          %select_n3A_1245 = arith.select %eq3A_1240, %broadcast_in_dim3A_1243, %broadcast_in_dim3A_1244 : vector<16xi1>, vector<16xf32>
          %add3A_1246 = arith.addf %add3A_1233, %select_n3A_1245 : vector<16xf32>
          %jit3A_1247 = arith.constant 0.000000e+00 : f32
          %broadcast_in_dim3A_1248 = vector.broadcast %jit3A_1247 : f32 to vector<16xf32>
          %select_n3A_1249 = arith.select %eq3A_1240, %div3A_270, %broadcast_in_dim3A_1248 : vector<16xi1>, vector<16xf32>
          %add3A_1250 = arith.addf %add3A_1237, %select_n3A_1249 : vector<16xf32>
          %eq3A_1251 = arith.constant 3.000000e+00 : f32
          %eq3A_1252 = vector.broadcast %eq3A_1251 : f32 to vector<16xf32>
          %eq3A_1253 = arith.cmpf oeq, %add3A_735, %eq3A_1252 : vector<16xf32>
          %jit3A_1254 = arith.constant 8.000000e+00 : f32
          %jit3A_1255 = arith.constant 0.000000e+00 : f32
          %broadcast_in_dim3A_1256 = vector.broadcast %jit3A_1254 : f32 to vector<16xf32>
          %broadcast_in_dim3A_1257 = vector.broadcast %jit3A_1255 : f32 to vector<16xf32>
          %select_n3A_1258 = arith.select %eq3A_1253, %broadcast_in_dim3A_1256, %broadcast_in_dim3A_1257 : vector<16xi1>, vector<16xf32>
          %add3A_1259 = arith.addf %add3A_1246, %select_n3A_1258 : vector<16xf32>
          %jit3A_1260 = arith.constant 0.000000e+00 : f32
          %broadcast_in_dim3A_1261 = vector.broadcast %jit3A_1260 : f32 to vector<16xf32>
          %select_n3A_1262 = arith.select %eq3A_1253, %div3A_291, %broadcast_in_dim3A_1261 : vector<16xi1>, vector<16xf32>
          %add3A_1263 = arith.addf %add3A_1250, %select_n3A_1262 : vector<16xf32>
          %eq3A_1264 = arith.constant 3.000000e+00 : f32
          %eq3A_1265 = vector.broadcast %eq3A_1264 : f32 to vector<16xf32>
          %eq3A_1266 = arith.cmpf oeq, %add3A_733, %eq3A_1265 : vector<16xf32>
          %jit3A_1267 = arith.constant 9.000000e+00 : f32
          %jit3A_1268 = arith.constant 0.000000e+00 : f32
          %broadcast_in_dim3A_1269 = vector.broadcast %jit3A_1267 : f32 to vector<16xf32>
          %broadcast_in_dim3A_1270 = vector.broadcast %jit3A_1268 : f32 to vector<16xf32>
          %select_n3A_1271 = arith.select %eq3A_1266, %broadcast_in_dim3A_1269, %broadcast_in_dim3A_1270 : vector<16xi1>, vector<16xf32>
          %add3A_1272 = arith.addf %add3A_1259, %select_n3A_1271 : vector<16xf32>
          %jit3A_1273 = arith.constant 0.000000e+00 : f32
          %broadcast_in_dim3A_1274 = vector.broadcast %jit3A_1273 : f32 to vector<16xf32>
          %select_n3A_1275 = arith.select %eq3A_1266, %div3A_312, %broadcast_in_dim3A_1274 : vector<16xi1>, vector<16xf32>
          %add3A_1276 = arith.addf %add3A_1263, %select_n3A_1275 : vector<16xf32>
          %convert_element_type3A_1277 = arith.fptosi %add3A_1272 : vector<16xf32> to vector<16xi32>
          %add3A_1278 = arith.addi %mul3A_105, %convert_element_type3A_1277 : vector<16xi32>
          %scan3A_1279 = arith.constant 0 : i32
          %scan3A_1280 = arith.constant 0 : i32
          %scan3A_1281 = arith.constant 16 : i32
          %scan3A_1282 = arith.addi %scan3A_1280, %scan3A_1281 : i32
          %scan3A_1283 = arith.constant 1 : i32
          scf.for %scan3A_1285 = %scan3A_1280 to %scan3A_1282 step %scan3A_1283  : i32 {
            %broadcast_in_dim3A_1286 = arith.constant 0 : i32
            %broadcast_in_dim3A_1287 = vector.broadcast %broadcast_in_dim3A_1286 : i32 to vector<16xi32>
            %add3A_1288 = vector.broadcast %scan3A_1285 : i32 to vector<16xi32>
            %add3A_1289 = arith.addi %broadcast_in_dim3A_1287, %add3A_1288 : vector<16xi32>
            %broadcast_in_dim3A_1290 = arith.constant 0 : i32
            %broadcast_in_dim3A_1291 = vector.broadcast %broadcast_in_dim3A_1290 : i32 to vector<16xi32>
            %add3A_1292 = vector.broadcast %and3A_49 : i32 to vector<16xi32>
            %add3A_1293 = arith.addi %broadcast_in_dim3A_1291, %add3A_1292 : vector<16xi32>
            %gather3A_1294 = tpu.vector_load_idx %arg6[%add3A_1293, %add3A_1289, %add3A_870] : memref<2x16x1280xf32, #tpu.memory_space<vmem>>[vector<16xi32>, vector<16xi32>, vector<16xi32>], vector<16xf32>,
            %gather3A_1295 = tpu.vector_load_idx %arg6[%add3A_1293, %add3A_1289, %add3A_1006] : memref<2x16x1280xf32, #tpu.memory_space<vmem>>[vector<16xi32>, vector<16xi32>, vector<16xi32>], vector<16xf32>,
            %gather3A_1296 = tpu.vector_load_idx %arg6[%add3A_1293, %add3A_1289, %add3A_1142] : memref<2x16x1280xf32, #tpu.memory_space<vmem>>[vector<16xi32>, vector<16xi32>, vector<16xi32>], vector<16xf32>,
            %gather3A_1297 = tpu.vector_load_idx %arg6[%add3A_1293, %add3A_1289, %add3A_1278] : memref<2x16x1280xf32, #tpu.memory_space<vmem>>[vector<16xi32>, vector<16xi32>, vector<16xi32>], vector<16xf32>,
            %mul3A_1298 = arith.mulf %add3A_868, %gather3A_1294 : vector<16xf32>
            %mul3A_1299 = arith.mulf %add3A_1004, %gather3A_1295 : vector<16xf32>
            %add3A_1300 = arith.addf %mul3A_1298, %mul3A_1299 : vector<16xf32>
            %mul3A_1301 = arith.mulf %add3A_1140, %gather3A_1296 : vector<16xf32>
            %mul3A_1302 = arith.mulf %add3A_1276, %gather3A_1297 : vector<16xf32>
            %add3A_1303 = arith.addf %mul3A_1301, %mul3A_1302 : vector<16xf32>
            %add3A_1304 = arith.addf %add3A_1300, %add3A_1303 : vector<16xf32>
            %get3A_1305 = arith.index_cast %scan3A_1285 : i32 to index
            %get3A_1306 = arith.index_cast %add3A_96 : i32 to index
            %get3A_1307 = tpu.vector_load %arg7[%get3A_1305, %get3A_1306] {strides = array<i32>} : memref<16x2048xf32, #tpu.memory_space<vmem>>, vector<16xf32>,
            %add3A_1308 = arith.addf %add3A_1304, %get3A_1307 : vector<16xf32>
            %swap3A = arith.index_cast %scan3A_1285 : i32 to index
            %swap3A_1309 = arith.index_cast %add3A_96 : i32 to index
            %swap3A_1310 = tpu.vector_load %arg8[%swap3A, %swap3A_1309] {strides = array<i32>} : memref<16x2048xf32, #tpu.memory_space<vmem>>, vector<16xf32>,
            tpu.vector_store %arg8[%swap3A, %swap3A_1309], %add3A_1308 {strides = array<i32>} : memref<16x2048xf32, #tpu.memory_space<vmem>>, vector<16xf32>,
          }
          %scan3A_1284 = arith.constant 16 : i32
        }
        %scan3A_92 = arith.constant 8 : i32
      }
      %scan3A_44 = arith.constant 16 : i32
      "tpu.region"() ({
        %run_scoped3A = tpu.sem_alloc : memref<!tpu.dma_semaphore, #tpu.memory_space<semaphore_mem>>
        %dma_start3A_45 = arith.constant 0 : i32
        %dma_start3A_46 = tpu.memref_slice %arg5[%scan3A_30, %dma_start3A_45, %mul3A_32] : memref<8x16x65536xf32, #tpu.memory_space<hbm>> -> memref<1x16x2048xf32, #tpu.memory_space<hbm>>
        %dma_start3A_47 = tpu.memref_squeeze %dma_start3A_46 : memref<1x16x2048xf32, #tpu.memory_space<hbm>> -> memref<16x2048xf32, #tpu.memory_space<hbm>>
        %dma_start3A_48 = arith.constant 0 : i32
        %dma_start3A_49 = tpu.memref_slice %arg5[%scan3A_30, %dma_start3A_48, %mul3A_32] : memref<8x16x65536xf32, #tpu.memory_space<hbm>> -> memref<1x16x2048xf32, #tpu.memory_space<hbm>>
        %dma_start3A_50 = tpu.memref_squeeze %dma_start3A_49 : memref<1x16x2048xf32, #tpu.memory_space<hbm>> -> memref<16x2048xf32, #tpu.memory_space<hbm>>
        tpu.enqueue_dma source(%arg8 : memref<16x2048xf32, #tpu.memory_space<vmem>>) target(%dma_start3A_50 : memref<16x2048xf32, #tpu.memory_space<hbm>>) target_semaphore(%run_scoped3A : memref<!tpu.dma_semaphore, #tpu.memory_space<semaphore_mem>>)
        %dma_wait3A = arith.constant 0 : i32
        %dma_wait3A_51 = tpu.memref_slice %arg5[%scan3A_30, %dma_wait3A, %mul3A_32] : memref<8x16x65536xf32, #tpu.memory_space<hbm>> -> memref<1x16x2048xf32, #tpu.memory_space<hbm>>
        %dma_wait3A_52 = tpu.memref_squeeze %dma_wait3A_51 : memref<1x16x2048xf32, #tpu.memory_space<hbm>> -> memref<16x2048xf32, #tpu.memory_space<hbm>>
        %dma_wait3A_53 = arith.constant 0 : i32
        %dma_wait3A_54 = tpu.memref_slice %arg5[%scan3A_30, %dma_wait3A_53, %mul3A_32] : memref<8x16x65536xf32, #tpu.memory_space<hbm>> -> memref<1x16x2048xf32, #tpu.memory_space<hbm>>
        %dma_wait3A_55 = tpu.memref_squeeze %dma_wait3A_54 : memref<1x16x2048xf32, #tpu.memory_space<hbm>> -> memref<16x2048xf32, #tpu.memory_space<hbm>>
        tpu.wait_dma2 semaphore(%run_scoped3A : memref<!tpu.dma_semaphore, #tpu.memory_space<semaphore_mem>>) src(%arg8 : memref<16x2048xf32, #tpu.memory_space<vmem>>) dst(%dma_wait3A_55 : memref<16x2048xf32, #tpu.memory_space<hbm>>)
        tpu.yield
      }) : () -> ()
    }
    %scan3A_29 = arith.constant 8 : i32
    return
  }
}

</mosaic_0001>

<sc_bundles>
// kernel: _run.3.cloned.1.call-start
scs
__scs_entry_jumppad:
0x0: {  	(pc) =	sbr.rel $0x88, $3  }
0x1: {  	(tag) =	ssettag $0x0;
	lr =	simm.s32 $0x1  }
0x2: {  	[smem:$0x3F9E] =	sst lr;
	_ =	strace $0xD0000000  }
0x3: {  	_ = 	snop  }
0x4: {  	_ = 	snop  }
0x5: {  	_ = 	snop  }
0x6: {  	_ = 	snop  }
0x7: {  	_ = 	snop  }
__scs_overlays_trampoline_lowered:
0x8: {  	[smem:$0x3FAD] =	sst s0  }
0x9: {  	[smem:$0x3FAE] =	sst s1  }
0xa: {  	[smem:$0x3FAF] =	sst s2  }
0xb: {  	[smem:$0x3FB0] =	sst s3  }
0xc: {  	[smem:$0x3FB1] =	sst s4  }
0xd: {  	[smem:$0x3FB2] =	sst s5  }
0xe: {  	[smem:$0x3FB3] =	sst s6  }
0xf: {  	[smem:$0x3FB4] =	sst s7  }
0x10: {  	[smem:$0x3FB5] =	sst s8  }
0x11: {  	[smem:$0x3FB6] =	sst s9;
	s0 =	simm.s32 @!p0 $0x0  }
0x12: {  	s1 =	sld [smem:$0x3F9C];
	s0 =	simm.s32 @p0 $0x1  }
0x13: {  	[smem:$0x3FB7] =	sst s0;
	s0 =	simm.s32 @!p1 $0x0  }
0x14: {  	s2 =	sld [smem:$0x3F9B];
	s0 =	simm.s32 @p1 $0x1  }
0x15: {  	[smem:$0x3FB8] =	sst s0;
	s0 =	simm.s32 @!p2 $0x0  }
0x16: {  	s3 =	sld [smem:$0x3FDB];
	s0 =	simm.s32 @p2 $0x1  }
0x17: {  	s4 =	simm.s32 $0x1BF5;
	[smem:$0x3FBA] =	sst s0  }
0x18: {  	s0 =	sld [smem:$0x3F9D];
	_ =	swait.ge [sflag:s4], $0x0  }
0x19: {  	s7 =	sld [smem:$0x3F9E]  }
0x1a: {  	s8 =	sadd.s32 $0xFFFFE003, lr  }
0x1b: {  	s9 =	sadd.s32 $0xFFFFFEF7, lr;
	s5 =	simm.s32 $0xFFFFFFFF;
	p2 =	slt.u32 s8, $0xFFFFF086  }
0x1c: {  	p1 =	slt.u32 s9, $0xF7A;
	s5 =	simm.s32 @!p2 $0x0  }
0x1d: {  	s5 =	simm.s32 @p1 $0x1;
	p0 =	seq.s32 s7, s2  }
0x1e: {  	s7 =	smul.u32 @!p0 $0xF7A, s2;
	p2 =	seq.s32 @!p0 s5, $0x0  }
0x1f: {  	s9 =	smul.u32 $0xF7A, s1;
	s8 =	simm.s32 @!p0 $0x1BF5;
	p2 =	por !p2, p0  }
0x20: {  	[sflag:s8] =	ssyncset.s32 @!p0 $0xFFFFF086;
	s6 =	sadd.s32 @!p0 s3, s7;
	s7 =	simm.s32 @!p0 $0x108  }
0x21: {  	s3 =	sadd.s32 s3, s9;
	s6 =	sadd.s32 @!p0 $0x88, s6;
	s7 =	simm.s32 @p2 $0x1082  }
0x22: {  	[simem:s7], [sflag:s8] =	dma.local @!p0 [hbm:s6], $0xF7A  }
0x23: {  	s9 =	sor.u32 $0xD0000000, s2;
	s6 =	simm.s32 $0x108;
	_ =	swait.ge @!p0 [sflag:s8], $0x0  }
0x24: {  	s3 =	sadd.s32 $0x88, s3;
	s6 =	simm.s32 @!p1 $0x1082;
	[sflag:s4] =	ssyncset.s32 $0xFFFFF086  }
0x25: {  	[simem:s6], [sflag:s4] =	dma.local [hbm:s3], $0xF7A  }
0x26: {  	[smem:$0x3F9E] =	sst s1;
	(tag) =	ssettag s2;
	_ =	strace s9  }
0x27: {  	s1 =	sld [smem:$0x3FAE]  }
0x28: {  	s2 =	sld [smem:$0x3FAF]  }
0x29: {  	s4 =	sld [smem:$0x3FB1]  }
0x2a: {  	p0 =	seq.s32 s5, $0x0;
	s5 =	sld [smem:$0x3FB2]  }
0x2b: {  	s6 =	sld [smem:$0x3FB3]  }
0x2c: {  	s7 =	sld [smem:$0x3FB4]  }
0x2d: {  	s3 =	simm.s32 $0x108;
	s8 =	sld [smem:$0x3FB5]  }
0x2e: {  	s3 =	simm.s32 @!p0 $0x1082;
	s9 =	sld [smem:$0x3FB6]  }
0x2f: {  	lr =	sadd.s32 s0, s3;
	s0 =	sld [smem:$0x3FAD]  }
0x30: {  	s3 =	sld [smem:$0x3FB0]  }
0x31: {  	[smem:$0x3FB9] =	sst s10  }
0x32: {  	s10 =	sld [smem:$0x3FB7];
	_ =	sdelay $0x3  }
0x33: {  	p0 =	seq.s32 s10, $0x1;
	s10 =	sld [smem:$0x3FB9];
	_ =	sdelay $0x3  }
0x34: {  	[smem:$0x3FB9] =	sst s10  }
0x35: {  	s10 =	sld [smem:$0x3FB8];
	_ =	sdelay $0x3  }
0x36: {  	p1 =	seq.s32 s10, $0x1;
	s10 =	sld [smem:$0x3FB9];
	_ =	sdelay $0x3  }
0x37: {  	[smem:$0x3FB9] =	sst s10  }
0x38: {  	s10 =	sld [smem:$0x3FBA]  }
0x39: {  	_ = 	snop;
	(pc) =	sbr.ind lr, $3  }
0x3a: {  	_ = 	snop  }
0x3b: {  	_ = 	snop  }
0x3c: {  	p2 =	seq.s32 s10, $0x1;
	s10 =	sld [smem:$0x3FB9]  }
0x3d: {  	_ =	shalt  }
0x3e: {  	_ =	shalt  }
0x3f: {  	_ =	shalt  }
0x40: {  	_ =	shalt  }
0x41: {  	_ =	shalt  }
0x42: {  	_ =	shalt  }
0x43: {  	_ =	shalt  }
0x44: {  	_ =	shalt  }
0x45: {  	_ =	shalt  }
0x46: {  	_ =	shalt  }
0x47: {  	_ =	shalt  }
0x48: {  	_ =	shalt  }
0x49: {  	_ =	shalt  }
0x4a: {  	_ =	shalt  }
0x4b: {  	_ =	shalt  }
0x4c: {  	_ =	shalt  }
0x4d: {  	_ =	shalt  }
0x4e: {  	_ =	shalt  }
0x4f: {  	_ =	shalt  }
0x50: {  	_ =	shalt  }
0x51: {  	_ =	shalt  }
0x52: {  	_ =	shalt  }
0x53: {  	_ =	shalt  }
0x54: {  	_ =	shalt  }
0x55: {  	_ =	shalt  }
0x56: {  	_ =	shalt  }
0x57: {  	_ =	shalt  }
0x58: {  	_ =	shalt  }
0x59: {  	_ =	shalt  }
0x5a: {  	_ =	shalt  }
0x5b: {  	_ =	shalt  }
0x5c: {  	_ =	shalt  }
0x5d: {  	_ =	shalt  }
0x5e: {  	_ =	shalt  }
0x5f: {  	_ =	shalt  }
0x60: {  	_ =	shalt  }
0x61: {  	_ =	shalt  }
0x62: {  	_ =	shalt  }
0x63: {  	_ =	shalt  }
0x64: {  	_ =	shalt  }
0x65: {  	_ =	shalt  }
0x66: {  	_ =	shalt  }
0x67: {  	_ =	shalt  }
0x68: {  	_ =	shalt  }
0x69: {  	_ =	shalt  }
0x6a: {  	_ =	shalt  }
0x6b: {  	_ =	shalt  }
0x6c: {  	_ =	shalt  }
0x6d: {  	_ =	shalt  }
0x6e: {  	_ =	shalt  }
0x6f: {  	_ =	shalt  }
0x70: {  	_ =	shalt  }
0x71: {  	_ =	shalt  }
0x72: {  	_ =	shalt  }
0x73: {  	_ =	shalt  }
0x74: {  	_ =	shalt  }
0x75: {  	_ =	shalt  }
0x76: {  	_ =	shalt  }
0x77: {  	_ =	shalt  }
0x78: {  	_ =	shalt  }
0x79: {  	_ =	shalt  }
0x7a: {  	_ =	shalt  }
0x7b: {  	_ =	shalt  }
0x7c: {  	_ =	shalt  }
0x7d: {  	_ =	shalt  }
0x7e: {  	_ =	shalt  }
0x7f: {  	_ =	shalt  }
0x80: {  	_ =	shalt  }
0x81: {  	_ =	shalt  }
0x82: {  	_ =	shalt  }
0x83: {  	_ =	shalt  }
0x84: {  	_ =	shalt  }
0x85: {  	_ =	shalt  }
0x86: {  	_ =	shalt  }
0x87: {  	_ =	shalt  }
.Lfunc_end0:
.L_simem_size_0:
called_computation_lowered:
.L_overlay_start_0:
0x88: {  	s2 =	sld [smem:$0x3FD9]  }
0x89: {  	s3 =	sld [smem:$0x3FFE];
	_ =	sdelay $0x1  }
0x8a: {  	s1 =	srdreg.scid  }
0x8b: {  	s0 =	sand.u32 $0x1, s1  }
0x8c: {  	s18 =	sshll.u32 s0, $0xA;
	s2 =	sadd.s32 s3, s2  }
0x8d: {  	s2 =	sadd.s32 s2, s18  }
0x8e: {  	[smem:$0x3FC5] =	sst s2  }
0x8f: {  	_ = 	snop  }
0x90: {  	s2 =	sld [smem:$0x3FC9]  }
0x91: {  	s19 =	sld [smem:$0x3FC8]  }
0x92: {  	s4 =	sld [smem:$0x3FC7]  }
0x93: {  	s5 =	sld [smem:$0x3FD0];
	(tm) =	ssettm $0x1  }
0x94: {  	s6 =	sld [smem:$0x3FFB];
	_ =	sdelay $0x3  }
0x95: {  	_ =	strace s6  }
0x96: {  	s6 =	sld [smem:$0x3FFC];
	_ =	sdelay $0x3  }
0x97: {  	_ =	strace s6  }
0x98: {  	s6 =	sld [smem:$0x3FFD];
	_ =	sdelay $0x3  }
0x99: {  	_ =	strace s6  }
0x9a: {  	_ =	strace $0x8FFFFFFF  }
0x9b: {  	s20 =	sld [smem:$0x3FDB];
	_ =	sdelay $0x1  }
0x9c: {  	s7 =	simm.s32 $_scs_section_size  }
0x9d: {  	s8 =	simm.s32 $_size__tile_overlayer_lowered;
	s9 =	simm.s32 $_tile_overlayer_lowered  }
0x9e: {  	s23 =	simm.s32 $0x1BFF;
	s22 =	sshll.u32 s9, $0x1;
	s6 =	sadd.s32 s7, s20  }
0x9f: {  	s10 =	simm.s32 $0x0;
	s21 =	sshll.u32 s8, $0x1;
	s8 =	sadd.s32 s22, s6  }
0xa0: {  	[timem:s10], [sflag:s23] =	dma.local [hbm:s8], s21  }
0xa1: {  	_ =	swait.ge [sflag:s23], s21  }
0xa2: {  	s7 =	ssub.s32 $0x0, s21;
	[sflag:s23] =	ssyncset.done $0x0  }
0xa3: {  	[sflag:s23] =	ssyncadd.s32 s7;
	_ =	sdelay $0x1  }
0xa4: {  	s24 =	simm.s32 $0x1B8B  }
0xa5: {  	_ =	swait.ge [sflag:s24], $0x1  }
0xa6: {  	[sflag:s24] =	ssyncset.done $0x0  }
0xa7: {  	s25 =	simm.s32 $0x1B8E;
	[sflag:s24] =	ssyncadd.s32 $0xFFFFFFFF  }
0xa8: {  	s26 =	simm.s32 $execute0_lowered;
	[smem:$0x3FD2] =	sst s25  }
0xa9: {  	s7 =	sshll.u32 s26, $0x1;
	_ =	strace $0x80000046;
	[dreg:$0x1] =	wrdreg $0xFFFFFFFF  }
0xaa: {  	s28 =	simm.s32 $_size_execute0_lowered;
	s6 =	sadd.s32 s6, s7;
	[dreg:$0x0] =	wrdreg $0x0  }
0xab: {  	s7 =	sshll.u32 s28, $0x1;
	[dreg:$0x2] =	wrdreg s6  }
0xac: {  	[dreg:$0x3] =	wrdreg s7  }
0xad: {  	[dreg:$0x4] =	wrdreg $0xC0  }
0xae: {  	_ =	task [dreg:s10], $0x5FFFF  }
0xaf: {  	[dreg:$0x1] =	wrdreg $0xFFFFFFFF  }
0xb0: {  	[dreg:$0x0] =	wrdreg $0x60  }
0xb1: {  	[dreg:$0x2] =	wrdreg s2  }
0xb2: {  	[dreg:$0x3] =	wrdreg s19  }
0xb3: {  	[dreg:$0x4] =	wrdreg s4  }
0xb4: {  	[dreg:$0x5] =	wrdreg s5  }
0xb5: {  	[dreg:$0x6] =	wrdreg $0x9  }
0xb6: {  	_ =	task.clear_ibuf [dreg:s10], $0x7FFFF;
	_ =	strace $0x90000046  }
0xb7: {  	s29 =	simm.s32 $0x9;
	_ =	strace $0x80000048  }
0xb8: {  	_ =	swait.ge [sflag:s29], $0x1  }
0xb9: {  	[sflag:s29] =	ssyncadd.s32 $0xFFFFFFFF  }
0xba: {  	_ =	strace $0x90000048  }
0xbb: {  	_ =	sfence  }
0xbc: {  	s30 =	sld [smem:$0x0];
	_ =	sdelay $0x2  }
0xbd: {  	s31 =	sshll.u32 s1, $0xD;
	s1 =	sshrl.u32 s1, $0x2  }
0xbe: {  	s3 =	sand.u32 $0x4000, s31;
	s1 =	sadd.s32 s1, s30  }
0xbf: {  	s0 =	sor.u32 s3, s0;
	s1 =	sshll.u32 s1, $0x11  }
0xc0: {  	s0 =	sor.u32 s1, s0  }
0xc1: {  	s0 =	sadd.s32 $0x8F2B, s0  }
0xc2: {  	[sflag:s0] =	ssyncadd.remote.s32 $0x1  }
0xc3: {  	_ =	sfence.sel $0xFFFF  }
0xc4: {  	[dreg:$0x0] =	wrdreg $0xFFFFFFFF;
	(pc) =	sbr.abs _section_cstart, $3  }
0xc5: {  	[dreg:$0x1] =	wrdreg $0xFFFFFFFF  }
0xc6: {  	_ =	task.clear_ibuf [dreg:s10], $0x2FFFF;
	_ =	strace $0x9FFFFFFF  }
0xc7: {  	(tm) =	ssettm $0x7FFFFFFF  }
tec
execute0_lowered:
.L_overlay_start_1:
0x0: {  	(tag) =	ssettag $0x1  }
0x1: {  	s1 =	rddreg [dreg:$0x0];
	v15 =	vlaneseq.u32  }
0x2: {  	s2 =	rddreg [dreg:$0x1];
	s0 =	srdreg.scid;
	s6 =	simm.s32 $0x0;
	v16 =	vmul.u32 $0xA, v15  }
0x3: {  	s3 =	stileid.u32;
	v0 =	vimm.s32 $0x1;
	[smem:$0x7FF] =	sst s6  }
0x4: {  	s5 =	rddreg [dreg:$0x3];
	v1 =	vimm.s32 $0x0;
	v3 =	vimm.s32 $0x2;
	s10 =	simm.s32 $0x1BA00;
	_ =	strace $0x80000047;
	v55 =	vor.u32 $0x1, v16;
	[tilespmem:$0x1FF90] =	vst v16  }
0x5: {  	v4 =	vimm.s32 $0x3;
	v2 =	vimm.s32 $0x4;
	s11 =	simm.s32 $0x3;
	s14 =	simm.s32 $0x4000;
	s15 =	simm.s32 $0x80000;
	v56 =	vadd.s32 $0x2, v16;
	[tilespmem:$0x1FFA0] =	vst v55  }
0x6: {  	v5 =	vimm.s32 $0x5;
	v6 =	vimm.s32 $0x6;
	s16 =	simm.s32 $0xA000;
	s0 =	sand.u32 $0x1, s0;
	s3 =	sshll.u32 s3, $0x1;
	v57 =	vadd.s32 $0x3, v16;
	[tilespmem:$0x1FFB0] =	vst v56  }
0x7: {  	v7 =	vimm.s32 $0x7;
	v8 =	vimm.s32 $0x8;
	s17 =	simm.s32 $0x1A000;
	s3 =	sor.u32 s0, s3;
	s0 =	ssub.s32 $0x2, s0;
	v58 =	vadd.s32 $0x4, v16;
	[tilespmem:$0x1FFC0] =	vst v57  }
0x8: {  	v9 =	vimm.s32 $0x9;
	v10 =	vimm.s32 $0xA;
	s18 =	simm.s32 $0x1A500;
	s4 =	smul.u32 $0x5000, s3;
	s7 =	sshrl.u32 s0, $0x1;
	v59 =	vadd.s32 $0x5, v16;
	[tilespmem:$0x1FFD0] =	vst v58  }
0x9: {  	v11 =	vimm.s32 $0xB;
	v12 =	vimm.s32 $0xC;
	s19 =	simm.s32 $0x12000;
	s20 =	simm.s32 $0x0;
	v60 =	vadd.s32 $0x6, v16;
	s0 =	ssub.s32 s0, s7;
	[tilespmem:$0x1FFE0] =	vst v59  }
0xa: {  	v13 =	vimm.s32 $0xD;
	v14 =	vimm.s32 $0xE;
	v18 =	vimm.s32 $0xF;
	s8 =	sshll.u32 s3, $0xB;
	[tilespmem:$0x1FFF0] =	vst v60;
	s7 =	sadd.s32 s1, s4;
	s9 =	smax.u32 s0, $0x1  }
.LBB2_1:
0xb: {  	s0 =	rddreg [dreg:$0x2]  }
0xc: {  	[tilespmem:s10], [sflag:$0x3] =	stream.linear.gather [hbm4b:s0+s6], $0x80, $0x38;
	[tilespmem:$0x1BA80] =	vst v63  }
0xd: {  	_ =	swait.ge [sflag:s11], $0x80  }
0xe: {  	s31 =	simm.s32 $0x2800;
	[sflag:s11] =	ssyncset.done $0x0  }
0xf: {  	s3 =	simm.s32 $0x500000;
	s21 =	simm.s32 $0x0;
	[sflag:s11] =	ssyncadd.s32 $0xFFFFFF80  }
0x10: {  	[tilespmem:s6], [sflag:$0x1] =	stream.strided.gather [hbm4b:s7+s31], $0x5000, s3, s31, $0x38;
	[tilespmem:$0x1BA80] =	vst v63  }
.LBB2_2:
0x11: {  	s0 =	sshll.u32 s21, $0x11  }
0x12: {  	s22 =	sor.u32 s8, s0  }
0x13: {  	s0 =	sadd.s32 s2, s22  }
0x14: {  	[tilespmem:s16], [sflag:$0x3] =	stream.strided.gather [hbm4b:s0+s14], $0x8000, s15, s14, $0x38;
	[tilespmem:$0x1BA80] =	vst v63  }
0x15: {  	s29 =	simm.s32 $0x0;
	_ =	swait.ge [sflag:s11], $0x8000  }
0x16: {  	s3 =	sand.u32 $0x70, s29;
	s0 =	sand.u32 $0x3C00, s29;
	[sflag:s11] =	ssyncset.done $0x0  }
0x17: {  	s0 =	sor.u32 s3, s0;
	[sflag:s11] =	ssyncadd.s32 $0xFFFF8000  }
0x18: {  	v32 =	vld [tilespmem:s0+$0xE200]  }
0x19: {  	v33 =	vld [tilespmem:s0+$0xE280]  }
0x1a: {  	v35 =	vld [tilespmem:s0+$0xE000]  }
0x1b: {  	v38 =	vld [tilespmem:s0+$0xE180]  }
0x1c: {  	v39 =	vld [tilespmem:s0+$0xA200]  }
0x1d: {  	v40 =	vld [tilespmem:s0+$0xA280]  }
0x1e: {  	v42 =	vld [tilespmem:s0+$0xA300]  }
0x1f: {  	v50 =	vld [tilespmem:$0x1BA20]  }
0x20: {  	v44 =	vld [tilespmem:s0+$0xA380]  }
0x21: {  	v48 =	vld [tilespmem:s0+$0xA080]  }
0x22: {  	v58 =	vld [tilespmem:s0+$0xA100];
	v26 =	vshrl.u32 v32, $0x10;
	v27 =	vshrl.u32 v33, $0x10;
	v30 =	vshrl.u32 v35, $0x10  }
0x23: {  	v43 =	vshrl.u32 v38, $0x10;
	v46 =	vshrl.u32 v39, $0x10;
	v47 =	vshrl.u32 v40, $0x10  }
0x24: {  	v49 =	vshrl.u32 v42, $0x10;
	v54 =	vperm.xlane v50, v12;
	v55 =	vperm.xlane v50, v13  }
0x25: {  	v52 =	vshrl.u32 v44, $0x10;
	v56 =	vperm.xlane v50, v14;
	v57 =	vperm.xlane v50, v18  }
0x26: {  	v53 =	vshrl.u32 v48, $0x10;
	v59 =	vperm.xlane v50, v8;
	v60 =	vperm.xlane v50, v9  }
0x27: {  	v61 =	vperm.xlane v50, v10;
	v62 =	vperm.xlane v50, v11;
	v23 =	vshrl.u32 v58, $0x10  }
0x28: {  	v21 =	vperm.xlane v50, v5;
	v22 =	vperm.xlane v50, v6;
	v26 =	vand.u32 $0x1, v26  }
0x29: {  	v27 =	vand.u32 $0x1, v27;
	v30 =	vand.u32 $0x1, v30;
	v43 =	vand.u32 $0x1, v43  }
0x2a: {  	v46 =	vand.u32 $0x1, v46;
	v47 =	vand.u32 $0x1, v47;
	v49 =	vand.u32 $0x1, v49  }
0x2b: {  	v52 =	vand.u32 $0x1, v52;
	v53 =	vand.u32 $0x1, v53;
	v26 =	vadd.s32 v26, v32  }
0x2c: {  	v27 =	vadd.s32 v27, v33;
	v30 =	vadd.s32 v30, v35;
	v43 =	vadd.s32 v43, v38  }
0x2d: {  	v46 =	vadd.s32 v46, v39;
	v47 =	vadd.s32 v47, v40;
	v32 =	vmul.f32 v54, v32  }
0x2e: {  	v49 =	vadd.s32 v49, v42;
	v54 =	vperm.xlane v50, v2;
	v33 =	vmul.f32 v55, v33  }
0x2f: {  	v25 =	vld [tilespmem:s0+$0xE380];
	v52 =	vadd.s32 v52, v44;
	v35 =	vmul.f32 v59, v35;
	v38 =	vmul.f32 v62, v38  }
0x30: {  	v36 =	vld [tilespmem:s0+$0xE080];
	v53 =	vadd.s32 v53, v48;
	v62 =	vperm.xlane v50, v1;
	v40 =	vmul.f32 v21, v40  }
0x31: {  	v42 =	vmul.f32 v22, v42;
	v21 =	vperm.xlane v50, v0;
	v26 =	vadd.s32 $0x7FFF, v26  }
0x32: {  	v30 =	vadd.s32 $0x7FFF, v30;
	v46 =	vadd.s32 $0x7FFF, v46;
	v47 =	vadd.s32 $0x7FFF, v47  }
0x33: {  	v34 =	vld [tilespmem:s0+$0xE300];
	v49 =	vadd.s32 $0x7FFF, v49;
	v52 =	vadd.s32 $0x7FFF, v52;
	v53 =	vadd.s32 $0x7FFF, v53  }
0x34: {  	v28 =	vand.u32 $0xFFFF0000, v26;
	v26 =	vadd.s32 $0x7FFF, v27;
	v27 =	vshrl.u32 v25, $0x10  }
0x35: {  	v41 =	vand.u32 $0xFFFF0000, v30;
	v30 =	vshrl.u32 v36, $0x10;
	v46 =	vand.u32 $0xFFFF0000, v46  }
0x36: {  	v47 =	vand.u32 $0xFFFF0000, v47;
	v49 =	vand.u32 $0xFFFF0000, v49;
	v52 =	vand.u32 $0xFFFF0000, v52  }
0x37: {  	v55 =	vld [tilespmem:$0x1BA00];
	v53 =	vand.u32 $0xFFFF0000, v53;
	v39 =	vmul.f32 v54, v39;
	v48 =	vmul.f32 v21, v48  }
0x38: {  	v59 =	vld [tilespmem:s0+$0xA180];
	v29 =	vand.u32 $0xFFFF0000, v26;
	v26 =	vshrl.u32 v34, $0x10;
	v27 =	vand.u32 $0x1, v27  }
0x39: {  	v30 =	vand.u32 $0x1, v30;
	v26 =	vand.u32 $0x1, v26;
	v27 =	vadd.s32 v27, v25  }
0x3a: {  	v30 =	vadd.s32 v30, v36;
	v36 =	vmul.f32 v60, v36;
	v48 =	vadd.f32 $0.0e+00, v48  }
0x3b: {  	v37 =	vld [tilespmem:s0+$0xE100];
	v26 =	vadd.s32 v26, v34;
	v31 =	vadd.s32 $0x7FFF, v27;
	v30 =	vadd.s32 $0x7FFF, v30  }
0x3c: {  	v34 =	vmul.f32 v56, v34;
	v56 =	vand.u32 $0x1, v23;
	v23 =	vshrl.u32 v55, $0x10  }
0x3d: {  	v22 =	vshrl.u32 v59, $0x10;
	v26 =	vadd.s32 $0x7FFF, v26;
	v45 =	vand.u32 $0xFFFF0000, v30  }
0x3e: {  	v54 =	vadd.s32 v56, v58;
	v56 =	vperm.xlane v50, v7;
	v60 =	vand.u32 $0x1, v23  }
0x3f: {  	v23 =	vperm.xlane v50, v3;
	v50 =	vperm.xlane v50, v4;
	v40 =	vadd.f32 v40, v48  }
0x40: {  	v27 =	vand.u32 $0xFFFF0000, v26;
	v26 =	vand.u32 $0xFFFF0000, v31;
	v31 =	vshrl.u32 v37, $0x10  }
0x41: {  	v55 =	vadd.s32 v60, v55;
	v60 =	vand.u32 $0x1, v22;
	v54 =	vadd.s32 $0x7FFF, v54  }
0x42: {  	v31 =	vand.u32 $0x1, v31;
	v60 =	vadd.s32 v60, v59;
	v44 =	vmul.f32 v56, v44  }
0x43: {  	v55 =	vadd.s32 $0x7FFF, v55;
	v63 =	vmul.f32 v23, v58;
	v50 =	vmul.f32 v50, v59  }
0x44: {  	v36 =	vadd.f32 v36, v40;
	v54 =	vand.u32 $0xFFFF0000, v54;
	v31 =	vadd.s32 v31, v37  }
0x45: {  	v37 =	vmul.f32 v61, v37;
	v55 =	vand.u32 $0xFFFF0000, v55;
	v31 =	vadd.s32 $0x7FFF, v31  }
0x46: {  	v58 =	vperm.xlane v55, v12;
	v30 =	vand.u32 $0xFFFF0000, v31;
	v31 =	vadd.s32 $0x7FFF, v43;
	v43 =	vld [tilespmem:s0+$0xA000]  }
0x47: {  	v60 =	vadd.s32 $0x7FFF, v60;
	v21 =	vperm.xlane v55, v13;
	v61 =	vperm.xlane v55, v14  }
0x48: {  	v56 =	vadd.f32 $0.0e+00, v63;
	v22 =	vperm.xlane v55, v8;
	v23 =	vperm.xlane v55, v9  }
0x49: {  	v50 =	vadd.f32 $0.0e+00, v50;
	v40 =	vperm.xlane v55, v5;
	v59 =	vperm.xlane v55, v7  }
0x4a: {  	v60 =	vand.u32 $0xFFFF0000, v60;
	v42 =	vadd.f32 v42, v56;
	v56 =	vperm.xlane v55, v10  }
0x4b: {  	v44 =	vadd.f32 v44, v50;
	v50 =	vperm.xlane v55, v11;
	v51 =	vshrl.u32 v43, $0x10  }
0x4c: {  	v28 =	vmul.f32 v28, v58;
	v58 =	vperm.xlane v55, v6;
	v51 =	vand.u32 $0x1, v51  }
0x4d: {  	v29 =	vmul.f32 v29, v21;
	v51 =	vadd.s32 v51, v43;
	v43 =	vmul.f32 v62, v43  }
0x4e: {  	v33 =	vadd.f32 v33, v36;
	v41 =	vmul.f32 v41, v22;
	v21 =	vperm.xlane v55, v1  }
0x4f: {  	v45 =	vmul.f32 v45, v23;
	v22 =	vperm.xlane v55, v0;
	v43 =	vadd.f32 $0.0e+00, v43  }
0x50: {  	v31 =	vand.u32 $0xFFFF0000, v31;
	v23 =	vperm.xlane v55, v3;
	v40 =	vmul.f32 v47, v40  }
0x51: {  	v37 =	vadd.f32 v37, v42;
	v51 =	vadd.s32 $0x7FFF, v51;
	v39 =	vadd.f32 v39, v43  }
0x52: {  	v63 =	vmul.f32 v49, v58;
	v62 =	vperm.xlane v55, v18;
	v51 =	vand.u32 $0xFFFF0000, v51  }
0x53: {  	v35 =	vadd.f32 v35, v39;
	v39 =	vperm.xlane v55, v2;
	v55 =	vperm.xlane v55, v4  }
0x54: {  	v38 =	vadd.f32 v38, v44;
	v43 =	vmul.f32 v51, v21;
	v51 =	vmul.f32 v53, v22  }
0x55: {  	v53 =	vmul.f32 v54, v23;
	v32 =	vadd.f32 v32, v35;
	v54 =	vmul.f32 v60, v55  }
0x56: {  	v39 =	vmul.f32 v46, v39;
	v55 =	vadd.f32 $0.0e+00, v43;
	v60 =	vadd.f32 $0.0e+00, v51  }
0x57: {  	v21 =	vmul.f32 v52, v59;
	v35 =	vadd.f32 $0.0e+00, v53;
	v42 =	vadd.f32 $0.0e+00, v54  }
0x58: {  	v30 =	vmul.f32 v30, v56;
	v36 =	vadd.f32 v39, v55;
	v22 =	vadd.f32 v40, v60  }
0x59: {  	v31 =	vmul.f32 v31, v50;
	v35 =	vadd.f32 v63, v35;
	v23 =	vadd.f32 v21, v42  }
0x5a: {  	v27 =	vmul.f32 v27, v61;
	v36 =	vadd.f32 v41, v36;
	v39 =	vadd.f32 v45, v22  }
0x5b: {  	v26 =	vmul.f32 v26, v62;
	v30 =	vadd.f32 v30, v35;
	v31 =	vadd.f32 v31, v23  }
0x5c: {  	v25 =	vmul.f32 v57, v25;
	v28 =	vadd.f32 v28, v36;
	v29 =	vadd.f32 v29, v39  }
0x5d: {  	v27 =	vadd.f32 v27, v30;
	v26 =	vadd.f32 v26, v31  }
0x5e: {  	v25 =	vadd.f32 v25, v38;
	v30 =	vadd.f32 v34, v37  }
0x5f: {  	v28 =	vadd.f32 v29, v28;
	v26 =	vadd.f32 v26, v27  }
0x60: {  	v25 =	vadd.f32 v25, v30;
	v27 =	vadd.f32 v33, v32  }
0x61: {  	v26 =	vadd.f32 v26, v28  }
0x62: {  	s24 =	simm.s32 $0x1AA00;
	s30 =	simm.s32 $0x10;
	s4 =	simm.s32 $0x80;
	v25 =	vadd.f32 v25, v27  }
0x63: {  	s23 =	simm.s32 $0x1B200;
	s31 =	sand.u32 $0x3C00, s4;
	s0 =	sand.u32 $0x70, s30;
	[tilespmem:s24+$0x0] =	vst v26  }
0x64: {  	s0 =	sor.u32 s0, s31;
	[tilespmem:s23+$0x0] =	vst v25  }
0x65: {  	v39 =	vld [tilespmem:s0+$0xE200]  }
0x66: {  	v42 =	vld [tilespmem:s0+$0xE280]  }
0x67: {  	v45 =	vld [tilespmem:s0+$0xE000]  }
0x68: {  	v48 =	vld [tilespmem:s0+$0xE180]  }
0x69: {  	v49 =	vld [tilespmem:s0+$0xA200]  }
0x6a: {  	v52 =	vld [tilespmem:s0+$0xA280]  }
0x6b: {  	v55 =	vld [tilespmem:s0+$0xA300]  }
0x6c: {  	v56 =	vld [tilespmem:s0+$0xA380]  }
0x6d: {  	v57 =	vld [tilespmem:s0+$0xA000]  }
0x6e: {  	v58 =	vld [tilespmem:s0+$0xA080]  }
0x6f: {  	v59 =	vld [tilespmem:$0x1BA20];
	_ =	sdelay $0x1  }
0x70: {  	v26 =	vshrl.u32 v39, $0x10;
	v27 =	vshrl.u32 v42, $0x10;
	v30 =	vshrl.u32 v45, $0x10  }
0x71: {  	v41 =	vshrl.u32 v48, $0x10;
	v44 =	vshrl.u32 v49, $0x10;
	v50 =	vshrl.u32 v52, $0x10  }
0x72: {  	v51 =	vshrl.u32 v55, $0x10;
	v60 =	vshrl.u32 v57, $0x10;
	v61 =	vshrl.u32 v56, $0x10  }
0x73: {  	v62 =	vshrl.u32 v58, $0x10;
	v21 =	vperm.xlane v59, v12;
	v22 =	vperm.xlane v59, v13  }
0x74: {  	v23 =	vperm.xlane v59, v8;
	v26 =	vand.u32 $0x1, v26;
	v27 =	vand.u32 $0x1, v27  }
0x75: {  	v30 =	vand.u32 $0x1, v30;
	v33 =	vand.u32 $0x1, v41;
	v34 =	vand.u32 $0x1, v44  }
0x76: {  	v35 =	vand.u32 $0x1, v50;
	v36 =	vand.u32 $0x1, v51;
	v38 =	vand.u32 $0x1, v61  }
0x77: {  	v40 =	vand.u32 $0x1, v62;
	v51 =	vperm.xlane v59, v14;
	v61 =	vperm.xlane v59, v10  }
0x78: {  	v26 =	vadd.s32 v26, v39;
	v27 =	vadd.s32 v27, v42;
	v30 =	vadd.s32 v30, v45  }
0x79: {  	v17 =	vld [tilespmem:s0+$0xE300];
	v43 =	vadd.s32 v33, v48;
	v34 =	vadd.s32 v34, v49;
	v35 =	vadd.s32 v35, v52  }
0x7a: {  	v25 =	vld [tilespmem:s0+$0xE380];
	v53 =	vadd.s32 v36, v55;
	v38 =	vadd.s32 v38, v56;
	v44 =	vmul.f32 v21, v39  }
0x7b: {  	v46 =	vld [tilespmem:s0+$0xE080];
	v63 =	vadd.s32 v40, v58;
	v42 =	vmul.f32 v22, v42;
	v50 =	vmul.f32 v23, v45  }
0x7c: {  	v23 =	vperm.xlane v59, v2;
	v26 =	vadd.s32 $0x7FFF, v26;
	v30 =	vadd.s32 $0x7FFF, v30  }
0x7d: {  	v34 =	vadd.s32 $0x7FFF, v34;
	v35 =	vadd.s32 $0x7FFF, v35;
	v54 =	vadd.s32 $0x7FFF, v53  }
0x7e: {  	v38 =	vadd.s32 $0x7FFF, v38;
	v41 =	vadd.s32 $0x7FFF, v63;
	v63 =	vperm.xlane v59, v11  }
0x7f: {  	v39 =	vmul.f32 v51, v17;
	v15 =	vand.u32 $0xFFFF0000, v26;
	v26 =	vadd.s32 $0x7FFF, v27  }
0x80: {  	v27 =	vshrl.u32 v25, $0x10;
	v32 =	vand.u32 $0xFFFF0000, v30;
	v30 =	vshrl.u32 v46, $0x10  }
0x81: {  	v36 =	vand.u32 $0xFFFF0000, v34;
	v37 =	vand.u32 $0xFFFF0000, v35;
	v34 =	vand.u32 $0xFFFF0000, v54  }
0x82: {  	v35 =	vand.u32 $0x1, v60;
	v38 =	vand.u32 $0xFFFF0000, v38;
	v54 =	vperm.xlane v59, v9  }
0x83: {  	v62 =	vld [tilespmem:s0+$0xA180];
	v41 =	vand.u32 $0xFFFF0000, v41;
	v29 =	vand.u32 $0xFFFF0000, v26;
	v26 =	vshrl.u32 v17, $0x10  }
0x84: {  	v47 =	vld [tilespmem:s0+$0xE100];
	v27 =	vand.u32 $0x1, v27;
	v30 =	vand.u32 $0x1, v30;
	v35 =	vadd.s32 v35, v57  }
0x85: {  	v60 =	vld [tilespmem:s0+$0xA100];
	v48 =	vmul.f32 v63, v48;
	v26 =	vand.u32 $0x1, v26;
	v27 =	vadd.s32 v27, v25  }
0x86: {  	v30 =	vadd.s32 v30, v46;
	v35 =	vadd.s32 $0x7FFF, v35;
	v51 =	vmul.f32 v54, v46  }
0x87: {  	v54 =	vmul.f32 v23, v49;
	v49 =	vperm.xlane v59, v7;
	v26 =	vadd.s32 v26, v17  }
0x88: {  	v45 =	vld [tilespmem:$0x1BA00];
	v23 =	vshrl.u32 v62, $0x10;
	v31 =	vadd.s32 $0x7FFF, v27;
	v26 =	vadd.s32 $0x7FFF, v26  }
0x89: {  	[tilespmem:$0x1FF60] =	vst v15;
	v30 =	vadd.s32 $0x7FFF, v30;
	v40 =	vand.u32 $0xFFFF0000, v35;
	v15 =	vand.u32 $0xFFFF0000, v26  }
0x8a: {  	v21 =	vshrl.u32 v60, $0x10;
	[tilespmem:$0x1FF70] =	vst v15;
	v15 =	vand.u32 $0xFFFF0000, v31;
	v31 =	vshrl.u32 v47, $0x10  }
0x8b: {  	v22 =	vand.u32 $0x1, v21;
	v21 =	vperm.xlane v59, v5;
	v31 =	vand.u32 $0x1, v31  }
0x8c: {  	v35 =	vperm.xlane v59, v18;
	v33 =	vand.u32 $0xFFFF0000, v30;
	v31 =	vadd.s32 v31, v47  }
0x8d: {  	v53 =	vmul.f32 v21, v52;
	v21 =	vshrl.u32 v45, $0x10;
	v31 =	vadd.s32 $0x7FFF, v31  }
0x8e: {  	v47 =	vmul.f32 v61, v47;
	v46 =	vand.u32 $0x1, v21;
	v30 =	vand.u32 $0xFFFF0000, v31  }
0x8f: {  	v31 =	vadd.s32 $0x7FFF, v43;
	v43 =	vadd.s32 v22, v60;
	v22 =	vperm.xlane v59, v6  }
0x90: {  	v45 =	vadd.s32 v46, v45;
	v31 =	vand.u32 $0xFFFF0000, v31;
	v43 =	vadd.s32 $0x7FFF, v43  }
0x91: {  	v45 =	vadd.s32 $0x7FFF, v45;
	v43 =	vand.u32 $0xFFFF0000, v43;
	v52 =	vmul.f32 v22, v55  }
0x92: {  	v55 =	vperm.xlane v59, v1;
	v22 =	vand.u32 $0x1, v23;
	v23 =	vperm.xlane v59, v0  }
0x93: {  	v21 =	vadd.s32 v22, v62;
	v22 =	vperm.xlane v59, v3;
	v59 =	vperm.xlane v59, v4  }
0x94: {  	v57 =	vmul.f32 v55, v57;
	v46 =	vadd.s32 $0x7FFF, v21;
	v55 =	vmul.f32 v49, v56  }
0x95: {  	v23 =	vmul.f32 v23, v58;
	v56 =	vand.u32 $0xFFFF0000, v45;
	v60 =	vmul.f32 v22, v60  }
0x96: {  	v46 =	vand.u32 $0xFFFF0000, v46;
	v62 =	vmul.f32 v59, v62;
	v58 =	vperm.xlane v56, v13  }
0x97: {  	v49 =	vperm.xlane v56, v14;
	v45 =	vperm.xlane v56, v18;
	v61 =	vadd.f32 $0.0e+00, v57  }
0x98: {  	s0 =	simm.s32 $0x20;
	[tilespmem:$0x1FF80] =	vst v15;
	v59 =	vadd.f32 $0.0e+00, v23;
	v57 =	vperm.xlane v56, v12;
	v60 =	vadd.f32 $0.0e+00, v60  }
.LBB2_3:
0x99: {  	v63 =	vperm.xlane v56, v8  }
0x9a: {  	v17 =	vperm.xlane v56, v9;
	v19 =	vperm.xlane v56, v11  }
0x9b: {  	v20 =	vperm.xlane v56, v2;
	v21 =	vperm.xlane v56, v5  }
0x9c: {  	v22 =	vperm.xlane v56, v1;
	v23 =	vperm.xlane v56, v0  }
0x9d: {  	v15 =	vld [tilespmem:$0x1FF60];
	v54 =	vadd.f32 v54, v61;
	v61 =	vperm.xlane v56, v10;
	v53 =	vadd.f32 v53, v59  }
0x9e: {  	v59 =	vperm.xlane v56, v6;
	v52 =	vadd.f32 v52, v60;
	v60 =	vperm.xlane v56, v7  }
0x9f: {  	v29 =	vmul.f32 v29, v58;
	v32 =	vmul.f32 v32, v63  }
0xa0: {  	v17 =	vmul.f32 v33, v17;
	v20 =	vmul.f32 v36, v20  }
0xa1: {  	v62 =	vadd.f32 $0.0e+00, v62;
	v21 =	vmul.f32 v37, v21;
	v22 =	vmul.f32 v40, v22  }
0xa2: {  	v23 =	vmul.f32 v41, v23;
	v28 =	vmul.f32 v15, v57;
	v15 =	vld [tilespmem:$0x1FF70]  }
0xa3: {  	v55 =	vadd.f32 v55, v62;
	v62 =	vperm.xlane v56, v3;
	v50 =	vadd.f32 v50, v54  }
0xa4: {  	v56 =	vperm.xlane v56, v4;
	v51 =	vadd.f32 v51, v53;
	v54 =	vadd.f32 v47, v52  }
0xa5: {  	v34 =	vmul.f32 v34, v59;
	v22 =	vadd.f32 $0.0e+00, v22;
	v23 =	vadd.f32 $0.0e+00, v23  }
0xa6: {  	v57 =	vadd.f32 v48, v55;
	v62 =	vmul.f32 v43, v62;
	v63 =	vmul.f32 v46, v56  }
0xa7: {  	v58 =	vadd.f32 v44, v50;
	v42 =	vadd.f32 v42, v51;
	v48 =	vmul.f32 v15, v49;
	v15 =	vld [tilespmem:$0x1FF80]  }
0xa8: {  	v38 =	vmul.f32 v38, v60;
	v40 =	vadd.f32 $0.0e+00, v62;
	v41 =	vadd.f32 $0.0e+00, v63  }
0xa9: {  	v19 =	vmul.f32 v31, v19;
	v20 =	vadd.f32 v20, v22;
	v21 =	vadd.f32 v21, v23  }
0xaa: {  	v46 =	vmul.f32 v30, v61;
	v47 =	vadd.f32 v34, v40;
	v30 =	vadd.f32 v38, v41  }
0xab: {  	v20 =	vadd.f32 v32, v20;
	v17 =	vadd.f32 v17, v21  }
0xac: {  	v22 =	vadd.f32 v46, v47;
	v19 =	vadd.f32 v19, v30;
	v49 =	vmul.f32 v15, v45  }
0xad: {  	v25 =	vmul.f32 v35, v25;
	v20 =	vadd.f32 v28, v20;
	v17 =	vadd.f32 v29, v17  }
0xae: {  	v21 =	vadd.f32 v48, v22;
	v19 =	vadd.f32 v49, v19  }
0xaf: {  	v50 =	vadd.f32 v39, v54;
	v51 =	vadd.f32 v25, v57  }
0xb0: {  	v17 =	vadd.f32 v17, v20;
	v19 =	vadd.f32 v19, v21  }
0xb1: {  	v52 =	vadd.f32 v51, v50;
	v20 =	vadd.f32 v42, v58  }
0xb2: {  	v17 =	vadd.f32 v19, v17  }
0xb3: {  	s4 =	sadd.s32 $0x80, s4;
	s24 =	sadd.s32 $0x10, s24;
	v19 =	vadd.f32 v52, v20  }
0xb4: {  	s3 =	sand.u32 $0x70, s0;
	s23 =	sadd.s32 $0x10, s23;
	s25 =	sand.u32 $0x3C00, s4;
	[tilespmem:s24+$0x0] =	vst v17  }
0xb5: {  	s25 =	sor.u32 s3, s25;
	[tilespmem:s23+$0x0] =	vst v19  }
0xb6: {  	v39 =	vld [tilespmem:s25+$0xE200]  }
0xb7: {  	v42 =	vld [tilespmem:s25+$0xE280]  }
0xb8: {  	v46 =	vld [tilespmem:s25+$0xE000]  }
0xb9: {  	v49 =	vld [tilespmem:s25+$0xE180]  }
0xba: {  	v21 =	vld [tilespmem:s25+$0xA200]  }
0xbb: {  	v44 =	vld [tilespmem:$0x1BA20]  }
0xbc: {  	v22 =	vld [tilespmem:s25+$0xA300]  }
0xbd: {  	v55 =	vld [tilespmem:s25+$0xA380];
	_ =	sdelay $0x1  }
0xbe: {  	v17 =	vshrl.u32 v39, $0x10;
	v19 =	vshrl.u32 v42, $0x10;
	v20 =	vshrl.u32 v46, $0x10  }
0xbf: {  	v53 =	vshrl.u32 v49, $0x10;
	v54 =	vshrl.u32 v21, $0x10;
	v50 =	vperm.xlane v44, v13  }
0xc0: {  	v57 =	vshrl.u32 v22, $0x10;
	v51 =	vperm.xlane v44, v14;
	v52 =	vperm.xlane v44, v8  }
0xc1: {  	v60 =	vshrl.u32 v55, $0x10;
	v24 =	vperm.xlane v44, v1;
	v27 =	vperm.xlane v44, v3  }
0xc2: {  	v48 =	vld [tilespmem:s25+$0xE100];
	v28 =	vperm.xlane v44, v4;
	v17 =	vand.u32 $0x1, v17;
	v19 =	vand.u32 $0x1, v19  }
0xc3: {  	v45 =	vld [tilespmem:s25+$0xE300];
	v20 =	vand.u32 $0x1, v20;
	v23 =	vand.u32 $0x1, v53;
	v35 =	vand.u32 $0x1, v57  }
0xc4: {  	v25 =	vld [tilespmem:s25+$0xE380];
	v53 =	vperm.xlane v44, v9;
	v17 =	vadd.s32 v17, v39;
	v19 =	vadd.s32 v19, v42  }
0xc5: {  	v20 =	vadd.s32 v20, v46;
	v23 =	vadd.s32 v23, v49;
	v17 =	vadd.s32 $0x7FFF, v17  }
0xc6: {  	v35 =	vadd.s32 v35, v22;
	v20 =	vadd.s32 $0x7FFF, v20;
	v15 =	vand.u32 $0xFFFF0000, v17  }
0xc7: {  	v47 =	vld [tilespmem:s25+$0xE080];
	v17 =	vadd.s32 $0x7FFF, v19;
	v32 =	vand.u32 $0xFFFF0000, v20;
	v20 =	vshrl.u32 v48, $0x10  }
0xc8: {  	v57 =	vld [tilespmem:s25+$0xA180];
	v29 =	vand.u32 $0xFFFF0000, v17;
	v17 =	vshrl.u32 v45, $0x10;
	v20 =	vand.u32 $0x1, v20  }
0xc9: {  	v19 =	vshrl.u32 v25, $0x10;
	v17 =	vand.u32 $0x1, v17;
	v20 =	vadd.s32 v20, v48  }
0xca: {  	v19 =	vand.u32 $0x1, v19;
	v17 =	vadd.s32 v17, v45;
	v20 =	vadd.s32 $0x7FFF, v20  }
0xcb: {  	v19 =	vadd.s32 v19, v25;
	v17 =	vadd.s32 $0x7FFF, v17;
	v30 =	vand.u32 $0xFFFF0000, v20;
	v20 =	vld [tilespmem:s25+$0xA000]  }
0xcc: {  	v42 =	vmul.f32 v50, v42;
	[tilespmem:$0x1FF60] =	vst v15;
	v19 =	vadd.s32 $0x7FFF, v19;
	v15 =	vand.u32 $0xFFFF0000, v17;
	v17 =	vld [tilespmem:s25+$0xA280]  }
0xcd: {  	v26 =	vshrl.u32 v57, $0x10;
	[tilespmem:$0x1FF70] =	vst v15;
	v15 =	vand.u32 $0xFFFF0000, v19;
	v19 =	vshrl.u32 v47, $0x10  }
0xce: {  	v50 =	vmul.f32 v52, v46;
	v26 =	vand.u32 $0x1, v26;
	v19 =	vand.u32 $0x1, v19  }
0xcf: {  	v58 =	vadd.s32 $0x7FFF, v35;
	v26 =	vadd.s32 v26, v57;
	v19 =	vadd.s32 v19, v47  }
0xd0: {  	[tilespmem:$0x1FF80] =	vst v15;
	v15 =	vperm.xlane v44, v0;
	v19 =	vadd.s32 $0x7FFF, v19;
	v59 =	vshrl.u32 v20, $0x10  }
0xd1: {  	v33 =	vand.u32 $0xFFFF0000, v19;
	v19 =	vadd.s32 $0x7FFF, v23;
	v56 =	vshrl.u32 v17, $0x10  }
0xd2: {  	v23 =	vand.u32 $0x1, v54;
	v35 =	vand.u32 $0x1, v59;
	v54 =	vperm.xlane v44, v10  }
0xd3: {  	v59 =	vperm.xlane v44, v2;
	v31 =	vand.u32 $0xFFFF0000, v19;
	v34 =	vand.u32 $0x1, v56  }
0xd4: {  	v19 =	vld [tilespmem:s25+$0xA080];
	v23 =	vadd.s32 v23, v21;
	v35 =	vadd.s32 v35, v20;
	v20 =	vmul.f32 v24, v20  }
0xd5: {  	v56 =	vld [tilespmem:s25+$0xA100];
	v34 =	vadd.s32 v34, v17;
	v23 =	vadd.s32 $0x7FFF, v23;
	v35 =	vadd.s32 $0x7FFF, v35  }
0xd6: {  	v34 =	vadd.s32 $0x7FFF, v34;
	v36 =	vand.u32 $0xFFFF0000, v23;
	v23 =	vand.u32 $0x1, v60  }
0xd7: {  	v40 =	vand.u32 $0xFFFF0000, v35;
	v35 =	vperm.xlane v44, v18;
	v60 =	vperm.xlane v44, v5  }
0xd8: {  	v37 =	vand.u32 $0xFFFF0000, v34;
	v34 =	vand.u32 $0xFFFF0000, v58;
	v23 =	vadd.s32 v23, v55  }
0xd9: {  	v58 =	vperm.xlane v44, v11;
	v23 =	vadd.s32 $0x7FFF, v23;
	v61 =	vshrl.u32 v19, $0x10  }
0xda: {  	v63 =	vshrl.u32 v56, $0x10;
	v15 =	vmul.f32 v15, v19;
	v38 =	vand.u32 $0x1, v61  }
0xdb: {  	v43 =	vand.u32 $0x1, v63;
	v61 =	vperm.xlane v44, v6;
	v63 =	vld [tilespmem:$0x1BA00];
	v38 =	vadd.s32 v38, v19  }
0xdc: {  	v43 =	vadd.s32 v43, v56;
	v19 =	vmul.f32 v27, v56;
	v62 =	vadd.s32 $0x7FFF, v38  }
0xdd: {  	v38 =	vand.u32 $0xFFFF0000, v23;
	v23 =	vperm.xlane v44, v12;
	v43 =	vadd.s32 $0x7FFF, v43  }
0xde: {  	v52 =	vmul.f32 v61, v22;
	v61 =	vadd.f32 $0.0e+00, v20;
	v41 =	vand.u32 $0xFFFF0000, v62  }
0xdf: {  	v43 =	vand.u32 $0xFFFF0000, v43;
	v62 =	vperm.xlane v44, v7;
	v44 =	vmul.f32 v23, v39  }
0xe0: {  	v39 =	vmul.f32 v51, v45;
	v51 =	vmul.f32 v53, v47;
	v45 =	vshrl.u32 v63, $0x10  }
0xe1: {  	p0 =	seq.s32 s0, $0x7F0;
	v47 =	vmul.f32 v54, v48;
	v54 =	vmul.f32 v59, v21;
	v59 =	vand.u32 $0x1, v45  }
.Ltmp0:
0xe2: {  	v23 =	vadd.s32 $0x7FFF, v26;
	v53 =	vmul.f32 v60, v17;
	v17 =	vadd.s32 v59, v63;
	(pc) =	sbr.rel @!p0 .LBB2_3-.Ltmp0, $4  }
0xe3: {  	v48 =	vmul.f32 v58, v49;
	v60 =	vadd.f32 $0.0e+00, v19;
	v17 =	vadd.s32 $0x7FFF, v17  }
0xe4: {  	v55 =	vmul.f32 v62, v55;
	v62 =	vmul.f32 v28, v57;
	v56 =	vand.u32 $0xFFFF0000, v17  }
0xe5: {  	v46 =	vand.u32 $0xFFFF0000, v23;
	v57 =	vperm.xlane v56, v12;
	v58 =	vperm.xlane v56, v13  }
0xe6: {  	s0 =	sadd.s32 $0x10, s0;
	v59 =	vadd.f32 $0.0e+00, v15;
	v49 =	vperm.xlane v56, v14;
	v45 =	vperm.xlane v56, v18  }
0xe7: {  	v17 =	vperm.xlane v56, v8;
	v19 =	vperm.xlane v56, v9  }
0xe8: {  	v21 =	vperm.xlane v56, v10;
	v22 =	vperm.xlane v56, v11  }
0xe9: {  	v23 =	vperm.xlane v56, v2;
	v24 =	vperm.xlane v56, v5  }
0xea: {  	v27 =	vperm.xlane v56, v6;
	v28 =	vadd.f32 v52, v60;
	v52 =	vperm.xlane v56, v7  }
0xeb: {  	v20 =	vadd.f32 v54, v61;
	v60 =	vperm.xlane v56, v0;
	v61 =	vperm.xlane v56, v3  }
0xec: {  	v15 =	vadd.f32 $0.0e+00, v62;
	v62 =	vperm.xlane v56, v4;
	v29 =	vmul.f32 v29, v58  }
0xed: {  	v26 =	vadd.f32 v53, v59;
	v53 =	vperm.xlane v56, v1;
	v17 =	vmul.f32 v32, v17  }
0xee: {  	v15 =	vadd.f32 v55, v15;
	v19 =	vmul.f32 v33, v19;
	v23 =	vmul.f32 v36, v23  }
0xef: {  	v63 =	vld [tilespmem:$0x1FF60];
	v20 =	vadd.f32 v50, v20;
	v24 =	vmul.f32 v37, v24;
	v54 =	vmul.f32 v41, v60  }
0xf0: {  	v28 =	vadd.f32 v47, v28;
	v55 =	vmul.f32 v43, v61;
	v56 =	vmul.f32 v46, v62  }
0xf1: {  	v27 =	vmul.f32 v34, v27;
	v26 =	vadd.f32 v51, v26;
	v15 =	vadd.f32 v48, v15  }
0xf2: {  	v62 =	vld [tilespmem:$0x1FF80];
	v53 =	vmul.f32 v40, v53;
	v20 =	vadd.f32 v44, v20;
	v33 =	vadd.f32 $0.0e+00, v54  }
0xf3: {  	v59 =	vmul.f32 v38, v52;
	v61 =	vld [tilespmem:$0x1FF70];
	v58 =	vadd.f32 $0.0e+00, v56;
	v26 =	vadd.f32 v42, v26  }
0xf4: {  	v50 =	vmul.f32 v63, v57;
	v32 =	vadd.f32 $0.0e+00, v53;
	v57 =	vadd.f32 $0.0e+00, v55  }
0xf5: {  	v22 =	vmul.f32 v31, v22;
	v24 =	vadd.f32 v24, v33;
	v60 =	vadd.f32 v59, v58  }
0xf6: {  	v21 =	vmul.f32 v30, v21;
	v23 =	vadd.f32 v23, v32;
	v27 =	vadd.f32 v27, v57  }
0xf7: {  	v19 =	vadd.f32 v19, v24;
	v22 =	vadd.f32 v22, v60;
	v24 =	vmul.f32 v62, v45  }
0xf8: {  	v17 =	vadd.f32 v17, v23;
	v23 =	vmul.f32 v61, v49;
	v21 =	vadd.f32 v21, v27  }
0xf9: {  	v25 =	vmul.f32 v35, v25;
	v19 =	vadd.f32 v29, v19;
	v22 =	vadd.f32 v24, v22  }
0xfa: {  	v17 =	vadd.f32 v50, v17;
	v21 =	vadd.f32 v23, v21  }
0xfb: {  	v63 =	vadd.f32 v39, v28;
	v15 =	vadd.f32 v25, v15  }
0xfc: {  	v17 =	vadd.f32 v19, v17;
	v19 =	vadd.f32 v22, v21  }
0xfd: {  	v20 =	vadd.f32 v26, v20;
	v15 =	vadd.f32 v15, v63  }
0xfe: {  	v17 =	vadd.f32 v19, v17  }
0xff: {  	s0 =	sadd.s32 $0x10, s24;
	v15 =	vadd.f32 v15, v20  }
0x100: {  	s31 =	sadd.s32 $0x10, s23;
	[tilespmem:s0+$0x0] =	vst v17  }
0x101: {  	s23 =	sshll.u32 s21, $0x4;
	s24 =	simm.s32 $0x0;
	s25 =	simm.s32 $0x0;
	[tilespmem:s31+$0x0] =	vst v15  }
.LBB2_5:
0x102: {  	s0 =	sadd.s32 s23, s25  }
0x103: {  	p0 =	sgt.u32 s0, $0x7E  }
0x104: {  	s0 =	sadd.s32 @!p0 $0x1, s0  }
0x105: {  	s26 =	sand.u32 $0x1, s25;
	s3 =	sshll.u32 @!p0 s0, $0x7  }
0x106: {  	s30 =	smul.u32 $0x14000, s26;
	s0 =	sshrl.u32 @!p0 s0, $0x4;
	s3 =	sand.u32 @!p0 $0x780, s3  }
0x107: {  	s4 =	sadd.s32 $0x1, s26;
	s0 =	smul.u32 @!p0 $0xA00000, s0;
	s3 =	sor.u32 @!p0 s8, s3  }
0x108: {  	_ =	swait.ge [sflag:s4], $0x5000;
	s3 =	smul.u32 @!p0 $0x50, s3  }
0x109: {  	s28 =	sxor.u32 @!p0 $0x1, s26;
	s29 =	simm.s32 @!p0 $0x500000;
	[sflag:s4] =	ssyncset.done $0x0  }
0x10a: {  	s30 =	sshrl.u32 s30, $0x2;
	s0 =	sadd.s32 @!p0 s0, s3;
	s3 =	smul.u32 @!p0 $0x14000, s28  }
0x10b: {  	[sflag:s4] =	ssyncadd.s32 $0xFFFFB000;
	s4 =	sadd.s32 @!p0 $0x1, s28;
	s0 =	sshrl.u32 @!p0 s0, $0x3  }
0x10c: {  	s28 =	simm.s32 @!p0 $0x2800;
	s3 =	sshrl.u32 @!p0 s3, $0x2;
	s0 =	sadd.s32 @!p0 s1, s0  }
0x10d: {  	[tilespmem:s3], [sflag:s4] =	stream.strided.gather @!p0 [hbm4b:s0+s28], $0x5000, s29, s28, $0x38;
	[tilespmem:$0x1BA80] =	vst v63  }
0x10e: {  	s31 =	sadd.s32 $0x2800, s30;
	s3 =	sand.u32 $0x3C00, s24  }
0x10f: {  	s12 =	sand.u32 $0x70, s24;
	s13 =	sadd.s32 s3, s31  }
0x110: {  	v42 =	vld [tilespmem:$0x1BA30];
	s4 =	sadd.s32 s12, s13  }
0x111: {  	v15 =	vld [tilespmem:s4+$0x200]  }
0x112: {  	v17 =	vld [tilespmem:s4+$0x280]  }
0x113: {  	v19 =	vld [tilespmem:s4+$0x300]  }
0x114: {  	v25 =	vld [tilespmem:s4+$0x380]  }
0x115: {  	v21 =	vld [tilespmem:s4+$0x0]  }
0x116: {  	s0 =	sadd.s32 s3, s30;
	v63 =	vld [tilespmem:s4+$0x100]  }
0x117: {  	s0 =	sadd.s32 s12, s0;
	v32 =	vld [tilespmem:s4+$0x180]  }
0x118: {  	v33 =	vld [tilespmem:s0+$0x200];
	v46 =	vperm.xlane v42, v12;
	v47 =	vperm.xlane v42, v13  }
0x119: {  	v34 =	vld [tilespmem:s0+$0x300];
	v48 =	vperm.xlane v42, v14;
	v49 =	vperm.xlane v42, v8  }
0x11a: {  	v36 =	vld [tilespmem:s0+$0x380];
	v50 =	vperm.xlane v42, v9;
	v52 =	vperm.xlane v42, v10  }
0x11b: {  	v40 =	vld [tilespmem:s0+$0x80];
	v56 =	vperm.xlane v42, v11;
	v58 =	vperm.xlane v42, v2  }
0x11c: {  	v51 =	vld [tilespmem:s0+$0x100];
	v59 =	vperm.xlane v42, v5;
	v16 =	vperm.xlane v42, v1  }
0x11d: {  	v53 =	vperm.xlane v42, v7;
	v54 =	vperm.xlane v42, v0  }
0x11e: {  	v20 =	vshrl.u32 v15, $0x10;
	v22 =	vshrl.u32 v17, $0x10;
	v55 =	vshrl.u32 v19, $0x10  }
0x11f: {  	v24 =	vshrl.u32 v25, $0x10;
	v26 =	vshrl.u32 v21, $0x10;
	v31 =	vshrl.u32 v63, $0x10  }
0x120: {  	v35 =	vshrl.u32 v32, $0x10;
	v38 =	vshrl.u32 v33, $0x10;
	v41 =	vshrl.u32 v34, $0x10  }
0x121: {  	v44 =	vshrl.u32 v36, $0x10;
	v45 =	vshrl.u32 v40, $0x10;
	v60 =	vshrl.u32 v51, $0x10  }
0x122: {  	v20 =	vand.u32 $0x1, v20;
	v22 =	vand.u32 $0x1, v22;
	v24 =	vand.u32 $0x1, v24  }
0x123: {  	v26 =	vand.u32 $0x1, v26;
	v31 =	vand.u32 $0x1, v31;
	v35 =	vand.u32 $0x1, v35  }
0x124: {  	v38 =	vand.u32 $0x1, v38;
	v41 =	vand.u32 $0x1, v41;
	v44 =	vand.u32 $0x1, v44  }
0x125: {  	v45 =	vand.u32 $0x1, v45;
	v20 =	vadd.s32 v20, v15;
	v22 =	vadd.s32 v22, v17  }
0x126: {  	v24 =	vadd.s32 v24, v25;
	v26 =	vadd.s32 v26, v21;
	v31 =	vadd.s32 v31, v63  }
0x127: {  	v35 =	vadd.s32 v35, v32;
	v38 =	vadd.s32 v38, v33;
	v15 =	vmul.f32 v46, v15  }
0x128: {  	v41 =	vadd.s32 v41, v34;
	v17 =	vmul.f32 v47, v17;
	v21 =	vmul.f32 v49, v21  }
0x129: {  	v44 =	vadd.s32 v44, v36;
	v33 =	vmul.f32 v58, v33;
	v32 =	vmul.f32 v56, v32  }
0x12a: {  	v57 =	vld [tilespmem:$0x1BA10];
	v45 =	vadd.s32 v45, v40;
	v49 =	vperm.xlane v42, v18;
	v36 =	vmul.f32 v53, v36  }
0x12b: {  	v40 =	vmul.f32 v54, v40;
	v56 =	vperm.xlane v42, v3;
	v20 =	vadd.s32 $0x7FFF, v20  }
0x12c: {  	v23 =	vld [tilespmem:s4+$0x80];
	v62 =	vadd.s32 $0x7FFF, v22;
	v24 =	vadd.s32 $0x7FFF, v24;
	v30 =	vadd.s32 $0x7FFF, v26  }
0x12d: {  	v31 =	vadd.s32 $0x7FFF, v31;
	v38 =	vadd.s32 $0x7FFF, v38;
	v41 =	vadd.s32 $0x7FFF, v41  }
0x12e: {  	v61 =	vld [tilespmem:s0+$0x180];
	v44 =	vadd.s32 $0x7FFF, v44;
	v45 =	vadd.s32 $0x7FFF, v45;
	v22 =	vmul.f32 v52, v63  }
0x12f: {  	v63 =	vshrl.u32 v57, $0x10;
	v28 =	vand.u32 $0xFFFF0000, v20;
	v29 =	vand.u32 $0xFFFF0000, v62  }
0x130: {  	v20 =	vand.u32 $0x1, v55;
	v26 =	vand.u32 $0xFFFF0000, v24;
	v24 =	vand.u32 $0xFFFF0000, v30  }
0x131: {  	v30 =	vshrl.u32 v23, $0x10;
	v38 =	vand.u32 $0xFFFF0000, v38;
	v41 =	vand.u32 $0xFFFF0000, v41  }
0x132: {  	v44 =	vand.u32 $0xFFFF0000, v44;
	v62 =	vperm.xlane v42, v6;
	v46 =	vand.u32 $0x1, v63  }
0x133: {  	v55 =	vshrl.u32 v61, $0x10;
	v42 =	vperm.xlane v42, v4;
	v40 =	vadd.f32 $0.0e+00, v40  }
0x134: {  	v45 =	vand.u32 $0xFFFF0000, v45;
	v20 =	vadd.s32 v20, v19;
	v30 =	vand.u32 $0x1, v30  }
0x135: {  	v19 =	vmul.f32 v48, v19;
	v46 =	vadd.s32 v46, v57;
	v47 =	vand.u32 $0x1, v55  }
0x136: {  	v48 =	vmul.f32 v56, v51;
	v20 =	vadd.s32 $0x7FFF, v20;
	v30 =	vadd.s32 v30, v23  }
0x137: {  	v23 =	vmul.f32 v50, v23;
	v34 =	vmul.f32 v62, v34;
	v50 =	vand.u32 $0x1, v60  }
0x138: {  	v47 =	vadd.s32 v47, v61;
	v46 =	vadd.s32 $0x7FFF, v46;
	v42 =	vmul.f32 v42, v61  }
0x139: {  	v27 =	vand.u32 $0xFFFF0000, v20;
	v30 =	vadd.s32 $0x7FFF, v30;
	v50 =	vadd.s32 v50, v51  }
0x13a: {  	v46 =	vand.u32 $0xFFFF0000, v46;
	v48 =	vadd.f32 $0.0e+00, v48;
	v47 =	vadd.s32 $0x7FFF, v47  }
0x13b: {  	v37 =	vand.u32 $0xFFFF0000, v30;
	v30 =	vand.u32 $0xFFFF0000, v31;
	v31 =	vadd.s32 $0x7FFF, v35  }
0x13c: {  	v57 =	vperm.xlane v46, v12;
	v58 =	vperm.xlane v46, v13;
	v42 =	vadd.f32 $0.0e+00, v42  }
0x13d: {  	v20 =	vld [tilespmem:s0+$0x280];
	v60 =	vperm.xlane v46, v9;
	v61 =	vperm.xlane v46, v2;
	v50 =	vadd.s32 $0x7FFF, v50  }
0x13e: {  	v35 =	vld [tilespmem:s0+$0x0];
	v62 =	vperm.xlane v46, v5;
	v63 =	vperm.xlane v46, v6;
	v47 =	vand.u32 $0xFFFF0000, v47  }
0x13f: {  	v56 =	vperm.xlane v46, v1;
	v31 =	vand.u32 $0xFFFF0000, v31;
	v28 =	vmul.f32 v28, v57  }
0x140: {  	v34 =	vadd.f32 v34, v48;
	v29 =	vmul.f32 v29, v58;
	v37 =	vmul.f32 v37, v60  }
0x141: {  	v36 =	vadd.f32 v36, v42;
	v42 =	vperm.xlane v46, v7;
	v38 =	vmul.f32 v38, v61  }
0x142: {  	v50 =	vand.u32 $0xFFFF0000, v50;
	v57 =	vperm.xlane v46, v0;
	v58 =	vperm.xlane v46, v3  }
0x143: {  	v22 =	vadd.f32 v22, v34;
	v39 =	vshrl.u32 v20, $0x10;
	v43 =	vshrl.u32 v35, $0x10  }
0x144: {  	v34 =	vmul.f32 v45, v57;
	v39 =	vand.u32 $0x1, v39;
	v43 =	vand.u32 $0x1, v43  }
0x145: {  	v39 =	vadd.s32 v39, v20;
	v43 =	vadd.s32 v43, v35;
	v35 =	vmul.f32 v16, v35  }
0x146: {  	v20 =	vmul.f32 v59, v20;
	v59 =	vperm.xlane v46, v8;
	v39 =	vadd.s32 $0x7FFF, v39  }
0x147: {  	v34 =	vadd.f32 $0.0e+00, v34;
	v39 =	vand.u32 $0xFFFF0000, v39;
	v35 =	vadd.f32 $0.0e+00, v35  }
0x148: {  	v43 =	vadd.s32 $0x7FFF, v43;
	v20 =	vadd.f32 v20, v40;
	v40 =	vperm.xlane v46, v18  }
0x149: {  	v43 =	vand.u32 $0xFFFF0000, v43;
	v39 =	vmul.f32 v39, v62;
	v33 =	vadd.f32 v33, v35  }
0x14a: {  	v20 =	vadd.f32 v23, v20;
	v23 =	vperm.xlane v46, v11;
	v35 =	vperm.xlane v46, v14  }
0x14b: {  	v21 =	vadd.f32 v21, v33;
	v33 =	vperm.xlane v46, v10;
	v46 =	vperm.xlane v46, v4  }
0x14c: {  	v32 =	vadd.f32 v32, v36;
	v24 =	vmul.f32 v24, v59;
	v59 =	vmul.f32 v43, v56  }
0x14d: {  	v60 =	vmul.f32 v50, v58;
	v34 =	vadd.f32 v39, v34;
	v61 =	vmul.f32 v47, v46  }
0x14e: {  	v63 =	vmul.f32 v41, v63;
	v62 =	vadd.f32 $0.0e+00, v59;
	v15 =	vadd.f32 v15, v21  }
0x14f: {  	v42 =	vmul.f32 v44, v42;
	v21 =	vadd.f32 $0.0e+00, v60;
	v16 =	vadd.f32 $0.0e+00, v61  }
0x150: {  	v17 =	vadd.f32 v17, v20;
	v23 =	vmul.f32 v31, v23;
	v20 =	vadd.f32 v38, v62  }
0x151: {  	v30 =	vmul.f32 v30, v33;
	v21 =	vadd.f32 v63, v21;
	v36 =	vadd.f32 v42, v16  }
0x152: {  	v26 =	vmul.f32 v26, v40;
	v20 =	vadd.f32 v24, v20;
	v24 =	vadd.f32 v37, v34  }
0x153: {  	v27 =	vmul.f32 v27, v35;
	v21 =	vadd.f32 v30, v21;
	v23 =	vadd.f32 v23, v36  }
0x154: {  	v25 =	vmul.f32 v49, v25;
	v20 =	vadd.f32 v28, v20;
	v24 =	vadd.f32 v29, v24  }
0x155: {  	v21 =	vadd.f32 v27, v21;
	v23 =	vadd.f32 v26, v23  }
0x156: {  	v19 =	vadd.f32 v19, v22;
	v38 =	vadd.f32 v25, v32  }
0x157: {  	v20 =	vadd.f32 v24, v20;
	v21 =	vadd.f32 v23, v21  }
0x158: {  	v39 =	vadd.f32 v38, v19;
	v15 =	vadd.f32 v17, v15  }
0x159: {  	s4 =	simm.s32 $0x80;
	v40 =	vadd.f32 v21, v20  }
0x15a: {  	s29 =	simm.s32 $0x1A000;
	s12 =	simm.s32 $0x10;
	s13 =	sand.u32 $0x3C00, s4;
	v15 =	vadd.f32 v39, v15  }
0x15b: {  	s28 =	simm.s32 $0x1A500;
	s0 =	sand.u32 $0x70, s12;
	s12 =	sadd.s32 s13, s31;
	[tilespmem:s29+$0x0] =	vst v40  }
0x15c: {  	s12 =	sadd.s32 s0, s12;
	[tilespmem:s28+$0x0] =	vst v15  }
0x15d: {  	v15 =	vld [tilespmem:s12+$0x200]  }
0x15e: {  	v17 =	vld [tilespmem:s12+$0x280]  }
0x15f: {  	v19 =	vld [tilespmem:s12+$0x300]  }
0x160: {  	v25 =	vld [tilespmem:s12+$0x380]  }
0x161: {  	s3 =	sadd.s32 s13, s30;
	v21 =	vld [tilespmem:s12+$0x0]  }
0x162: {  	s0 =	sadd.s32 s0, s3;
	v37 =	vld [tilespmem:s12+$0x180]  }
0x163: {  	v46 =	vld [tilespmem:s0+$0x200]  }
0x164: {  	v48 =	vld [tilespmem:s0+$0x300]  }
0x165: {  	v54 =	vld [tilespmem:$0x1BA30]  }
0x166: {  	v52 =	vld [tilespmem:s0+$0x0]  }
0x167: {  	v50 =	vld [tilespmem:s0+$0x380]  }
0x168: {  	v41 =	vshrl.u32 v15, $0x10;
	v42 =	vshrl.u32 v17, $0x10;
	v44 =	vshrl.u32 v19, $0x10  }
0x169: {  	v24 =	vshrl.u32 v25, $0x10;
	v26 =	vshrl.u32 v21, $0x10;
	v31 =	vshrl.u32 v37, $0x10  }
0x16a: {  	v45 =	vshrl.u32 v46, $0x10;
	v49 =	vshrl.u32 v48, $0x10;
	v62 =	vperm.xlane v54, v12  }
0x16b: {  	v55 =	vld [tilespmem:s0+$0x100];
	v59 =	vshrl.u32 v52, $0x10;
	v63 =	vperm.xlane v54, v13;
	v53 =	vperm.xlane v54, v10  }
0x16c: {  	v60 =	vshrl.u32 v50, $0x10;
	v2 =	vperm.xlane v54, v2;
	v10 =	vperm.xlane v54, v5  }
0x16d: {  	v20 =	vand.u32 $0x1, v41;
	v22 =	vand.u32 $0x1, v42;
	v24 =	vand.u32 $0x1, v24  }
0x16e: {  	v26 =	vand.u32 $0x1, v26;
	v31 =	vand.u32 $0x1, v31;
	v34 =	vand.u32 $0x1, v45  }
0x16f: {  	v36 =	vand.u32 $0x1, v49;
	v38 =	vand.u32 $0x1, v59;
	v39 =	vand.u32 $0x1, v60  }
0x170: {  	v59 =	vperm.xlane v54, v8;
	v60 =	vperm.xlane v54, v9;
	v8 =	vshrl.u32 v55, $0x10  }
0x171: {  	v20 =	vadd.s32 v20, v15;
	v22 =	vadd.s32 v22, v17;
	v24 =	vadd.s32 v24, v25  }
0x172: {  	v23 =	vld [tilespmem:s12+$0x80];
	v26 =	vadd.s32 v26, v21;
	v31 =	vadd.s32 v31, v37;
	v34 =	vadd.s32 v34, v46  }
0x173: {  	v57 =	vadd.s32 v36, v48;
	v38 =	vadd.s32 v38, v52;
	v39 =	vadd.s32 v39, v50  }
0x174: {  	v42 =	vmul.f32 v63, v17;
	v20 =	vadd.s32 $0x7FFF, v20;
	v43 =	vadd.s32 $0x7FFF, v22  }
0x175: {  	v24 =	vadd.s32 $0x7FFF, v24;
	v30 =	vadd.s32 $0x7FFF, v26;
	v34 =	vadd.s32 $0x7FFF, v34  }
0x176: {  	v9 =	vld [tilespmem:s0+$0x180];
	v58 =	vadd.s32 $0x7FFF, v57;
	v38 =	vadd.s32 $0x7FFF, v38;
	v28 =	vand.u32 $0xFFFF0000, v20  }
0x177: {  	v22 =	vld [tilespmem:s12+$0x100];
	v20 =	vand.u32 $0x1, v44;
	v26 =	vand.u32 $0xFFFF0000, v24;
	v24 =	vshrl.u32 v23, $0x10  }
0x178: {  	v63 =	vld [tilespmem:$0x1BA10];
	v39 =	vadd.s32 $0x7FFF, v39;
	v20 =	vadd.s32 v20, v19;
	v24 =	vand.u32 $0x1, v24  }
0x179: {  	v45 =	vmul.f32 v59, v21;
	v20 =	vadd.s32 $0x7FFF, v20;
	v24 =	vadd.s32 v24, v23  }
0x17a: {  	v29 =	vand.u32 $0xFFFF0000, v43;
	v27 =	vand.u32 $0xFFFF0000, v20;
	v20 =	vld [tilespmem:s0+$0x280];
	v24 =	vadd.s32 $0x7FFF, v24  }
0x17b: {  	v32 =	vand.u32 $0xFFFF0000, v30;
	v33 =	vand.u32 $0xFFFF0000, v24;
	v24 =	vadd.s32 $0x7FFF, v31  }
0x17c: {  	v43 =	vmul.f32 v62, v15;
	v30 =	vshrl.u32 v22, $0x10;
	v31 =	vand.u32 $0xFFFF0000, v24;
	v24 =	vld [tilespmem:s0+$0x80]  }
0x17d: {  	v59 =	vshrl.u32 v9, $0x10;
	v56 =	vshrl.u32 v63, $0x10;
	v30 =	vand.u32 $0x1, v30  }
0x17e: {  	v44 =	vmul.f32 v53, v22;
	v53 =	vmul.f32 v2, v46;
	v30 =	vadd.s32 v30, v22  }
0x17f: {  	v46 =	vperm.xlane v54, v7;
	v30 =	vadd.s32 $0x7FFF, v30;
	v47 =	vshrl.u32 v20, $0x10  }
0x180: {  	v30 =	vand.u32 $0xFFFF0000, v30;
	v49 =	vmul.f32 v10, v20;
	v35 =	vand.u32 $0x1, v47  }
0x181: {  	v35 =	vadd.s32 v35, v20;
	v61 =	vshrl.u32 v24, $0x10;
	v20 =	vand.u32 $0x1, v56  }
0x182: {  	v51 =	vadd.s32 $0x7FFF, v35;
	v35 =	vand.u32 $0xFFFF0000, v34;
	v34 =	vand.u32 $0xFFFF0000, v58  }
0x183: {  	v40 =	vand.u32 $0x1, v61;
	v58 =	vperm.xlane v54, v14;
	v61 =	vperm.xlane v54, v11  }
0x184: {  	v11 =	vperm.xlane v54, v6;
	v17 =	vadd.s32 v20, v63;
	v63 =	vperm.xlane v54, v4  }
0x185: {  	v36 =	vand.u32 $0xFFFF0000, v51;
	v57 =	vadd.s32 v40, v24;
	v40 =	vand.u32 $0xFFFF0000, v38  }
0x186: {  	v38 =	vand.u32 $0xFFFF0000, v39;
	v51 =	vmul.f32 v60, v23;
	v17 =	vadd.s32 $0x7FFF, v17  }
0x187: {  	v62 =	vadd.s32 $0x7FFF, v57;
	v39 =	vmul.f32 v58, v19;
	v47 =	vmul.f32 v61, v37  }
0x188: {  	v19 =	vand.u32 $0x1, v8;
	v48 =	vmul.f32 v11, v48;
	v57 =	vperm.xlane v54, v1  }
0x189: {  	v58 =	vperm.xlane v54, v0;
	v37 =	vperm.xlane v54, v18;
	v61 =	vand.u32 $0x1, v59  }
0x18a: {  	v41 =	vand.u32 $0xFFFF0000, v62;
	v19 =	vadd.s32 v19, v55;
	v62 =	vperm.xlane v54, v3  }
0x18b: {  	v54 =	vand.u32 $0xFFFF0000, v17;
	v21 =	vmul.f32 v57, v52;
	v52 =	vmul.f32 v46, v50  }
0x18c: {  	v60 =	vadd.s32 $0x7FFF, v19;
	v20 =	vmul.f32 v58, v24;
	v19 =	vadd.s32 v61, v9  }
0x18d: {  	v56 =	vperm.xlane v54, v13;
	v46 =	vand.u32 $0xFFFF0000, v60;
	v59 =	vmul.f32 v62, v55  }
0x18e: {  	v19 =	vadd.s32 $0x7FFF, v19;
	v60 =	vmul.f32 v63, v9;
	v55 =	vperm.xlane v54, v12  }
0x18f: {  	s0 =	simm.s32 $0x20;
	v50 =	vand.u32 $0xFFFF0000, v19;
	v58 =	vadd.f32 $0.0e+00, v21;
	v57 =	vadd.f32 $0.0e+00, v20  }
.LBB2_6:
0x190: {  	v15 =	vadd.f32 $0.0e+00, v59;
	v5 =	vimm.s32 $0xE;
	v12 =	vimm.s32 $0xF  }
0x191: {  	v6 =	vimm.s32 $0x8;
	v11 =	vimm.s32 $0x9;
	v10 =	vimm.s32 $0xA  }
0x192: {  	v9 =	vimm.s32 $0xB;
	v14 =	vimm.s32 $0x4;
	v7 =	vimm.s32 $0x5  }
0x193: {  	v8 =	vimm.s32 $0x6;
	v4 =	vimm.s32 $0x7;
	v3 =	vimm.s32 $0x0  }
0x194: {  	v0 =	vimm.s32 $0x1;
	v1 =	vimm.s32 $0x2;
	v17 =	vperm.xlane v54, v5  }
0x195: {  	v2 =	vimm.s32 $0x3;
	v19 =	vperm.xlane v54, v12;
	v21 =	vperm.xlane v54, v6  }
0x196: {  	v20 =	vadd.f32 $0.0e+00, v60;
	v22 =	vperm.xlane v54, v11;
	v24 =	vperm.xlane v54, v10  }
0x197: {  	v23 =	vadd.f32 v53, v58;
	v53 =	vperm.xlane v54, v9;
	v58 =	vperm.xlane v54, v14  }
0x198: {  	v59 =	vperm.xlane v54, v7;
	v49 =	vadd.f32 v49, v57;
	v57 =	vperm.xlane v54, v8  }
0x199: {  	v60 =	vperm.xlane v54, v3;
	v61 =	vperm.xlane v54, v0;
	v15 =	vadd.f32 v48, v15  }
0x19a: {  	v48 =	vperm.xlane v54, v4;
	v20 =	vadd.f32 v52, v20;
	v52 =	vperm.xlane v54, v1  }
0x19b: {  	v54 =	vperm.xlane v54, v2;
	v21 =	vmul.f32 v32, v21  }
0x19c: {  	v23 =	vadd.f32 v45, v23;
	v22 =	vmul.f32 v33, v22;
	v62 =	vmul.f32 v35, v58  }
0x19d: {  	v45 =	vadd.f32 v51, v49;
	v63 =	vmul.f32 v36, v59;
	v49 =	vmul.f32 v41, v61  }
0x19e: {  	v34 =	vmul.f32 v34, v57;
	v24 =	vmul.f32 v30, v24;
	v15 =	vadd.f32 v44, v15  }
0x19f: {  	v20 =	vadd.f32 v47, v20;
	v47 =	vmul.f32 v40, v60;
	v23 =	vadd.f32 v43, v23  }
0x1a0: {  	v51 =	vmul.f32 v46, v52;
	v52 =	vmul.f32 v50, v54;
	v42 =	vadd.f32 v42, v45  }
0x1a1: {  	v31 =	vmul.f32 v31, v53;
	v36 =	vadd.f32 $0.0e+00, v49;
	v35 =	vadd.f32 $0.0e+00, v47  }
0x1a2: {  	v38 =	vmul.f32 v38, v48;
	v40 =	vadd.f32 $0.0e+00, v51;
	v41 =	vadd.f32 $0.0e+00, v52  }
0x1a3: {  	v17 =	vmul.f32 v27, v17;
	v33 =	vadd.f32 v63, v36;
	v32 =	vadd.f32 v62, v35  }
0x1a4: {  	v28 =	vmul.f32 v28, v55;
	v30 =	vadd.f32 v34, v40;
	v54 =	vadd.f32 v38, v41  }
0x1a5: {  	v29 =	vmul.f32 v29, v56;
	v22 =	vadd.f32 v22, v33;
	v21 =	vadd.f32 v21, v32  }
0x1a6: {  	v19 =	vmul.f32 v26, v19;
	v24 =	vadd.f32 v24, v30;
	v27 =	vadd.f32 v31, v54  }
0x1a7: {  	v25 =	vmul.f32 v37, v25;
	v22 =	vadd.f32 v29, v22;
	v21 =	vadd.f32 v28, v21  }
0x1a8: {  	v17 =	vadd.f32 v17, v24;
	v19 =	vadd.f32 v19, v27  }
0x1a9: {  	v15 =	vadd.f32 v39, v15;
	v20 =	vadd.f32 v25, v20  }
0x1aa: {  	v21 =	vadd.f32 v22, v21;
	v17 =	vadd.f32 v19, v17  }
0x1ab: {  	v15 =	vadd.f32 v20, v15;
	v19 =	vadd.f32 v42, v23  }
0x1ac: {  	s4 =	sadd.s32 $0x80, s4;
	v17 =	vadd.f32 v17, v21  }
0x1ad: {  	s29 =	sadd.s32 $0x10, s29;
	s3 =	sand.u32 $0x3C00, s4;
	v15 =	vadd.f32 v15, v19  }
0x1ae: {  	s12 =	sand.u32 $0x70, s0;
	s28 =	sadd.s32 $0x10, s28;
	s13 =	sadd.s32 s3, s31;
	[tilespmem:s29+$0x0] =	vst v17  }
0x1af: {  	s13 =	sadd.s32 s12, s13;
	[tilespmem:s28+$0x0] =	vst v15  }
0x1b0: {  	v39 =	vld [tilespmem:s13+$0x200]  }
0x1b1: {  	v42 =	vld [tilespmem:s13+$0x280]  }
0x1b2: {  	s3 =	sadd.s32 s3, s30;
	v45 =	vld [tilespmem:s13+$0x0]  }
0x1b3: {  	s3 =	sadd.s32 s12, s3;
	v49 =	vld [tilespmem:s13+$0x180]  }
0x1b4: {  	v20 =	vld [tilespmem:s3+$0x200]  }
0x1b5: {  	v21 =	vld [tilespmem:s3+$0x300]  }
0x1b6: {  	v23 =	vld [tilespmem:s3+$0x380]  }
0x1b7: {  	v54 =	vld [tilespmem:s3+$0x100]  }
0x1b8: {  	v16 =	vimm.s32 $0xE  }
0x1b9: {  	v18 =	vimm.s32 $0xF;
	v26 =	vimm.s32 $0xC;
	v29 =	vimm.s32 $0xD  }
0x1ba: {  	v15 =	vshrl.u32 v39, $0x10;
	v17 =	vshrl.u32 v42, $0x10;
	v19 =	vshrl.u32 v45, $0x10  }
0x1bb: {  	v55 =	vshrl.u32 v49, $0x10;
	v56 =	vshrl.u32 v20, $0x10;
	v57 =	vshrl.u32 v21, $0x10  }
0x1bc: {  	v44 =	vld [tilespmem:s13+$0x300];
	v60 =	vshrl.u32 v23, $0x10;
	v63 =	vshrl.u32 v54, $0x10;
	v15 =	vand.u32 $0x1, v15  }
0x1bd: {  	v25 =	vld [tilespmem:s13+$0x380];
	v17 =	vand.u32 $0x1, v17;
	v19 =	vand.u32 $0x1, v19;
	v22 =	vand.u32 $0x1, v55  }
0x1be: {  	v34 =	vand.u32 $0x1, v57;
	v43 =	vand.u32 $0x1, v63;
	v15 =	vadd.s32 v15, v39  }
0x1bf: {  	v17 =	vadd.s32 v17, v42;
	v19 =	vadd.s32 v19, v45;
	v15 =	vadd.s32 $0x7FFF, v15  }
0x1c0: {  	v48 =	vld [tilespmem:s13+$0x100];
	v22 =	vadd.s32 v22, v49;
	v13 =	vand.u32 $0xFFFF0000, v15;
	v15 =	vadd.s32 $0x7FFF, v17  }
0x1c1: {  	v47 =	vld [tilespmem:s13+$0x80];
	v34 =	vadd.s32 v34, v21;
	[tilespmem:$0x1FF40] =	vst v13;
	v13 =	vand.u32 $0xFFFF0000, v15;
	v15 =	vshrl.u32 v44, $0x10  }
0x1c2: {  	v43 =	vadd.s32 v43, v54;
	v17 =	vshrl.u32 v25, $0x10;
	v15 =	vand.u32 $0x1, v15  }
0x1c3: {  	v19 =	vadd.s32 $0x7FFF, v19;
	v17 =	vand.u32 $0x1, v17;
	v15 =	vadd.s32 v15, v44  }
0x1c4: {  	v32 =	vand.u32 $0xFFFF0000, v19;
	v17 =	vadd.s32 v17, v25;
	v15 =	vadd.s32 $0x7FFF, v15  }
0x1c5: {  	v19 =	vshrl.u32 v48, $0x10;
	v17 =	vadd.s32 $0x7FFF, v17;
	v28 =	vand.u32 $0xFFFF0000, v15;
	v15 =	vld [tilespmem:s3+$0x280]  }
0x1c6: {  	v19 =	vand.u32 $0x1, v19;
	v27 =	vand.u32 $0xFFFF0000, v17;
	v17 =	vshrl.u32 v47, $0x10  }
0x1c7: {  	v58 =	vadd.s32 $0x7FFF, v34;
	v19 =	vadd.s32 v19, v48;
	v17 =	vand.u32 $0x1, v17  }
0x1c8: {  	v55 =	vld [tilespmem:s3+$0x180];
	v43 =	vadd.s32 $0x7FFF, v43;
	v19 =	vadd.s32 $0x7FFF, v19;
	v17 =	vadd.s32 v17, v47  }
0x1c9: {  	v34 =	vand.u32 $0xFFFF0000, v58;
	v30 =	vand.u32 $0xFFFF0000, v19;
	v19 =	vld [tilespmem:s3+$0x0];
	v17 =	vadd.s32 $0x7FFF, v17  }
0x1ca: {  	v33 =	vand.u32 $0xFFFF0000, v17;
	v17 =	vadd.s32 $0x7FFF, v22;
	v24 =	vshrl.u32 v15, $0x10  }
0x1cb: {  	v46 =	vand.u32 $0xFFFF0000, v43;
	v31 =	vand.u32 $0xFFFF0000, v17;
	v17 =	vld [tilespmem:s3+$0x80];
	v24 =	vand.u32 $0x1, v24  }
0x1cc: {  	[tilespmem:$0x1FF50] =	vst v13;
	v13 =	vimm.s32 $0xB;
	v22 =	vand.u32 $0x1, v56;
	v24 =	vadd.s32 v24, v15  }
0x1cd: {  	v43 =	vshrl.u32 v55, $0x10;
	v22 =	vadd.s32 v22, v20;
	v24 =	vadd.s32 $0x7FFF, v24  }
0x1ce: {  	v59 =	vshrl.u32 v19, $0x10;
	v22 =	vadd.s32 $0x7FFF, v22;
	v36 =	vand.u32 $0xFFFF0000, v24;
	v24 =	vld [tilespmem:$0x1BA30]  }
0x1cf: {  	v43 =	vand.u32 $0x1, v43;
	v37 =	vand.u32 $0x1, v59;
	v35 =	vand.u32 $0xFFFF0000, v22  }
0x1d0: {  	v22 =	vand.u32 $0x1, v60;
	v37 =	vadd.s32 v37, v19;
	v61 =	vshrl.u32 v17, $0x10  }
0x1d1: {  	v22 =	vadd.s32 v22, v23;
	v37 =	vadd.s32 $0x7FFF, v37;
	v38 =	vand.u32 $0x1, v61  }
0x1d2: {  	v22 =	vadd.s32 $0x7FFF, v22;
	v40 =	vand.u32 $0xFFFF0000, v37;
	v38 =	vadd.s32 v38, v17  }
0x1d3: {  	v62 =	vadd.s32 $0x7FFF, v38;
	v38 =	vand.u32 $0xFFFF0000, v22;
	v22 =	vperm.xlane v24, v26  }
0x1d4: {  	v41 =	vand.u32 $0xFFFF0000, v62;
	v50 =	vperm.xlane v24, v29;
	v51 =	vperm.xlane v24, v5  }
0x1d5: {  	v37 =	vperm.xlane v24, v12;
	v5 =	vimm.s32 $0x8;
	v52 =	vperm.xlane v24, v6  }
0x1d6: {  	v6 =	vimm.s32 $0x9;
	v53 =	vperm.xlane v24, v11;
	v12 =	vimm.s32 $0xA  }
0x1d7: {  	v56 =	vperm.xlane v24, v10;
	v57 =	vperm.xlane v24, v9;
	v11 =	vimm.s32 $0x4  }
0x1d8: {  	v58 =	vperm.xlane v24, v14;
	v14 =	vimm.s32 $0x5;
	v59 =	vperm.xlane v24, v7  }
0x1d9: {  	v7 =	vimm.s32 $0x6;
	v60 =	vperm.xlane v24, v8;
	v8 =	vimm.s32 $0x7  }
0x1da: {  	v62 =	vld [tilespmem:$0x1BA10];
	v61 =	vperm.xlane v24, v4;
	v9 =	vimm.s32 $0x0;
	v63 =	vperm.xlane v24, v3  }
0x1db: {  	v10 =	vimm.s32 $0x1;
	v0 =	vperm.xlane v24, v0;
	v4 =	vimm.s32 $0x2  }
0x1dc: {  	v1 =	vperm.xlane v24, v1;
	v24 =	vperm.xlane v24, v2;
	v2 =	vadd.s32 v43, v55  }
0x1dd: {  	v2 =	vadd.s32 $0x7FFF, v2;
	v43 =	vmul.f32 v22, v39;
	v42 =	vmul.f32 v50, v42  }
0x1de: {  	v45 =	vmul.f32 v52, v45;
	v39 =	vmul.f32 v51, v44;
	v50 =	vand.u32 $0xFFFF0000, v2  }
0x1df: {  	v51 =	vmul.f32 v53, v47;
	v44 =	vmul.f32 v56, v48;
	v2 =	vshrl.u32 v62, $0x10  }
0x1e0: {  	p0 =	seq.s32 s0, $0x4F0;
	v53 =	vmul.f32 v58, v20;
	v47 =	vmul.f32 v57, v49;
	v2 =	vand.u32 $0x1, v2  }
.Ltmp1:
0x1e1: {  	v49 =	vmul.f32 v59, v15;
	v48 =	vmul.f32 v60, v21;
	v2 =	vadd.s32 v2, v62;
	(pc) =	sbr.rel @!p0 .LBB2_6-.Ltmp1, $4  }
0x1e2: {  	v15 =	vmul.f32 v63, v19;
	v52 =	vmul.f32 v61, v23;
	v2 =	vadd.s32 $0x7FFF, v2  }
0x1e3: {  	v0 =	vmul.f32 v0, v17;
	v59 =	vmul.f32 v1, v54;
	v54 =	vand.u32 $0xFFFF0000, v2  }
0x1e4: {  	v3 =	vimm.s32 $0x3;
	v60 =	vmul.f32 v24, v55;
	v55 =	vperm.xlane v54, v26;
	v26 =	vmovc v27;
	v27 =	vmovc v28;
	v28 =	vld [tilespmem:$0x1FF40]  }
0x1e5: {  	s0 =	sadd.s32 $0x10, s0;
	v58 =	vadd.f32 $0.0e+00, v15;
	v57 =	vadd.f32 $0.0e+00, v0;
	v56 =	vperm.xlane v54, v29;
	v29 =	vld [tilespmem:$0x1FF50]  }
0x1e6: {  	v1 =	vperm.xlane v54, v16;
	v2 =	vperm.xlane v54, v18  }
0x1e7: {  	v17 =	vperm.xlane v54, v5;
	v19 =	vperm.xlane v54, v6  }
0x1e8: {  	v21 =	vperm.xlane v54, v12;
	v22 =	vperm.xlane v54, v13  }
0x1e9: {  	v23 =	vperm.xlane v54, v11;
	v24 =	vperm.xlane v54, v14  }
0x1ea: {  	v15 =	vadd.f32 $0.0e+00, v60;
	v60 =	vperm.xlane v54, v9;
	v61 =	vperm.xlane v54, v10  }
0x1eb: {  	v0 =	vadd.f32 $0.0e+00, v59;
	v62 =	vperm.xlane v54, v4;
	v63 =	vperm.xlane v54, v3  }
0x1ec: {  	v3 =	vimm.s32 $0x2;
	v4 =	vimm.s32 $0x3;
	v5 =	vimm.s32 $0x5  }
0x1ed: {  	v6 =	vimm.s32 $0x6;
	v20 =	vadd.f32 v53, v58;
	v53 =	vperm.xlane v54, v7  }
0x1ee: {  	v0 =	vadd.f32 v48, v0;
	v48 =	vperm.xlane v54, v8;
	v17 =	vmul.f32 v32, v17  }
0x1ef: {  	v9 =	vimm.s32 $0x9;
	v19 =	vmul.f32 v33, v19;
	v23 =	vmul.f32 v35, v23  }
0x1f0: {  	v49 =	vadd.f32 v49, v57;
	v24 =	vmul.f32 v36, v24;
	v57 =	vmul.f32 v41, v61  }
0x1f1: {  	v15 =	vadd.f32 v52, v15;
	v58 =	vmul.f32 v46, v62;
	v59 =	vmul.f32 v50, v63  }
0x1f2: {  	v21 =	vmul.f32 v30, v21;
	v20 =	vadd.f32 v45, v20;
	v51 =	vadd.f32 v51, v49  }
0x1f3: {  	v29 =	vmul.f32 v29, v56;
	v0 =	vadd.f32 v44, v0;
	v15 =	vadd.f32 v47, v15  }
0x1f4: {  	v56 =	vmul.f32 v40, v60;
	v33 =	vadd.f32 $0.0e+00, v57;
	v35 =	vadd.f32 $0.0e+00, v58  }
0x1f5: {  	v34 =	vmul.f32 v34, v53;
	v36 =	vadd.f32 $0.0e+00, v59;
	v20 =	vadd.f32 v43, v20  }
0x1f6: {  	v38 =	vmul.f32 v38, v48;
	v60 =	vadd.f32 v42, v51;
	v32 =	vadd.f32 $0.0e+00, v56  }
0x1f7: {  	v22 =	vmul.f32 v31, v22;
	v24 =	vadd.f32 v24, v33;
	v61 =	vadd.f32 v34, v35  }
0x1f8: {  	v1 =	vmul.f32 v27, v1;
	v62 =	vadd.f32 v38, v36;
	v23 =	vadd.f32 v23, v32  }
0x1f9: {  	v2 =	vmul.f32 v26, v2;
	v19 =	vadd.f32 v19, v24;
	v21 =	vadd.f32 v21, v61  }
0x1fa: {  	v28 =	vmul.f32 v28, v55;
	v22 =	vadd.f32 v22, v62;
	v17 =	vadd.f32 v17, v23  }
0x1fb: {  	v63 =	vmul.f32 v37, v25;
	v19 =	vadd.f32 v29, v19;
	v1 =	vadd.f32 v1, v21  }
0x1fc: {  	v10 =	vimm.s32 $0xA;
	v2 =	vadd.f32 v2, v22;
	v17 =	vadd.f32 v28, v17  }
0x1fd: {  	v11 =	vimm.s32 $0xB;
	v16 =	vld [tilespmem:$0x1FF90];
	v0 =	vadd.f32 v39, v0;
	v15 =	vadd.f32 v63, v15  }
0x1fe: {  	v14 =	vimm.s32 $0xE;
	v55 =	vld [tilespmem:$0x1FFA0];
	v1 =	vadd.f32 v2, v1;
	v17 =	vadd.f32 v19, v17  }
0x1ff: {  	v57 =	vld [tilespmem:$0x1FFC0];
	v0 =	vadd.f32 v15, v0;
	v15 =	vmov s26;
	v2 =	vadd.f32 v60, v20  }
0x200: {  	v18 =	vimm.s32 $0xF;
	v58 =	vld [tilespmem:$0x1FFD0];
	v15 =	vmul.u32 $0x5000, v15;
	v1 =	vadd.f32 v1, v17  }
0x201: {  	s0 =	sadd.s32 $0x10, s29;
	s31 =	sshll.u32 s25, $0x7;
	v12 =	vimm.s32 $0xC;
	v13 =	vimm.s32 $0xD;
	v59 =	vld [tilespmem:$0x1FFE0];
	v0 =	vadd.f32 v0, v2  }
0x202: {  	s30 =	sadd.s32 $0x10, s28;
	v7 =	vimm.s32 $0x7;
	v26 =	vmov s31;
	v56 =	vld [tilespmem:$0x1FFB0];
	v25 =	vbroadcast v15, $0x0;
	[tilespmem:s0+$0x0] =	vst v1  }
0x203: {  	s28 =	simm.s32 $0x0;
	s29 =	simm.s32 $0x0;
	v8 =	vimm.s32 $0x8;
	v54 =	vimm.f32 $0.0e+00;
	v53 =	vimm.s32 $0x41;
	s26 =	sshll.u32 s25, $0xA;
	v60 =	vld [tilespmem:$0x1FFF0];
	[tilespmem:s30+$0x0] =	vst v0  }
.LBB2_8:
0x204: {  	s0 =	sshll.u32 s29, $0x4  }
0x205: {  	v27 =	vmov s0  }
0x206: {  	v0 =	vmul.u32 $0xA, v27;
	_ =	sdelay $0x1  }
0x207: {  	v0 =	vbroadcast v0, $0x0;
	_ =	sdelay $0x1  }
0x208: {  	v28 =	vadd.s32 v16, v0;
	_ =	sdelay $0x3  }
0x209: {  	v1 =	vld.idx.msk [tilespmem:v26+s0+$0x1B200 ss:$0x1], $0xffff  }
0x20a: {  	v2 =	vld.idx.msk [tilespmem:v28+s18+$0x0], $0xffff;
	_ =	sdelay $0x1  }
0x20b: {  	v15 =	vld.idx.msk [tilespmem:v53+s10+$0x0], $0xffff;
	_ =	sdelay $0x2  }
0x20c: {  	v2 =	vadd.f32 v2, v1;
	_ =	sdelay $0x1  }
0x20d: {  	v2 =	vadd.f32 v2, v15  }
0x20e: {  	v17 =	vadd.s32 v55, v0  }
0x20f: {  	v2 =	vsub.f32 $0.0e+00, v2;
	_ =	sdelay $0x1  }
0x210: {  	v2 =	vmul.f32 $1.442695020e+00, v2;
	_ =	sdelay $0x1  }
0x211: {  	(erf) = vpow2.f32 v2;
	v2 =	vld.idx.msk [tilespmem:v17+s18+$0x0], $0xffff;
	_ =	sdelay $0x4  }
0x212: {  	v2 =	vadd.f32 v2, v1;
	_ =	sdelay $0x1  }
0x213: {  	v2 =	vadd.f32 v2, v15  }
0x214: {  	v19 =	vadd.s32 v56, v0  }
0x215: {  	v20 =	vpop (erf);
	v2 =	vsub.f32 $0.0e+00, v2  }
0x216: {  	v20 =	vadd.f32 $1.000000000e+00, v20  }
0x217: {  	v2 =	vmul.f32 $1.442695020e+00, v2  }
0x218: {  	(erf) = vrcp.f32 v20  }
0x219: {  	(erf) = vpow2.f32 v2;
	v2 =	vld.idx.msk [tilespmem:v19+s18+$0x0], $0xffff;
	_ =	sdelay $0x4  }
0x21a: {  	v2 =	vadd.f32 v2, v1;
	_ =	sdelay $0x1  }
0x21b: {  	v2 =	vadd.f32 v2, v15  }
0x21c: {  	v20 =	vadd.s32 v57, v0;
	v37 =	vpop (erf)  }
0x21d: {  	v21 =	vpop (erf);
	v2 =	vsub.f32 $0.0e+00, v2  }
0x21e: {  	v21 =	vadd.f32 $1.000000000e+00, v21  }
0x21f: {  	v2 =	vmul.f32 $1.442695020e+00, v2  }
0x220: {  	(erf) = vrcp.f32 v21  }
0x221: {  	(erf) = vpow2.f32 v2;
	v2 =	vld.idx.msk [tilespmem:v20+s18+$0x0], $0xffff;
	_ =	sdelay $0x4  }
0x222: {  	v2 =	vadd.f32 v2, v1;
	_ =	sdelay $0x1  }
0x223: {  	v2 =	vadd.f32 v2, v15  }
0x224: {  	v51 =	vadd.s32 v58, v0;
	v31 =	vpop (erf)  }
0x225: {  	v22 =	vpop (erf);
	v2 =	vsub.f32 $0.0e+00, v2  }
0x226: {  	v22 =	vadd.f32 $1.000000000e+00, v22  }
0x227: {  	v2 =	vmul.f32 $1.442695020e+00, v2  }
0x228: {  	(erf) = vrcp.f32 v22  }
0x229: {  	(erf) = vpow2.f32 v2;
	v2 =	vld.idx.msk [tilespmem:v51+s18+$0x0], $0xffff;
	_ =	sdelay $0x4  }
0x22a: {  	v2 =	vadd.f32 v2, v1;
	_ =	sdelay $0x1  }
0x22b: {  	v2 =	vadd.f32 v2, v15  }
0x22c: {  	v52 =	vadd.s32 v59, v0;
	v32 =	vpop (erf)  }
0x22d: {  	v23 =	vpop (erf);
	v2 =	vsub.f32 $0.0e+00, v2  }
0x22e: {  	v23 =	vadd.f32 $1.000000000e+00, v23  }
0x22f: {  	v2 =	vmul.f32 $1.442695020e+00, v2  }
0x230: {  	(erf) = vrcp.f32 v23  }
0x231: {  	(erf) = vpow2.f32 v2;
	v2 =	vld.idx.msk [tilespmem:v52+s18+$0x0], $0xffff;
	_ =	sdelay $0x4  }
0x232: {  	v2 =	vadd.f32 v2, v1;
	_ =	sdelay $0x1  }
0x233: {  	v2 =	vadd.f32 v2, v15  }
0x234: {  	v61 =	vadd.s32 v60, v0;
	v34 =	vpop (erf)  }
0x235: {  	v24 =	vpop (erf);
	v2 =	vsub.f32 $0.0e+00, v2  }
0x236: {  	v24 =	vadd.f32 $1.000000000e+00, v24  }
0x237: {  	v2 =	vmul.f32 $1.442695020e+00, v2  }
0x238: {  	(erf) = vrcp.f32 v24  }
0x239: {  	(erf) = vpow2.f32 v2;
	v2 =	vld.idx.msk [tilespmem:v61+s18+$0x0], $0xffff;
	_ =	sdelay $0x4  }
0x23a: {  	v2 =	vadd.f32 v2, v1;
	_ =	sdelay $0x1  }
0x23b: {  	v24 =	vadd.s32 $0x7, v16;
	v2 =	vadd.f32 v2, v15  }
0x23c: {  	v24 =	vadd.s32 v24, v0;
	v35 =	vpop (erf)  }
0x23d: {  	v29 =	vpop (erf);
	v2 =	vsub.f32 $0.0e+00, v2  }
0x23e: {  	v29 =	vadd.f32 $1.000000000e+00, v29  }
0x23f: {  	v2 =	vmul.f32 $1.442695020e+00, v2  }
0x240: {  	(erf) = vrcp.f32 v29  }
0x241: {  	(erf) = vpow2.f32 v2;
	v2 =	vld.idx.msk [tilespmem:v24+s18+$0x0], $0xffff;
	_ =	sdelay $0x4  }
0x242: {  	v2 =	vadd.f32 v2, v1  }
0x243: {  	v29 =	vadd.s32 $0x8, v16  }
0x244: {  	v2 =	vadd.f32 v2, v15  }
0x245: {  	v33 =	vadd.s32 v29, v0;
	v36 =	vpop (erf)  }
0x246: {  	v29 =	vpop (erf);
	v2 =	vsub.f32 $0.0e+00, v2  }
0x247: {  	v29 =	vadd.f32 $1.000000000e+00, v29  }
0x248: {  	v2 =	vmul.f32 $1.442695020e+00, v2  }
0x249: {  	(erf) = vrcp.f32 v29  }
0x24a: {  	(erf) = vpow2.f32 v2;
	v2 =	vld.idx.msk [tilespmem:v33+s18+$0x0], $0xffff;
	_ =	sdelay $0x4  }
0x24b: {  	v2 =	vadd.f32 v2, v1  }
0x24c: {  	v30 =	vadd.s32 $0x9, v16  }
0x24d: {  	v2 =	vadd.f32 v2, v15  }
0x24e: {  	v0 =	vadd.s32 v30, v0;
	v29 =	vpop (erf)  }
0x24f: {  	v30 =	vpop (erf);
	v2 =	vsub.f32 $0.0e+00, v2  }
0x250: {  	v30 =	vadd.f32 $1.000000000e+00, v30  }
0x251: {  	v2 =	vmul.f32 $1.442695020e+00, v2  }
0x252: {  	(erf) = vrcp.f32 v30  }
0x253: {  	(erf) = vpow2.f32 v2;
	v2 =	vld.idx.msk [tilespmem:v0+s18+$0x0], $0xffff  }
0x254: {  	v17 =	vld.idx.msk [tilespmem:v17+s17+$0x0], $0xffff  }
0x255: {  	v19 =	vld.idx.msk [tilespmem:v19+s17+$0x0], $0xffff  }
0x256: {  	v21 =	vld.idx.msk [tilespmem:v51+s17+$0x0], $0xffff  }
0x257: {  	v20 =	vld.idx.msk [tilespmem:v20+s17+$0x0], $0xffff  }
0x258: {  	v1 =	vadd.f32 v2, v1;
	v2 =	vld.idx.msk [tilespmem:v26+s0+$0x1AA00 ss:$0x1], $0xffff  }
0x259: {  	v22 =	vld.idx.msk [tilespmem:v52+s17+$0x0], $0xffff  }
0x25a: {  	v62 =	vld.idx.msk [tilespmem:v24+s17+$0x0], $0xffff;
	v1 =	vadd.f32 v1, v15  }
0x25b: {  	v0 =	vld.idx.msk [tilespmem:v0+s17+$0x0], $0xffff;
	v30 =	vpop (erf)  }
0x25c: {  	v15 =	vld.idx.msk [tilespmem:v28+s17+$0x0], $0xffff;
	v38 =	vpop (erf);
	v1 =	vsub.f32 $0.0e+00, v1  }
0x25d: {  	v38 =	vadd.f32 $1.000000000e+00, v38;
	v48 =	vadd.f32 v17, v2  }
0x25e: {  	v46 =	vadd.f32 v19, v2;
	v45 =	vadd.f32 v20, v2  }
0x25f: {  	v44 =	vadd.f32 v21, v2;
	v43 =	vadd.f32 v22, v2  }
0x260: {  	v40 =	vadd.f32 v62, v2;
	v39 =	vadd.f32 v0, v2;
	v1 =	vmul.f32 $1.442695020e+00, v1  }
0x261: {  	(erf) = vrcp.f32 v38;
	v47 =	vadd.f32 v15, v2;
	vm10 =	vge.f32 v48, v46  }
0x262: {  	v15 =	vld.idx.msk [tilespmem:v33+s17+$0x0], $0xffff;
	vm12 =	vge.f32 v48, v45;
	vm13 =	vge.f32 v46, v45;
	(erf) = vpow2.f32 v1  }
0x263: {  	vm15 =	vge.f32 v48, v44;
	vm4 =	vge.f32 v46, v44;
	vm5 =	vge.f32 v45, v44;
	v1 =	vld.idx.msk [tilespmem:v61+s17+$0x0], $0xffff  }
0x264: {  	vm7 =	vge.f32 v48, v43;
	vm8 =	vge.f32 v46, v43;
	vm9 =	vge.f32 v45, v43  }
0x265: {  	v63 =	vsel vm15, $0x3F800000, v54;
	v49 =	vsel vm5, $0x3F800000, v54;
	v51 =	vsel vm8, $0x3F800000, v54  }
0x266: {  	v52 =	vsel vm9, $0x3F800000, v54;
	vm8 =	vge.f32 v45, v40;
	vm9 =	vge.f32 v44, v40  }
0x267: {  	vm0 =	vge.f32 v47, v48;
	vm1 =	vge.f32 v47, v46;
	v38 =	vadd.f32 v15, v2  }
0x268: {  	v15 =	vsel vm1, $0x3F800000, v54;
	v41 =	vadd.f32 v1, v2;
	v1 =	vsel vm0, $0x3F800000, v54  }
0x269: {  	vm11 =	vge.f32 v47, v45;
	v20 =	vsub.f32 $1.000000000e+00, v15;
	v19 =	vsub.f32 $1.000000000e+00, v1  }
0x26a: {  	vm14 =	vge.f32 v47, v44;
	vm6 =	vge.f32 v47, v43;
	v21 =	vsub.f32 $1.000000000e+00, v51;
	v33 =	vpop (erf)  }
0x26b: {  	v50 =	vsel vm6, $0x3F800000, v54;
	v2 =	vsel vm10, $0x3F800000, v54;
	v0 =	vadd.f32 v20, v19;
	v17 =	vpop (erf)  }
0x26c: {  	v19 =	vsel vm11, $0x3F800000, v54;
	v42 =	vadd.f32 $1.000000000e+00, v17;
	v17 =	vsub.f32 $1.000000000e+00, v2  }
0x26d: {  	v20 =	vsel vm12, $0x3F800000, v54;
	v2 =	vadd.f32 v2, v15;
	v15 =	vsub.f32 $1.000000000e+00, v19  }
0x26e: {  	vm6 =	vge.f32 v48, v40;
	v1 =	vadd.f32 v17, v1;
	v17 =	vsub.f32 $1.000000000e+00, v20  }
0x26f: {  	vm5 =	vge.f32 v47, v40;
	v24 =	vsel vm6, $0x3F800000, v54;
	v0 =	vadd.f32 v15, v0  }
0x270: {  	v15 =	vadd.f32 v20, v19;
	v1 =	vadd.f32 v17, v1;
	v17 =	vsel vm13, $0x3F800000, v54  }
0x271: {  	vm10 =	vge.f32 v44, v43;
	v20 =	vsel vm14, $0x3F800000, v54;
	v19 =	vsub.f32 $1.000000000e+00, v17  }
0x272: {  	vm15 =	vge.f32 v44, v41;
	v15 =	vadd.f32 v15, v17;
	v17 =	vsub.f32 $1.000000000e+00, v20  }
0x273: {  	vm11 =	vge.f32 v47, v41;
	v2 =	vadd.f32 v19, v2;
	v19 =	vsub.f32 $1.000000000e+00, v63  }
0x274: {  	vm6 =	vge.f32 v41, v38;
	v61 =	vsel vm11, $0x3F800000, v54;
	v0 =	vadd.f32 v17, v0  }
0x275: {  	v17 =	vadd.f32 v63, v20;
	v1 =	vadd.f32 v19, v1;
	v19 =	vsel vm4, $0x3F800000, v54  }
0x276: {  	vm12 =	vge.f32 v48, v41;
	v62 =	vsub.f32 $1.000000000e+00, v61;
	v20 =	vsub.f32 $1.000000000e+00, v19  }
0x277: {  	vm11 =	vge.f32 v41, v40;
	v17 =	vadd.f32 v17, v19;
	v19 =	vsub.f32 $1.000000000e+00, v49  }
0x278: {  	vm14 =	vge.f32 v45, v41;
	v2 =	vadd.f32 v20, v2;
	v20 =	vsub.f32 $1.000000000e+00, v50  }
0x279: {  	(erf) = vrcp.f32 v42;
	v15 =	vadd.f32 v19, v15;
	v19 =	vsel vm7, $0x3F800000, v54  }
0x27a: {  	v63 =	vsel vm12, $0x3F800000, v54;
	v0 =	vadd.f32 v20, v0;
	v20 =	vadd.f32 v19, v50  }
0x27b: {  	vm13 =	vge.f32 v46, v41;
	v23 =	vsub.f32 $1.000000000e+00, v63;
	v19 =	vsub.f32 $1.000000000e+00, v19  }
0x27c: {  	vm12 =	vge.f32 v47, v38;
	v17 =	vadd.f32 v17, v49;
	v20 =	vadd.f32 v20, v51  }
0x27d: {  	vm4 =	vge.f32 v43, v41;
	v1 =	vadd.f32 v19, v1;
	v19 =	vsub.f32 $1.000000000e+00, v52  }
0x27e: {  	v49 =	vsel vm14, $0x3F800000, v54;
	vm7 =	vge.f32 v46, v40;
	v20 =	vadd.f32 v20, v52  }
0x27f: {  	v22 =	vsub.f32 $1.000000000e+00, v49;
	v15 =	vadd.f32 v19, v15;
	v19 =	vsel vm10, $0x3F800000, v54  }
0x280: {  	vm14 =	vge.f32 v46, v38;
	v20 =	vadd.f32 v20, v19;
	v19 =	vsub.f32 $1.000000000e+00, v19  }
0x281: {  	v2 =	vadd.f32 v21, v2;
	v21 =	vadd.f32 v63, v61;
	v50 =	vsel vm15, $0x3F800000, v54  }
0x282: {  	v61 =	vsel vm8, $0x3F800000, v54;
	v17 =	vadd.f32 v19, v17;
	v19 =	vsel vm13, $0x3F800000, v54  }
0x283: {  	vm15 =	vge.f32 v45, v38;
	v0 =	vadd.f32 v62, v0;
	v21 =	vadd.f32 v21, v19  }
0x284: {  	v51 =	vsel vm5, $0x3F800000, v54;
	v1 =	vadd.f32 v23, v1;
	v19 =	vsub.f32 $1.000000000e+00, v19  }
0x285: {  	vm8 =	vge.f32 v47, v39;
	v52 =	vsub.f32 $1.000000000e+00, v51;
	v21 =	vadd.f32 v21, v49  }
0x286: {  	v47 =	vsel vm8, $0x3F800000, v54;
	v2 =	vadd.f32 v19, v2;
	v19 =	vsub.f32 $1.000000000e+00, v50  }
0x287: {  	vm8 =	vge.f32 v38, v39;
	v23 =	vsub.f32 $1.000000000e+00, v61;
	v21 =	vadd.f32 v21, v50  }
0x288: {  	v15 =	vadd.f32 v22, v15;
	v17 =	vadd.f32 v19, v17;
	v19 =	vsel vm4, $0x3F800000, v54  }
0x289: {  	vm5 =	vge.f32 v43, v38;
	v21 =	vadd.f32 v21, v19;
	v19 =	vsub.f32 $1.000000000e+00, v19  }
0x28a: {  	vm10 =	vge.f32 v43, v40;
	v22 =	vadd.f32 v24, v51;
	v24 =	vsub.f32 $1.000000000e+00, v24  }
0x28b: {  	v0 =	vadd.f32 v52, v0;
	v19 =	vadd.f32 v20, v19;
	v20 =	vsel vm7, $0x3F800000, v54  }
0x28c: {  	v1 =	vadd.f32 v24, v1;
	v24 =	vsel vm9, $0x3F800000, v54;
	v22 =	vadd.f32 v22, v20  }
0x28d: {  	v15 =	vadd.f32 v23, v15;
	v49 =	vsel vm12, $0x3F800000, v54;
	v20 =	vsub.f32 $1.000000000e+00, v20  }
0x28e: {  	vm13 =	vge.f32 v48, v38;
	v52 =	vsub.f32 $1.000000000e+00, v49;
	v22 =	vadd.f32 v22, v61  }
0x28f: {  	vm9 =	vge.f32 v48, v39;
	v2 =	vadd.f32 v20, v2;
	v20 =	vsub.f32 $1.000000000e+00, v24  }
0x290: {  	v48 =	vsel vm9, $0x3F800000, v54;
	v0 =	vadd.f32 v52, v0;
	v22 =	vadd.f32 v22, v24  }
0x291: {  	v17 =	vadd.f32 v20, v17;
	v20 =	vsel vm10, $0x3F800000, v54;
	v24 =	vsel vm11, $0x3F800000, v54  }
0x292: {  	v61 =	vsel vm13, $0x3F800000, v54;
	v62 =	vsub.f32 $1.000000000e+00, v20;
	v63 =	vsub.f32 $1.000000000e+00, v24  }
0x293: {  	vm12 =	vge.f32 v44, v39;
	v20 =	vadd.f32 v22, v20;
	v22 =	vsub.f32 $1.000000000e+00, v61  }
0x294: {  	vm4 =	vge.f32 v44, v38;
	v19 =	vadd.f32 v62, v19;
	v21 =	vadd.f32 v21, v63  }
0x295: {  	v62 =	vadd.f32 v61, v49;
	v63 =	vsel vm15, $0x3F800000, v54;
	v49 =	vadd.f32 $0.0e+00, v37  }
0x296: {  	v20 =	vadd.f32 v20, v24;
	v24 =	vsel vm14, $0x3F800000, v54;
	v1 =	vadd.f32 v22, v1  }
0x297: {  	v52 =	vsel vm4, $0x3F800000, v54;
	v51 =	vsub.f32 $1.000000000e+00, v63;
	v23 =	vadd.f32 v62, v24  }
0x298: {  	v50 =	vsel vm6, $0x3F800000, v54;
	v22 =	vsub.f32 $1.000000000e+00, v52;
	v24 =	vsub.f32 $1.000000000e+00, v24  }
0x299: {  	vm7 =	vge.f32 v40, v38;
	v15 =	vadd.f32 v51, v15;
	v23 =	vadd.f32 v23, v63  }
0x29a: {  	v17 =	vadd.f32 v22, v17;
	v2 =	vadd.f32 v24, v2;
	v24 =	vsel vm5, $0x3F800000, v54  }
0x29b: {  	vm13 =	vge.f32 v43, v39;
	v61 =	vsub.f32 $1.000000000e+00, v24;
	v23 =	vadd.f32 v23, v52  }
0x29c: {  	vm10 =	vge.f32 v46, v39;
	v52 =	vsub.f32 $1.000000000e+00, v47;
	v47 =	vadd.f32 v48, v47  }
0x29d: {  	vm11 =	vge.f32 v45, v39;
	v19 =	vadd.f32 v61, v19;
	v23 =	vadd.f32 v23, v24  }
0x29e: {  	v61 =	vsel vm10, $0x3F800000, v54;
	v24 =	vsub.f32 $1.000000000e+00, v50;
	v46 =	vadd.f32 v52, v0  }
0x29f: {  	v63 =	vsel vm7, $0x3F800000, v54;
	v0 =	vadd.f32 v47, v61;
	v62 =	vadd.f32 v23, v50  }
0x2a0: {  	v45 =	vsel vm11, $0x3F800000, v54;
	v21 =	vadd.f32 v21, v24;
	v24 =	vsub.f32 $1.000000000e+00, v63  }
0x2a1: {  	vm15 =	vge.f32 v40, v39;
	v23 =	vsub.f32 $1.000000000e+00, v61;
	v0 =	vadd.f32 v0, v45  }
0x2a2: {  	vm14 =	vge.f32 v41, v39;
	v45 =	vsub.f32 $1.000000000e+00, v45;
	v22 =	vadd.f32 v62, v63  }
0x2a3: {  	vm4 =	veq.f32 v46, $0.0e+00;
	v20 =	vadd.f32 v20, v24;
	v24 =	vsub.f32 $1.000000000e+00, v48  }
0x2a4: {  	v2 =	vadd.f32 v23, v2;
	v62 =	vsel vm12, $0x3F800000, v54;
	v51 =	vadd.f32 v45, v15  }
0x2a5: {  	v63 =	vsel vm13, $0x3F800000, v54;
	v0 =	vadd.f32 v0, v62;
	v15 =	vsub.f32 $1.000000000e+00, v62  }
0x2a6: {  	vm3 =	veq.f32 v46, $1.000000000e+00;
	v23 =	vsub.f32 $1.000000000e+00, v63;
	v1 =	vadd.f32 v24, v1  }
0x2a7: {  	v24 =	vsel vm14, $0x3F800000, v54;
	vm6 =	veq.f32 v2, $0.0e+00;
	vm7 =	veq.f32 v51, $0.0e+00  }
0x2a8: {  	vm2 =	veq.f32 v2, $1.000000000e+00;
	v0 =	vadd.f32 v0, v63;
	v52 =	vadd.f32 v15, v17  }
0x2a9: {  	v15 =	vsub.f32 $1.000000000e+00, v24;
	v48 =	vadd.f32 v23, v19;
	v17 =	vsel vm15, $0x3F800000, v54  }
0x2aa: {  	v45 =	vnsel vm2, $0x0, v32;
	vm5 =	veq.f32 v1, $0.0e+00;
	v0 =	vadd.f32 v0, v24  }
0x2ab: {  	vm14 =	veq.f32 v1, $1.000000000e+00;
	v44 =	vadd.f32 v15, v21;
	v15 =	vsub.f32 $1.000000000e+00, v17  }
0x2ac: {  	v19 =	vsel vm5, $0x3F800000, v54;
	vm9 =	veq.f32 v52, $0.0e+00;
	vm15 =	veq.f32 v52, $1.000000000e+00  }
0x2ad: {  	vm10 =	veq.f32 v48, $0.0e+00;
	v43 =	vnsel vm14, $0x0, v31;
	v61 =	vnsel vm15, $0x0, v35  }
0x2ae: {  	v0 =	vadd.f32 v0, v17;
	v42 =	vadd.f32 v20, v15;
	v15 =	vnsel vm4, $0x0, v49  }
0x2af: {  	v17 =	vnsel vm5, $0x0, v31;
	v20 =	vsel vm8, $0x3F800000, v54;
	vm11 =	veq.f32 v44, $0.0e+00  }
0x2b0: {  	vm4 =	veq.f32 v51, $1.000000000e+00;
	vm8 =	veq.f32 v44, $1.000000000e+00;
	vm5 =	veq.f32 v52, $2.000000000e+00  }
0x2b1: {  	v15 =	vadd.f32 v17, v15;
	v17 =	vsel vm6, $0x40000000, v54;
	v41 =	vsub.f32 $1.000000000e+00, v20  }
0x2b2: {  	v50 =	vnsel vm4, $0x0, v34;
	v17 =	vadd.f32 v17, v19;
	v19 =	vnsel vm6, $0x0, v32  }
0x2b3: {  	vm12 =	veq.f32 v42, $0.0e+00;
	v0 =	vadd.f32 v0, v20;
	v20 =	vsel vm4, $0x40400000, v54  }
0x2b4: {  	vm0 =	veq.f32 v42, $2.000000000e+00;
	v15 =	vadd.f32 v15, v19;
	v19 =	vsel vm7, $0x40400000, v54  }
0x2b5: {  	v21 =	vadd.f32 v22, v41;
	v38 =	vnsel vm12, $0x0, v30;
	v17 =	vadd.f32 v17, v19  }
0x2b6: {  	v19 =	vnsel vm7, $0x0, v34;
	vm6 =	veq.f32 v0, $0.0e+00;
	vm7 =	veq.f32 v48, $1.000000000e+00  }
0x2b7: {  	v15 =	vadd.f32 v15, v19;
	v19 =	vsel vm9, $0x40800000, v54;
	vm13 =	veq.f32 v21, $0.0e+00  }
0x2b8: {  	v40 =	vpop (erf);
	v47 =	vsel vm7, $0x40A00000, v54;
	v17 =	vadd.f32 v17, v19;
	v19 =	vnsel vm9, $0x0, v35  }
0x2b9: {  	v41 =	vnsel vm6, $0x0, v40;
	v15 =	vadd.f32 v15, v19;
	v19 =	vsel vm10, $0x40A00000, v54  }
0x2ba: {  	v22 =	vnsel vm7, $0x0, v36;
	v17 =	vadd.f32 v17, v19;
	v19 =	vnsel vm10, $0x0, v36  }
0x2bb: {  	vm7 =	veq.f32 v48, $2.000000000e+00;
	v15 =	vadd.f32 v15, v19;
	v19 =	vsel vm11, $0x40C00000, v54  }
0x2bc: {  	v39 =	vnsel vm13, $0x0, v33;
	v17 =	vadd.f32 v17, v19;
	v19 =	vnsel vm11, $0x0, v29  }
0x2bd: {  	vm9 =	veq.f32 v42, $1.000000000e+00;
	v37 =	vadd.f32 v15, v19;
	v15 =	vsel vm12, $0x40E00000, v54  }
0x2be: {  	vm10 =	veq.f32 v21, $1.000000000e+00;
	vm11 =	veq.f32 v1, $2.000000000e+00;
	v15 =	vadd.f32 v17, v15  }
0x2bf: {  	v19 =	vsel vm2, $0x40000000, v54;
	vm2 =	veq.f32 v2, $2.000000000e+00;
	v17 =	vsel vm13, $0x41000000, v54  }
0x2c0: {  	vm12 =	veq.f32 v46, $2.000000000e+00;
	v15 =	vadd.f32 v15, v17;
	v17 =	vsel vm14, $0x3F800000, v54  }
0x2c1: {  	v62 =	vsel vm2, $0x40000000, v54;
	v17 =	vadd.f32 v19, v17;
	v19 =	vnsel vm3, $0x0, v49  }
0x2c2: {  	vm13 =	veq.f32 v2, $3.000000000e+00;
	vm14 =	veq.f32 v0, $1.000000000e+00;
	v19 =	vadd.f32 v43, v19  }
0x2c3: {  	v63 =	vsel vm14, $0x41100000, v54;
	v43 =	vnsel vm10, $0x0, v33;
	v17 =	vadd.f32 v17, v20  }
0x2c4: {  	v20 =	vsel vm15, $0x40800000, v54;
	vm15 =	veq.f32 v51, $2.000000000e+00;
	v19 =	vadd.f32 v19, v45  }
0x2c5: {  	v45 =	vnsel vm14, $0x0, v40;
	v24 =	vsel vm15, $0x40400000, v54;
	vm14 =	veq.f32 v44, $2.000000000e+00  }
0x2c6: {  	v23 =	vnsel vm15, $0x0, v34;
	v17 =	vadd.f32 v17, v20;
	v20 =	vsel vm6, $0x41100000, v54  }
0x2c7: {  	vm15 =	veq.f32 v52, $3.000000000e+00;
	vm6 =	veq.f32 v1, $3.000000000e+00;
	v15 =	vadd.f32 v15, v20  }
0x2c8: {  	v19 =	vadd.f32 v19, v50;
	v20 =	vsel vm8, $0x40C00000, v54;
	v50 =	vnsel vm8, $0x0, v29  }
0x2c9: {  	v2 =	vsel vm6, $0x3F800000, v54;
	vm8 =	veq.f32 v51, $3.000000000e+00;
	v17 =	vadd.f32 v17, v47  }
0x2ca: {  	v51 =	vnsel vm2, $0x0, v32;
	v32 =	vnsel vm13, $0x0, v32;
	v47 =	vnsel vm9, $0x0, v30  }
0x2cb: {  	v34 =	vnsel vm8, $0x0, v34;
	v19 =	vadd.f32 v19, v61;
	v17 =	vadd.f32 v17, v20  }
0x2cc: {  	v61 =	vsel vm7, $0x40A00000, v54;
	v15 =	vtrunc.f32 v15;
	v20 =	vsel vm9, $0x40E00000, v54  }
0x2cd: {  	vm9 =	veq.f32 v48, $3.000000000e+00;
	v48 =	vnsel vm7, $0x0, v36;
	v17 =	vadd.f32 v17, v20  }
0x2ce: {  	vm7 =	veq.f32 v46, $3.000000000e+00;
	v15 =	vcvt.f32.s32 v15;
	v20 =	vsel vm10, $0x41000000, v54  }
0x2cf: {  	v52 =	vsel vm9, $0x40A00000, v54;
	v17 =	vadd.f32 v17, v20;
	v20 =	vsel vm11, $0x3F800000, v54  }
0x2d0: {  	v19 =	vadd.f32 v19, v22;
	vm10 =	veq.f32 v44, $3.000000000e+00;
	v20 =	vadd.f32 v62, v20  }
0x2d1: {  	v15 =	vadd.s32 v15, v28;
	v44 =	vmov s28;
	v17 =	vadd.f32 v17, v63  }
0x2d2: {  	v19 =	vadd.f32 v19, v50;
	v62 =	vsel vm8, $0x40400000, v54;
	v20 =	vadd.f32 v20, v24  }
0x2d3: {  	v63 =	vsel vm14, $0x40C00000, v54;
	v24 =	vsel vm5, $0x40800000, v54;
	v17 =	vtrunc.f32 v17  }
0x2d4: {  	v1 =	vadd.f32 v20, v24;
	v20 =	vsel vm13, $0x40000000, v54;
	v24 =	vnsel vm12, $0x0, v49  }
0x2d5: {  	vm12 =	veq.f32 v42, $3.000000000e+00;
	vm13 =	veq.f32 v21, $3.000000000e+00;
	v17 =	vcvt.f32.s32 v17  }
0x2d6: {  	v2 =	vadd.f32 v20, v2;
	v20 =	vnsel vm11, $0x0, v31;
	v31 =	vnsel vm6, $0x0, v31  }
0x2d7: {  	vm11 =	veq.f32 v21, $2.000000000e+00;
	v1 =	vadd.f32 v1, v61;
	v20 =	vadd.f32 v20, v24  }
0x2d8: {  	v24 =	vsel vm15, $0x40800000, v54;
	v61 =	vnsel vm7, $0x0, v49;
	v2 =	vadd.f32 v2, v62  }
0x2d9: {  	v49 =	vsel vm11, $0x41000000, v54;
	v17 =	vadd.s32 v17, v28;
	v62 =	vsel vm0, $0x40E00000, v54  }
0x2da: {  	v31 =	vadd.f32 v31, v61;
	v61 =	vnsel vm9, $0x0, v36;
	v2 =	vadd.f32 v2, v24  }
0x2db: {  	v36 =	vshll.u32 v15, $0x3;
	v15 =	vand.u32 $0x7F, v15;
	v1 =	vadd.f32 v1, v63  }
0x2dc: {  	v20 =	vadd.f32 v20, v51;
	v63 =	vsel vm10, $0x40C00000, v54;
	v2 =	vadd.f32 v2, v52  }
0x2dd: {  	v51 =	vsel vm12, $0x40E00000, v54;
	v24 =	vnsel vm5, $0x0, v35;
	v35 =	vnsel vm15, $0x0, v35  }
0x2de: {  	vm15 =	veq.f32 v0, $3.000000000e+00;
	v1 =	vadd.f32 v1, v62;
	v2 =	vadd.f32 v2, v63  }
0x2df: {  	v62 =	vsel vm13, $0x41000000, v54;
	v20 =	vadd.f32 v20, v23;
	v23 =	vand.u32 $0xFFFFFC00, v36  }
0x2e0: {  	v52 =	vnsel vm14, $0x0, v29;
	vm14 =	veq.f32 v0, $2.000000000e+00;
	v2 =	vadd.f32 v2, v51  }
0x2e1: {  	v1 =	vadd.f32 v1, v49;
	v20 =	vadd.f32 v20, v24;
	v24 =	vand.u32 $0x7F, v17  }
0x2e2: {  	v17 =	vshll.u32 v17, $0x3;
	v63 =	vsel vm14, $0x41100000, v54;
	v2 =	vadd.f32 v2, v62  }
0x2e3: {  	v0 =	vadd.f32 v1, v63;
	v1 =	vadd.f32 v31, v32;
	v31 =	vsel vm15, $0x41100000, v54  }
0x2e4: {  	v17 =	vand.u32 $0xFFFFFC00, v17;
	v32 =	vor.u32 v15, v23;
	v2 =	vadd.f32 v2, v31  }
0x2e5: {  	v15 =	vshll.u32 v44, $0x7;
	v0 =	vtrunc.f32 v0;
	v1 =	vadd.f32 v1, v34  }
0x2e6: {  	v0 =	vcvt.f32.s32 v0;
	v31 =	vshrl.u32 v44, $0x3;
	v2 =	vtrunc.f32 v2  }
0x2e7: {  	v15 =	vand.u32 $0x380, v15;
	v46 =	vmul.u32 $0x2800, v31;
	v2 =	vcvt.f32.s32 v2  }
0x2e8: {  	v1 =	vadd.f32 v1, v35;
	v0 =	vadd.s32 v0, v28;
	v31 =	vor.u32 v24, v17  }
0x2e9: {  	v17 =	vadd.s32 v25, v46;
	v2 =	vadd.s32 v2, v28;
	v28 =	vshll.u32 v0, $0x3  }
0x2ea: {  	v23 =	vadd.s32 v32, v17;
	v0 =	vand.u32 $0x7F, v0;
	v28 =	vand.u32 $0xFFFFFC00, v28  }
0x2eb: {  	v28 =	vor.u32 v0, v28;
	v0 =	vand.u32 $0x7F, v2;
	v2 =	vshll.u32 v2, $0x3  }
0x2ec: {  	v24 =	vadd.s32 v31, v17;
	v23 =	vor.u32 v15, v23;
	v2 =	vand.u32 $0xFFFFFC00, v2  }
0x2ed: {  	v34 =	vor.u32 v0, v2;
	v0 =	vor.u32 v15, v24;
	v2 =	vadd.s32 v28, v17  }
0x2ee: {  	v19 =	vadd.f32 v19, v47;
	v2 =	vor.u32 v15, v2;
	v17 =	vadd.s32 v34, v17  }
0x2ef: {  	v20 =	vadd.f32 v20, v48;
	v1 =	vadd.f32 v1, v61;
	v15 =	vor.u32 v15, v17  }
0x2f0: {  	v19 =	vadd.f32 v19, v43;
	v49 =	vadd.f32 v37, v38;
	v17 =	vnsel vm10, $0x0, v29  }
0x2f1: {  	v20 =	vadd.f32 v20, v52;
	v1 =	vadd.f32 v1, v17;
	v17 =	vld.idx.msk [tilespmem:v23+s6+$0x0], $0xffff  }
0x2f2: {  	v21 =	vadd.f32 v49, v39;
	v51 =	vnsel vm0, $0x0, v30;
	v52 =	vnsel vm12, $0x0, v30;
	v0 =	vld.idx.msk [tilespmem:v0+s6+$0x0], $0xffff  }
0x2f3: {  	v20 =	vadd.f32 v20, v51;
	v1 =	vadd.f32 v1, v52;
	v2 =	vld.idx.msk [tilespmem:v2+s6+$0x0], $0xffff  }
0x2f4: {  	v30 =	vadd.f32 v19, v45;
	v61 =	vnsel vm13, $0x0, v33;
	v24 =	vnsel vm11, $0x0, v33;
	v15 =	vld.idx.msk [tilespmem:v15+s6+$0x0], $0xffff  }
0x2f5: {  	v20 =	vadd.f32 v20, v24;
	v1 =	vadd.f32 v1, v61  }
0x2f6: {  	s12 =	simm.s32 $0x1;
	v19 =	vnsel vm15, $0x0, v40;
	v62 =	vnsel vm14, $0x0, v40;
	v29 =	vadd.f32 v21, v41  }
0x2f7: {  	s3 =	sand.u32 $0x4000, s28;
	v63 =	vmov s12;
	v33 =	vadd.f32 v20, v62;
	v35 =	vadd.f32 v1, v19  }
0x2f8: {  	s31 =	sand.u32 $0x380, s28;
	s13 =	sadd.s32 s26, s3;
	v37 =	vmul.f32 v17, v29;
	v1 =	vshrl.u32 v63, $0x3;
	v38 =	vmul.f32 v0, v30  }
0x2f9: {  	s30 =	sor.u32 s31, s13;
	v40 =	vmul.u32 $0x2800, v1;
	v39 =	vmul.f32 v2, v33;
	v41 =	vmul.f32 v15, v35  }
0x2fa: {  	s4 =	simm.s32 $0x2;
	s3 =	simm.s32 $0x0;
	s0 =	simm.s32 $0x0;
	v36 =	vld.idx.msk [tilespmem:v27+s30+$0xA000 ss:$0x1], $0xffff;
	v42 =	vshll.u32 v63, $0x7  }
.LBB2_9:
0x2fb: {  	p0 =	sne.s32 s4, $0xF;
	v0 =	vadd.s32 v25, v40;
	v1 =	vadd.f32 v38, v37;
	v2 =	vadd.f32 v41, v39  }
0x2fc: {  	v15 =	vand.u32 $0x380, v42;
	v17 =	vadd.s32 v32, v0  }
0x2fd: {  	v19 =	vadd.s32 v31, v0;
	v17 =	vor.u32 v15, v17;
	v1 =	vadd.f32 v2, v1  }
0x2fe: {  	v2 =	vor.u32 v15, v19;
	v19 =	vadd.s32 v28, v0  }
0x2ff: {  	v0 =	vadd.s32 v34, v0;
	v19 =	vor.u32 v15, v19;
	v1 =	vadd.f32 v1, v36  }
0x300: {  	v0 =	vor.u32 v15, v0  }
0x301: {  	[tilespmem:v27+s30+$0x12000 ss:$0x1] =	vst.idx.msk $0xffff, v1  }
0x302: {  	v1 =	vld.idx.msk [tilespmem:v17+s6+$0x0], $0xffff  }
0x303: {  	v2 =	vld.idx.msk [tilespmem:v2+s6+$0x0], $0xffff  }
0x304: {  	v15 =	vld.idx.msk [tilespmem:v19+s6+$0x0], $0xffff  }
0x305: {  	v0 =	vld.idx.msk [tilespmem:v0+s6+$0x0], $0xffff;
	_ =	sdelay $0x1  }
0x306: {  	s3 =	sadd.s32 $0x800, s3  }
.Ltmp2:
0x307: {  	s0 =	sadd.s32 $0x80, s0;
	s12 =	sand.u32 $0x4000, s3;
	(pc) =	sbr.rel @p0 .LBB2_9-.Ltmp2, $4  }
0x308: {  	s13 =	sand.u32 $0x380, s0;
	s12 =	sadd.s32 s26, s12;
	v17 =	vmov s4  }
0x309: {  	s30 =	sor.u32 s13, s12;
	v19 =	vshrl.u32 v17, $0x3;
	v37 =	vmul.f32 v1, v29;
	v38 =	vmul.f32 v2, v30  }
0x30a: {  	v40 =	vmul.u32 $0x2800, v19;
	v39 =	vmul.f32 v15, v33;
	v41 =	vmul.f32 v0, v35;
	v36 =	vld.idx.msk [tilespmem:v27+s30+$0xA000 ss:$0x1], $0xffff  }
0x30b: {  	s4 =	sadd.s32 $0x1, s4;
	v42 =	vshll.u32 v17, $0x7  }
0x30c: {  	v0 =	vadd.s32 v25, v40;
	v1 =	vadd.f32 v38, v37;
	v2 =	vadd.f32 v41, v39  }
0x30d: {  	v15 =	vand.u32 $0x380, v42;
	v17 =	vadd.s32 v32, v0  }
0x30e: {  	v19 =	vadd.s32 v31, v0;
	v17 =	vor.u32 v15, v17;
	v1 =	vadd.f32 v2, v1  }
0x30f: {  	v2 =	vor.u32 v15, v19;
	v19 =	vadd.s32 v28, v0  }
0x310: {  	v0 =	vadd.s32 v34, v0;
	v19 =	vor.u32 v15, v19;
	v1 =	vadd.f32 v1, v36  }
0x311: {  	v0 =	vor.u32 v15, v0  }
0x312: {  	[tilespmem:v27+s30+$0x12000 ss:$0x1] =	vst.idx.msk $0xffff, v1  }
0x313: {  	v1 =	vld.idx.msk [tilespmem:v17+s6+$0x0], $0xffff  }
0x314: {  	v2 =	vld.idx.msk [tilespmem:v2+s6+$0x0], $0xffff  }
0x315: {  	v15 =	vld.idx.msk [tilespmem:v19+s6+$0x0], $0xffff  }
0x316: {  	v0 =	vld.idx.msk [tilespmem:v0+s6+$0x0], $0xffff;
	_ =	sdelay $0x1  }
0x317: {  	s3 =	sadd.s32 $0x800, s3  }
0x318: {  	s0 =	sadd.s32 $0x80, s0;
	s3 =	sand.u32 $0x4000, s3  }
0x319: {  	s0 =	sand.u32 $0x380, s0;
	s3 =	sadd.s32 s26, s3;
	v1 =	vmul.f32 v1, v29;
	v2 =	vmul.f32 v2, v30  }
0x31a: {  	s0 =	sor.u32 s0, s3;
	v15 =	vmul.f32 v15, v33;
	v0 =	vmul.f32 v0, v35  }
0x31b: {  	v17 =	vld.idx.msk [tilespmem:v27+s0+$0xA000 ss:$0x1], $0xffff  }
0x31c: {  	s29 =	sadd.s32 $0x1, s29;
	v1 =	vadd.f32 v2, v1;
	v0 =	vadd.f32 v0, v15  }
0x31d: {  	p0 =	sne.s32 s29, $0x8  }
.Ltmp3:
0x31e: {  	v0 =	vadd.f32 v0, v1;
	(pc) =	sbr.rel @p0 .LBB2_8-.Ltmp3, $3  }
0x31f: {  	_ = 	snop  }
0x320: {  	v0 =	vadd.f32 v0, v17;
	_ =	sdelay $0x1  }
0x321: {  	[tilespmem:v27+s0+$0x12000 ss:$0x1] =	vst.idx.msk $0xffff, v0  }
0x322: {  	s25 =	sadd.s32 $0x1, s25  }
0x323: {  	p0 =	sne.s32 s25, $0x10  }
.Ltmp4:
0x324: {  	_ = 	snop;
	(pc) =	sbr.rel @p0 .LBB2_5-.Ltmp4, $2  }
0x325: {  	_ =	sdelay $0x2  }
0x326: {  	v0 =	vimm.s32 $0x1;
	v1 =	vimm.s32 $0x0;
	v2 =	vimm.s32 $0x4  }
0x327: {  	s21 =	sadd.s32 $0x1, s21  }
0x328: {  	p0 =	sne.s32 s21, $0x8  }
.Ltmp5:
0x329: {  	s0 =	sadd.s32 s5, s22;
	(pc) =	sbr.rel @p0 .LBB2_2-.Ltmp5, $4  }
0x32a: {  	[hbm4b:s0+s14] =	stream.strided.scatter [tilespmem:s19], [sflag:$0x3], $0x8000, s15, s14, $0x38;
	[tilespmem:$0x1BA80] =	vst v63  }
0x32b: {  	_ =	swait.ge [sflag:s11], $0x8000  }
0x32c: {  	[sflag:s11] =	ssyncset.done $0x0  }
0x32d: {  	[sflag:s11] =	ssyncadd.s32 $0xFFFF8000  }
0x32e: {  	s20 =	sadd.s32 $0x1, s20  }
0x32f: {  	p0 =	sne.s32 s20, s9  }
.Ltmp6:
0x330: {  	_ = 	snop;
	(pc) =	sbr.rel @p0 .LBB2_1-.Ltmp6, $1  }
0x331: {  	_ =	sdelay $0x3  }
0x332: {  	_ =	sfence.sel $0x180000  }
0x333: {  	[bflag:$0x0] =	sbarrier.arrive $0xFFFF  }
0x334: {  	_ =	strace $0x90000047  }
0x335: {  	s0 =	stileid.u32;
	[bflag:$0x2] =	sbarrier.arrive $0xFFFF  }
0x336: {  	p0 =	sne.s32 s0, $0x0;
	s0 =	rddreg [dreg:$0x4]  }
0x337: {  	s0 =	sadd.s32 @!p0 $0x100000, s0  }
0x338: {  	[sflag:s0] =	ssyncadd.tile.s32 @!p0 $0x1;
	_ =	shalt  }
.Lfunc_end2:
_tile_overlayer_lowered:
.L_overlay_start_2:
0x339: {  	(tag) =	ssettag $0x2  }
0x33a: {  	s0 =	rddreg [dreg:$0x0];
	s2 =	stileid.u32  }
0x33b: {  	s1 =	rddreg [dreg:$0x1];
	p0 =	sne.s32 s2, $0x0  }
0x33c: {  	s3 =	rddreg [dreg:$0x2];
	[bflag:$0x3] =	sbarrier.arrive $0xFFFF;
	s2 =	simm.s32 @!p0 $0x1C03  }
0x33d: {  	[timem:s3], [sflag:s2] =	dma.local @!p0 [hbm:s0], s1  }
0x33e: {  	s0 =	simm.s32 @!p0 $0x3  }
0x33f: {  	_ =	swait.ge @!p0 [sflag:s0], s1  }
0x340: {  	s1 =	ssub.s32 @!p0 $0x0, s1;
	[sflag:s0] =	ssyncset.done @!p0 $0x0  }
0x341: {  	[sflag:s0] =	ssyncadd.s32 @!p0 s1  }
0x342: {  	[bflag:$0x3] =	sbarrier.arrive $0xFFFF  }
0x343: {  	_ =	shalt  }

</sc_bundles>
